<compile_context>
chip_gen: v7x
topology: tpu7x:2x2x1
jax: 0.10.2.dev20260603
libtpu: 0.0.44.dev20260713+nightly
codegen_flags: <defaults>
</compile_context>

<pallas_src>
import functools
import math

import jax
import jax.numpy as jnp
import numpy as np
from jax import lax
from jax.experimental import pallas as pl
from jax.experimental.pallas import tpu as pltpu
from jax.experimental.pallas import tpu_sc as plsc

_B = 16384
_NF = 26
_ED = 32
_B26 = _B * _NF
_NC = 2
_NS = 16
_NW = _NC * _NS
_PER_W = _B26 // _NW
_CHUNK = 128
_NBUF = 4
_NSTEP = _PER_W // (_CHUNK * _NBUF)
_OFFS = np.arange(_NF, dtype=np.int32) * 100000

_SC_PARAMS = pltpu.CompilerParams(use_tc_tiling_on_sc=False,
                                  needs_layout_passes=False)
_SC_MESH = dict(core_axis_name="c", subcore_axis_name="s")


@functools.partial(
    pl.kernel,
    out_type=jax.ShapeDtypeStruct((_B26, _ED), jnp.float32),
    mesh=plsc.VectorSubcoreMesh(**_SC_MESH),
    scratch_types=[
        pltpu.VMEM((_NBUF, _CHUNK), jnp.int32),
        pltpu.VMEM((_NBUF, _CHUNK, _ED), jnp.float32),
        pltpu.SemaphoreType.DMA((_NBUF,)),
    ],
    compiler_params=_SC_PARAMS,
)
def _sc_gather_emb(idx_hbm, etab, emb_out, idx_v, emb_v, sems):
    wid = lax.axis_index("s") * _NC + lax.axis_index("c")
    base = wid * _PER_W

    @pl.loop(0, _NSTEP)
    def step(g):
        pos0 = base + g * (_CHUNK * _NBUF)
        copies = []
        for b in range(_NBUF):
            pos = pos0 + b * _CHUNK
            pltpu.sync_copy(idx_hbm.at[pl.ds(pos, _CHUNK)], idx_v.at[b])
            copies.append(
                pltpu.async_copy(etab.at[idx_v.at[b]], emb_v.at[b], sems.at[b]))
        for b in range(_NBUF):
            pos = pos0 + b * _CHUNK
            copies[b].wait()
            pltpu.sync_copy(emb_v.at[b], emb_out.at[pl.ds(pos, _CHUNK)])


@functools.partial(
    pl.kernel,
    out_type=jax.ShapeDtypeStruct((_B26,), jnp.float32),
    mesh=plsc.VectorSubcoreMesh(**_SC_MESH),
    scratch_types=[
        pltpu.VMEM((_NBUF, _CHUNK), jnp.int32),
        pltpu.VMEM((_NBUF, _CHUNK), jnp.int32),
        pltpu.VMEM((_NBUF, _CHUNK, 16), jnp.float32),
        pltpu.VMEM((_NBUF, _CHUNK), jnp.float32),
        pltpu.SemaphoreType.DMA((_NBUF,)),
    ],
    compiler_params=_SC_PARAMS,
)
def _sc_gather_lin(idx_hbm, ltab16, lin_out,
                   idx16_v, lane_v, lrow_v, lin_v, sems):
    wid = lax.axis_index("s") * _NC + lax.axis_index("c")
    base = wid * _PER_W
    iota = lax.iota(jnp.int32, 16)

    @pl.loop(0, _NSTEP)
    def step(g):
        pos0 = base + g * (_CHUNK * _NBUF)
        copies = []
        for b in range(_NBUF):
            pos = pos0 + b * _CHUNK
            pltpu.sync_copy(idx_hbm.at[pl.ds(pos, _CHUNK)], idx16_v.at[b])
            for v in range(_CHUNK // 16):
                sl = pl.ds(v * 16, 16)
                ivec = idx16_v[b, sl]
                lane_v[b, sl] = lax.bitwise_and(ivec, 15)
                idx16_v[b, sl] = lax.shift_right_logical(ivec, 4)
            copies.append(
                pltpu.async_copy(ltab16.at[idx16_v.at[b]], lrow_v.at[b],
                                 sems.at[b]))
        for b in range(_NBUF):
            pos = pos0 + b * _CHUNK
            copies[b].wait()
            for v in range(_CHUNK // 16):
                sl = pl.ds(v * 16, 16)
                rows = iota + v * 16
                lin_v[b, sl] = plsc.load_gather(lrow_v.at[b],
                                                [rows, lane_v[b, sl]])
            pltpu.sync_copy(lin_v.at[b], lin_out.at[pl.ds(pos, _CHUNK)])


def _mlp_body(h_ref, lv_ref, w0, b0, w1, b1, w2, b2, wo, bo, out_ref):
    f32 = jnp.float32
    h = h_ref[...]
    h = jnp.maximum(jnp.dot(h, w0[...], preferred_element_type=f32) + b0[...], 0.0)
    h = jnp.maximum(jnp.dot(h, w1[...], preferred_element_type=f32) + b1[...], 0.0)
    h = jnp.maximum(jnp.dot(h, w2[...], preferred_element_type=f32) + b2[...], 0.0)
    o = jnp.maximum(jnp.dot(h, wo[...], preferred_element_type=f32) + bo[...], 0.0)
    out_ref[...] = o + jnp.sum(lv_ref[...], axis=1, keepdims=True)


def _mlp(h, lv, w0, b0, w1, b1, w2, b2, wo, bo, bc=2048):
    grid = (_B // bc,)
    full = lambda a: pl.BlockSpec(a.shape, lambda i: (0,) * a.ndim)
    return pl.pallas_call(
        _mlp_body,
        grid=grid,
        in_specs=[
            pl.BlockSpec((bc, h.shape[1]), lambda i: (i, 0)),
            pl.BlockSpec((bc, _NF), lambda i: (i, 0)),
            full(w0), full(b0), full(w1), full(b1),
            full(w2), full(b2), full(wo), full(bo),
        ],
        out_specs=pl.BlockSpec((bc, 1), lambda i: (i, 0)),
        out_shape=jax.ShapeDtypeStruct((_B, 1), jnp.float32),
    )(h, lv, w0, b0, w1, b1, w2, b2, wo, bo)


def kernel(x, embed_table, lin_table, lin_bias, W0, b0, g0, beta0,
           W1, b1, g1, beta1, W2, b2, g2, beta2, Wout, bout):
    idx = (x + _OFFS[None, :]).reshape(-1)
    ltab16 = lin_table.reshape(-1, 16)
    lin_flat = _sc_gather_lin(idx, ltab16)
    emb_flat = _sc_gather_emb(idx, embed_table)
    h = emb_flat.reshape(_B, _NF * _ED)
    lv = lin_flat.reshape(_B, _NF)

    c = 1.0 / math.sqrt(1.0 + 1e-5)
    s0, s1, s2 = g0 * c, g1 * c, g2 * c
    w0 = W0 * s0[None, :]
    w1 = W1 * s1[None, :]
    w2 = W2 * s2[None, :]
    bb0 = (b0 * s0 + beta0).reshape(1, -1)
    bb1 = (b1 * s1 + beta1).reshape(1, -1)
    bb2 = (b2 * s2 + beta2).reshape(1, -1)
    bo = (bout + lin_bias).reshape(1, 1)
    return _mlp(h, lv, w0, bb0, w1, bb1, w2, bb2, Wout, bo)

# --- scband reference (transcript-rebuilt; emitter-appended) ---
"""Pipeline reference for scband-wdl-63720134803663 (READ-ONLY COPY).

The authoritative reference and input builder live on the scoring server;
editing this copy changes nothing except your own understanding.
"""

import jax, jax.numpy as jnp
import numpy as np

B = 16384
N_FIELDS = 26
FEATURE_DIMS = [100000] * N_FIELDS
EMBED_DIM = 32
HIDDEN = [400, 400, 400]
TOTAL = sum(FEATURE_DIMS)
OFFSETS = np.concatenate([[0], np.cumsum(FEATURE_DIMS)[:-1]]).astype(np.int32)


def setup_inputs(seed: int = 0) -> dict:
    key = jax.random.key(seed)
    ks = jax.random.split(key, 24)
    inp = {}
    inp['x'] = jax.random.randint(ks[0], (B, N_FIELDS), 0, 100000, dtype=jnp.int32)
    inp['embed_table'] = jax.random.normal(ks[1], (TOTAL, EMBED_DIM), dtype=jnp.float32) * 0.01
    inp['lin_table'] = jax.random.normal(ks[2], (TOTAL, 1), dtype=jnp.float32) * 0.01
    inp['lin_bias'] = jnp.zeros((1,), dtype=jnp.float32)
    dims = [N_FIELDS * EMBED_DIM] + HIDDEN
    kidx = 3
    for i in range(len(HIDDEN)):
        fan_in = dims[i]
        inp[f'W{i}'] = jax.random.normal(ks[kidx], (dims[i], dims[i + 1]), dtype=jnp.float32) * (1.0 / np.sqrt(fan_in)); kidx += 1
        inp[f'b{i}'] = jnp.zeros((dims[i + 1],), dtype=jnp.float32)
        inp[f'g{i}'] = jnp.ones((dims[i + 1],), dtype=jnp.float32)
        inp[f'beta{i}'] = jnp.zeros((dims[i + 1],), dtype=jnp.float32)
    inp['Wout'] = jax.random.normal(ks[kidx], (HIDDEN[-1], 1), dtype=jnp.float32) * (1.0 / np.sqrt(HIDDEN[-1]))
    inp['bout'] = jnp.zeros((1,), dtype=jnp.float32)
    return inp


def reference(x, embed_table, lin_table, lin_bias, W0, b0, g0, beta0, W1, b1, g1, beta1, W2, b2, g2, beta2, Wout, bout):
    # FeaturesEmbedding: per-field offsets into one big table
    idx = x + jnp.asarray(OFFSETS)[None, :]
    emb = jnp.take(embed_table, idx, axis=0)  # [B, n_fields, embed_dim]
    # FeaturesLinear: wide part, sum of per-field 1-d embeddings + bias
    lin = jnp.sum(jnp.take(lin_table, idx, axis=0), axis=1) + lin_bias  # [B, 1]
    # Deep part: MLP with BatchNorm (eval mode: running stats mean=0, var=1), ReLU
    h = emb.reshape(emb.shape[0], -1)
    eps = 1e-5
    for W, b, g, be in ((W0, b0, g0, beta0), (W1, b1, g1, beta1), (W2, b2, g2, beta2)):
        h = h @ W + b
        h = (h / jnp.sqrt(1.0 + eps)) * g + be
        h = jax.nn.relu(h)
    out = h @ Wout + bout
    out = jax.nn.relu(out)
    return lin + out

if __name__ == "__main__":
    import jax
    _d = setup_inputs()
    print(jax.jit(kernel)(*tuple(_d.values())))

</pallas_src>

<mosaic_0001>
#map = affine_map<(d0, d1) -> (0)>
#map1 = affine_map<(d0, d1) -> (0, 0)>
module attributes {stable_mosaic.version = 14 : i64} {
  func.func @_sc_gather_emb(%arg0: i32, %arg1: i32, %arg2: memref<425984xi32, #tpu.memory_space<hbm>>, %arg3: memref<2600000x32xf32, #tpu.memory_space<hbm>>, %arg4: memref<425984x32xf32, #tpu.memory_space<hbm>>, %arg5: memref<4x128xi32, #tpu.memory_space<vmem>>, %arg6: memref<4x128x32xf32, #tpu.memory_space<vmem>>, %arg7: memref<4x!tpu.dma_semaphore, #tpu.memory_space<semaphore_mem>>) attributes {dimension_semantics = [#tpu.dimension_semantics<core_parallel>, #tpu.dimension_semantics<subcore_parallel>], iteration_bounds = array<i64: 2, 16>, scalar_prefetch = 0 : i64, scratch_operands = 3 : i64, tpu.core_type = #tpu.core_type<sc_vector_subcore>, window_params = [{transform_indices = #map}, {transform_indices = #map1}, {transform_indices = #map1}]} {
    %mul3A = arith.constant 2 : i32
    %mul3A_0 = arith.muli %arg1, %mul3A : i32
    %add3A = arith.addi %mul3A_0, %arg0 : i32
    %mul3A_1 = arith.constant 13312 : i32
    %mul3A_2 = arith.muli %add3A, %mul3A_1 : i32
    %scan3A = arith.constant 0 : i32
    %scan3A_3 = arith.constant 26 : i32
    %scan3A_4 = arith.addi %scan3A, %scan3A_3 : i32
    %scan3A_5 = arith.constant 1 : i32
    scf.for %scan3A_7 = %scan3A to %scan3A_4 step %scan3A_5  : i32 {
      %mul3A_8 = arith.constant 1 : i32
      %mul3A_9 = arith.muli %scan3A_7, %mul3A_8 : i32
      %add3A_10 = arith.constant 0 : i32
      %add3A_11 = arith.addi %add3A_10, %mul3A_9 : i32
      %mul3A_12 = arith.constant 512 : i32
      %mul3A_13 = arith.muli %add3A_11, %mul3A_12 : i32
      %add3A_14 = arith.addi %mul3A_2, %mul3A_13 : i32
      %add3A_15 = arith.constant 0 : i32
      %add3A_16 = arith.addi %add3A_14, %add3A_15 : i32
      %run_scoped3A = arith.constant 0 : i32
      "tpu.region"() ({
        %run_scoped3A_156 = tpu.sem_alloc : memref<!tpu.dma_semaphore, #tpu.memory_space<semaphore_mem>>
        %dma_start3A_157 = arith.constant 0 : i32
        %dma_start3A_158 = tpu.memref_slice %arg5[%run_scoped3A, %dma_start3A_157] : memref<4x128xi32, #tpu.memory_space<vmem>> -> memref<1x128xi32, #tpu.memory_space<vmem>>
        %dma_start3A_159 = tpu.memref_squeeze %dma_start3A_158 : memref<1x128xi32, #tpu.memory_space<vmem>> -> memref<128xi32, #tpu.memory_space<vmem>>
        %dma_start3A_160 = tpu.memref_slice %arg2[%add3A_16] : memref<425984xi32, #tpu.memory_space<hbm>> -> memref<128xi32, #tpu.memory_space<hbm>>
        %dma_start3A_161 = arith.constant 0 : i32
        %dma_start3A_162 = tpu.memref_slice %arg5[%run_scoped3A, %dma_start3A_161] : memref<4x128xi32, #tpu.memory_space<vmem>> -> memref<1x128xi32, #tpu.memory_space<vmem>>
        %dma_start3A_163 = tpu.memref_squeeze %dma_start3A_162 : memref<1x128xi32, #tpu.memory_space<vmem>> -> memref<128xi32, #tpu.memory_space<vmem>>
        %dma_start3A_164 = tpu.memref_slice %arg2[%add3A_16] : memref<425984xi32, #tpu.memory_space<hbm>> -> memref<128xi32, #tpu.memory_space<hbm>>
        tpu.enqueue_dma source(%dma_start3A_164 : memref<128xi32, #tpu.memory_space<hbm>>) target(%dma_start3A_163 : memref<128xi32, #tpu.memory_space<vmem>>) target_semaphore(%run_scoped3A_156 : memref<!tpu.dma_semaphore, #tpu.memory_space<semaphore_mem>>)
        %dma_wait3A_165 = arith.constant 0 : i32
        %dma_wait3A_166 = tpu.memref_slice %arg5[%run_scoped3A, %dma_wait3A_165] : memref<4x128xi32, #tpu.memory_space<vmem>> -> memref<1x128xi32, #tpu.memory_space<vmem>>
        %dma_wait3A_167 = tpu.memref_squeeze %dma_wait3A_166 : memref<1x128xi32, #tpu.memory_space<vmem>> -> memref<128xi32, #tpu.memory_space<vmem>>
        %dma_wait3A_168 = tpu.memref_slice %arg2[%add3A_16] : memref<425984xi32, #tpu.memory_space<hbm>> -> memref<128xi32, #tpu.memory_space<hbm>>
        %dma_wait3A_169 = arith.constant 0 : i32
        %dma_wait3A_170 = tpu.memref_slice %arg5[%run_scoped3A, %dma_wait3A_169] : memref<4x128xi32, #tpu.memory_space<vmem>> -> memref<1x128xi32, #tpu.memory_space<vmem>>
        %dma_wait3A_171 = tpu.memref_squeeze %dma_wait3A_170 : memref<1x128xi32, #tpu.memory_space<vmem>> -> memref<128xi32, #tpu.memory_space<vmem>>
        %dma_wait3A_172 = tpu.memref_slice %arg2[%add3A_16] : memref<425984xi32, #tpu.memory_space<hbm>> -> memref<128xi32, #tpu.memory_space<hbm>>
        tpu.wait_dma2 semaphore(%run_scoped3A_156 : memref<!tpu.dma_semaphore, #tpu.memory_space<semaphore_mem>>) src(%dma_wait3A_172 : memref<128xi32, #tpu.memory_space<hbm>>) dst(%dma_wait3A_171 : memref<128xi32, #tpu.memory_space<vmem>>)
        tpu.yield
      }) : () -> ()
      %dma_start3A = arith.constant 0 : i32
      %dma_start3A_17 = arith.constant 0 : i32
      %dma_start3A_18 = arith.constant 0 : i32
      %dma_start3A_19 = arith.constant 0 : i32
      %dma_start3A_20 = arith.constant 0 : i32
      %dma_start3A_21 = tpu.memref_slice %arg6[%dma_start3A_17, %dma_start3A_19, %dma_start3A_20] : memref<4x128x32xf32, #tpu.memory_space<vmem>> -> memref<1x128x32xf32, #tpu.memory_space<vmem>>
      %dma_start3A_22 = tpu.memref_squeeze %dma_start3A_21 : memref<1x128x32xf32, #tpu.memory_space<vmem>> -> memref<128x32xf32, #tpu.memory_space<vmem>>
      %dma_start3A_23 = arith.constant 0 : i32
      %dma_start3A_24 = tpu.memref_slice %arg5[%dma_start3A, %dma_start3A_23] : memref<4x128xi32, #tpu.memory_space<vmem>> -> memref<1x128xi32, #tpu.memory_space<vmem>>
      %dma_start3A_25 = tpu.memref_squeeze %dma_start3A_24 : memref<1x128xi32, #tpu.memory_space<vmem>> -> memref<128xi32, #tpu.memory_space<vmem>>
      %dma_start3A_26 = arith.constant 0 : i32
      %dma_start3A_27 = arith.constant 0 : i32
      %dma_start3A_28 = tpu.memref_slice %arg3[%dma_start3A_26, %dma_start3A_27] : memref<2600000x32xf32, #tpu.memory_space<hbm>> -> memref<2600000x32xf32, #tpu.memory_space<hbm>>
      %dma_start3A_29 = tpu.memref_slice %arg7[%dma_start3A_18] : memref<4x!tpu.dma_semaphore, #tpu.memory_space<semaphore_mem>> -> memref<1x!tpu.dma_semaphore, #tpu.memory_space<semaphore_mem>>
      %dma_start3A_30 = tpu.memref_squeeze %dma_start3A_29 : memref<1x!tpu.dma_semaphore, #tpu.memory_space<semaphore_mem>> -> memref<!tpu.dma_semaphore, #tpu.memory_space<semaphore_mem>>
      tpu.enqueue_indirect_dma source(%dma_start3A_28 : memref<2600000x32xf32, #tpu.memory_space<hbm>>) target(%dma_start3A_22 : memref<128x32xf32, #tpu.memory_space<vmem>>) offsets(%dma_start3A_25 : memref<128xi32, #tpu.memory_space<vmem>>) semaphore(%dma_start3A_30 : memref<!tpu.dma_semaphore, #tpu.memory_space<semaphore_mem>>)
      %add3A_31 = arith.constant 128 : i32
      %add3A_32 = arith.addi %add3A_14, %add3A_31 : i32
      %run_scoped3A_33 = arith.constant 1 : i32
      "tpu.region"() ({
        %run_scoped3A_156 = tpu.sem_alloc : memref<!tpu.dma_semaphore, #tpu.memory_space<semaphore_mem>>
        %dma_start3A_157 = arith.constant 0 : i32
        %dma_start3A_158 = tpu.memref_slice %arg5[%run_scoped3A_33, %dma_start3A_157] : memref<4x128xi32, #tpu.memory_space<vmem>> -> memref<1x128xi32, #tpu.memory_space<vmem>>
        %dma_start3A_159 = tpu.memref_squeeze %dma_start3A_158 : memref<1x128xi32, #tpu.memory_space<vmem>> -> memref<128xi32, #tpu.memory_space<vmem>>
        %dma_start3A_160 = tpu.memref_slice %arg2[%add3A_32] : memref<425984xi32, #tpu.memory_space<hbm>> -> memref<128xi32, #tpu.memory_space<hbm>>
        %dma_start3A_161 = arith.constant 0 : i32
        %dma_start3A_162 = tpu.memref_slice %arg5[%run_scoped3A_33, %dma_start3A_161] : memref<4x128xi32, #tpu.memory_space<vmem>> -> memref<1x128xi32, #tpu.memory_space<vmem>>
        %dma_start3A_163 = tpu.memref_squeeze %dma_start3A_162 : memref<1x128xi32, #tpu.memory_space<vmem>> -> memref<128xi32, #tpu.memory_space<vmem>>
        %dma_start3A_164 = tpu.memref_slice %arg2[%add3A_32] : memref<425984xi32, #tpu.memory_space<hbm>> -> memref<128xi32, #tpu.memory_space<hbm>>
        tpu.enqueue_dma source(%dma_start3A_164 : memref<128xi32, #tpu.memory_space<hbm>>) target(%dma_start3A_163 : memref<128xi32, #tpu.memory_space<vmem>>) target_semaphore(%run_scoped3A_156 : memref<!tpu.dma_semaphore, #tpu.memory_space<semaphore_mem>>)
        %dma_wait3A_165 = arith.constant 0 : i32
        %dma_wait3A_166 = tpu.memref_slice %arg5[%run_scoped3A_33, %dma_wait3A_165] : memref<4x128xi32, #tpu.memory_space<vmem>> -> memref<1x128xi32, #tpu.memory_space<vmem>>
        %dma_wait3A_167 = tpu.memref_squeeze %dma_wait3A_166 : memref<1x128xi32, #tpu.memory_space<vmem>> -> memref<128xi32, #tpu.memory_space<vmem>>
        %dma_wait3A_168 = tpu.memref_slice %arg2[%add3A_32] : memref<425984xi32, #tpu.memory_space<hbm>> -> memref<128xi32, #tpu.memory_space<hbm>>
        %dma_wait3A_169 = arith.constant 0 : i32
        %dma_wait3A_170 = tpu.memref_slice %arg5[%run_scoped3A_33, %dma_wait3A_169] : memref<4x128xi32, #tpu.memory_space<vmem>> -> memref<1x128xi32, #tpu.memory_space<vmem>>
        %dma_wait3A_171 = tpu.memref_squeeze %dma_wait3A_170 : memref<1x128xi32, #tpu.memory_space<vmem>> -> memref<128xi32, #tpu.memory_space<vmem>>
        %dma_wait3A_172 = tpu.memref_slice %arg2[%add3A_32] : memref<425984xi32, #tpu.memory_space<hbm>> -> memref<128xi32, #tpu.memory_space<hbm>>
        tpu.wait_dma2 semaphore(%run_scoped3A_156 : memref<!tpu.dma_semaphore, #tpu.memory_space<semaphore_mem>>) src(%dma_wait3A_172 : memref<128xi32, #tpu.memory_space<hbm>>) dst(%dma_wait3A_171 : memref<128xi32, #tpu.memory_space<vmem>>)
        tpu.yield
      }) : () -> ()
      %dma_start3A_34 = arith.constant 1 : i32
      %dma_start3A_35 = arith.constant 1 : i32
      %dma_start3A_36 = arith.constant 1 : i32
      %dma_start3A_37 = arith.constant 0 : i32
      %dma_start3A_38 = arith.constant 0 : i32
      %dma_start3A_39 = tpu.memref_slice %arg6[%dma_start3A_35, %dma_start3A_37, %dma_start3A_38] : memref<4x128x32xf32, #tpu.memory_space<vmem>> -> memref<1x128x32xf32, #tpu.memory_space<vmem>>
      %dma_start3A_40 = tpu.memref_squeeze %dma_start3A_39 : memref<1x128x32xf32, #tpu.memory_space<vmem>> -> memref<128x32xf32, #tpu.memory_space<vmem>>
      %dma_start3A_41 = arith.constant 0 : i32
      %dma_start3A_42 = tpu.memref_slice %arg5[%dma_start3A_34, %dma_start3A_41] : memref<4x128xi32, #tpu.memory_space<vmem>> -> memref<1x128xi32, #tpu.memory_space<vmem>>
      %dma_start3A_43 = tpu.memref_squeeze %dma_start3A_42 : memref<1x128xi32, #tpu.memory_space<vmem>> -> memref<128xi32, #tpu.memory_space<vmem>>
      %dma_start3A_44 = arith.constant 0 : i32
      %dma_start3A_45 = arith.constant 0 : i32
      %dma_start3A_46 = tpu.memref_slice %arg3[%dma_start3A_44, %dma_start3A_45] : memref<2600000x32xf32, #tpu.memory_space<hbm>> -> memref<2600000x32xf32, #tpu.memory_space<hbm>>
      %dma_start3A_47 = tpu.memref_slice %arg7[%dma_start3A_36] : memref<4x!tpu.dma_semaphore, #tpu.memory_space<semaphore_mem>> -> memref<1x!tpu.dma_semaphore, #tpu.memory_space<semaphore_mem>>
      %dma_start3A_48 = tpu.memref_squeeze %dma_start3A_47 : memref<1x!tpu.dma_semaphore, #tpu.memory_space<semaphore_mem>> -> memref<!tpu.dma_semaphore, #tpu.memory_space<semaphore_mem>>
      tpu.enqueue_indirect_dma source(%dma_start3A_46 : memref<2600000x32xf32, #tpu.memory_space<hbm>>) target(%dma_start3A_40 : memref<128x32xf32, #tpu.memory_space<vmem>>) offsets(%dma_start3A_43 : memref<128xi32, #tpu.memory_space<vmem>>) semaphore(%dma_start3A_48 : memref<!tpu.dma_semaphore, #tpu.memory_space<semaphore_mem>>)
      %add3A_49 = arith.constant 256 : i32
      %add3A_50 = arith.addi %add3A_14, %add3A_49 : i32
      %run_scoped3A_51 = arith.constant 2 : i32
      "tpu.region"() ({
        %run_scoped3A_156 = tpu.sem_alloc : memref<!tpu.dma_semaphore, #tpu.memory_space<semaphore_mem>>
        %dma_start3A_157 = arith.constant 0 : i32
        %dma_start3A_158 = tpu.memref_slice %arg5[%run_scoped3A_51, %dma_start3A_157] : memref<4x128xi32, #tpu.memory_space<vmem>> -> memref<1x128xi32, #tpu.memory_space<vmem>>
        %dma_start3A_159 = tpu.memref_squeeze %dma_start3A_158 : memref<1x128xi32, #tpu.memory_space<vmem>> -> memref<128xi32, #tpu.memory_space<vmem>>
        %dma_start3A_160 = tpu.memref_slice %arg2[%add3A_50] : memref<425984xi32, #tpu.memory_space<hbm>> -> memref<128xi32, #tpu.memory_space<hbm>>
        %dma_start3A_161 = arith.constant 0 : i32
        %dma_start3A_162 = tpu.memref_slice %arg5[%run_scoped3A_51, %dma_start3A_161] : memref<4x128xi32, #tpu.memory_space<vmem>> -> memref<1x128xi32, #tpu.memory_space<vmem>>
        %dma_start3A_163 = tpu.memref_squeeze %dma_start3A_162 : memref<1x128xi32, #tpu.memory_space<vmem>> -> memref<128xi32, #tpu.memory_space<vmem>>
        %dma_start3A_164 = tpu.memref_slice %arg2[%add3A_50] : memref<425984xi32, #tpu.memory_space<hbm>> -> memref<128xi32, #tpu.memory_space<hbm>>
        tpu.enqueue_dma source(%dma_start3A_164 : memref<128xi32, #tpu.memory_space<hbm>>) target(%dma_start3A_163 : memref<128xi32, #tpu.memory_space<vmem>>) target_semaphore(%run_scoped3A_156 : memref<!tpu.dma_semaphore, #tpu.memory_space<semaphore_mem>>)
        %dma_wait3A_165 = arith.constant 0 : i32
        %dma_wait3A_166 = tpu.memref_slice %arg5[%run_scoped3A_51, %dma_wait3A_165] : memref<4x128xi32, #tpu.memory_space<vmem>> -> memref<1x128xi32, #tpu.memory_space<vmem>>
        %dma_wait3A_167 = tpu.memref_squeeze %dma_wait3A_166 : memref<1x128xi32, #tpu.memory_space<vmem>> -> memref<128xi32, #tpu.memory_space<vmem>>
        %dma_wait3A_168 = tpu.memref_slice %arg2[%add3A_50] : memref<425984xi32, #tpu.memory_space<hbm>> -> memref<128xi32, #tpu.memory_space<hbm>>
        %dma_wait3A_169 = arith.constant 0 : i32
        %dma_wait3A_170 = tpu.memref_slice %arg5[%run_scoped3A_51, %dma_wait3A_169] : memref<4x128xi32, #tpu.memory_space<vmem>> -> memref<1x128xi32, #tpu.memory_space<vmem>>
        %dma_wait3A_171 = tpu.memref_squeeze %dma_wait3A_170 : memref<1x128xi32, #tpu.memory_space<vmem>> -> memref<128xi32, #tpu.memory_space<vmem>>
        %dma_wait3A_172 = tpu.memref_slice %arg2[%add3A_50] : memref<425984xi32, #tpu.memory_space<hbm>> -> memref<128xi32, #tpu.memory_space<hbm>>
        tpu.wait_dma2 semaphore(%run_scoped3A_156 : memref<!tpu.dma_semaphore, #tpu.memory_space<semaphore_mem>>) src(%dma_wait3A_172 : memref<128xi32, #tpu.memory_space<hbm>>) dst(%dma_wait3A_171 : memref<128xi32, #tpu.memory_space<vmem>>)
        tpu.yield
      }) : () -> ()
      %dma_start3A_52 = arith.constant 2 : i32
      %dma_start3A_53 = arith.constant 2 : i32
      %dma_start3A_54 = arith.constant 2 : i32
      %dma_start3A_55 = arith.constant 0 : i32
      %dma_start3A_56 = arith.constant 0 : i32
      %dma_start3A_57 = tpu.memref_slice %arg6[%dma_start3A_53, %dma_start3A_55, %dma_start3A_56] : memref<4x128x32xf32, #tpu.memory_space<vmem>> -> memref<1x128x32xf32, #tpu.memory_space<vmem>>
      %dma_start3A_58 = tpu.memref_squeeze %dma_start3A_57 : memref<1x128x32xf32, #tpu.memory_space<vmem>> -> memref<128x32xf32, #tpu.memory_space<vmem>>
      %dma_start3A_59 = arith.constant 0 : i32
      %dma_start3A_60 = tpu.memref_slice %arg5[%dma_start3A_52, %dma_start3A_59] : memref<4x128xi32, #tpu.memory_space<vmem>> -> memref<1x128xi32, #tpu.memory_space<vmem>>
      %dma_start3A_61 = tpu.memref_squeeze %dma_start3A_60 : memref<1x128xi32, #tpu.memory_space<vmem>> -> memref<128xi32, #tpu.memory_space<vmem>>
      %dma_start3A_62 = arith.constant 0 : i32
      %dma_start3A_63 = arith.constant 0 : i32
      %dma_start3A_64 = tpu.memref_slice %arg3[%dma_start3A_62, %dma_start3A_63] : memref<2600000x32xf32, #tpu.memory_space<hbm>> -> memref<2600000x32xf32, #tpu.memory_space<hbm>>
      %dma_start3A_65 = tpu.memref_slice %arg7[%dma_start3A_54] : memref<4x!tpu.dma_semaphore, #tpu.memory_space<semaphore_mem>> -> memref<1x!tpu.dma_semaphore, #tpu.memory_space<semaphore_mem>>
      %dma_start3A_66 = tpu.memref_squeeze %dma_start3A_65 : memref<1x!tpu.dma_semaphore, #tpu.memory_space<semaphore_mem>> -> memref<!tpu.dma_semaphore, #tpu.memory_space<semaphore_mem>>
      tpu.enqueue_indirect_dma source(%dma_start3A_64 : memref<2600000x32xf32, #tpu.memory_space<hbm>>) target(%dma_start3A_58 : memref<128x32xf32, #tpu.memory_space<vmem>>) offsets(%dma_start3A_61 : memref<128xi32, #tpu.memory_space<vmem>>) semaphore(%dma_start3A_66 : memref<!tpu.dma_semaphore, #tpu.memory_space<semaphore_mem>>)
      %add3A_67 = arith.constant 384 : i32
      %add3A_68 = arith.addi %add3A_14, %add3A_67 : i32
      %run_scoped3A_69 = arith.constant 3 : i32
      "tpu.region"() ({
        %run_scoped3A_156 = tpu.sem_alloc : memref<!tpu.dma_semaphore, #tpu.memory_space<semaphore_mem>>
        %dma_start3A_157 = arith.constant 0 : i32
        %dma_start3A_158 = tpu.memref_slice %arg5[%run_scoped3A_69, %dma_start3A_157] : memref<4x128xi32, #tpu.memory_space<vmem>> -> memref<1x128xi32, #tpu.memory_space<vmem>>
        %dma_start3A_159 = tpu.memref_squeeze %dma_start3A_158 : memref<1x128xi32, #tpu.memory_space<vmem>> -> memref<128xi32, #tpu.memory_space<vmem>>
        %dma_start3A_160 = tpu.memref_slice %arg2[%add3A_68] : memref<425984xi32, #tpu.memory_space<hbm>> -> memref<128xi32, #tpu.memory_space<hbm>>
        %dma_start3A_161 = arith.constant 0 : i32
        %dma_start3A_162 = tpu.memref_slice %arg5[%run_scoped3A_69, %dma_start3A_161] : memref<4x128xi32, #tpu.memory_space<vmem>> -> memref<1x128xi32, #tpu.memory_space<vmem>>
        %dma_start3A_163 = tpu.memref_squeeze %dma_start3A_162 : memref<1x128xi32, #tpu.memory_space<vmem>> -> memref<128xi32, #tpu.memory_space<vmem>>
        %dma_start3A_164 = tpu.memref_slice %arg2[%add3A_68] : memref<425984xi32, #tpu.memory_space<hbm>> -> memref<128xi32, #tpu.memory_space<hbm>>
        tpu.enqueue_dma source(%dma_start3A_164 : memref<128xi32, #tpu.memory_space<hbm>>) target(%dma_start3A_163 : memref<128xi32, #tpu.memory_space<vmem>>) target_semaphore(%run_scoped3A_156 : memref<!tpu.dma_semaphore, #tpu.memory_space<semaphore_mem>>)
        %dma_wait3A_165 = arith.constant 0 : i32
        %dma_wait3A_166 = tpu.memref_slice %arg5[%run_scoped3A_69, %dma_wait3A_165] : memref<4x128xi32, #tpu.memory_space<vmem>> -> memref<1x128xi32, #tpu.memory_space<vmem>>
        %dma_wait3A_167 = tpu.memref_squeeze %dma_wait3A_166 : memref<1x128xi32, #tpu.memory_space<vmem>> -> memref<128xi32, #tpu.memory_space<vmem>>
        %dma_wait3A_168 = tpu.memref_slice %arg2[%add3A_68] : memref<425984xi32, #tpu.memory_space<hbm>> -> memref<128xi32, #tpu.memory_space<hbm>>
        %dma_wait3A_169 = arith.constant 0 : i32
        %dma_wait3A_170 = tpu.memref_slice %arg5[%run_scoped3A_69, %dma_wait3A_169] : memref<4x128xi32, #tpu.memory_space<vmem>> -> memref<1x128xi32, #tpu.memory_space<vmem>>
        %dma_wait3A_171 = tpu.memref_squeeze %dma_wait3A_170 : memref<1x128xi32, #tpu.memory_space<vmem>> -> memref<128xi32, #tpu.memory_space<vmem>>
        %dma_wait3A_172 = tpu.memref_slice %arg2[%add3A_68] : memref<425984xi32, #tpu.memory_space<hbm>> -> memref<128xi32, #tpu.memory_space<hbm>>
        tpu.wait_dma2 semaphore(%run_scoped3A_156 : memref<!tpu.dma_semaphore, #tpu.memory_space<semaphore_mem>>) src(%dma_wait3A_172 : memref<128xi32, #tpu.memory_space<hbm>>) dst(%dma_wait3A_171 : memref<128xi32, #tpu.memory_space<vmem>>)
        tpu.yield
      }) : () -> ()
      %dma_start3A_70 = arith.constant 3 : i32
      %dma_start3A_71 = arith.constant 3 : i32
      %dma_start3A_72 = arith.constant 3 : i32
      %dma_start3A_73 = arith.constant 0 : i32
      %dma_start3A_74 = arith.constant 0 : i32
      %dma_start3A_75 = tpu.memref_slice %arg6[%dma_start3A_71, %dma_start3A_73, %dma_start3A_74] : memref<4x128x32xf32, #tpu.memory_space<vmem>> -> memref<1x128x32xf32, #tpu.memory_space<vmem>>
      %dma_start3A_76 = tpu.memref_squeeze %dma_start3A_75 : memref<1x128x32xf32, #tpu.memory_space<vmem>> -> memref<128x32xf32, #tpu.memory_space<vmem>>
      %dma_start3A_77 = arith.constant 0 : i32
      %dma_start3A_78 = tpu.memref_slice %arg5[%dma_start3A_70, %dma_start3A_77] : memref<4x128xi32, #tpu.memory_space<vmem>> -> memref<1x128xi32, #tpu.memory_space<vmem>>
      %dma_start3A_79 = tpu.memref_squeeze %dma_start3A_78 : memref<1x128xi32, #tpu.memory_space<vmem>> -> memref<128xi32, #tpu.memory_space<vmem>>
      %dma_start3A_80 = arith.constant 0 : i32
      %dma_start3A_81 = arith.constant 0 : i32
      %dma_start3A_82 = tpu.memref_slice %arg3[%dma_start3A_80, %dma_start3A_81] : memref<2600000x32xf32, #tpu.memory_space<hbm>> -> memref<2600000x32xf32, #tpu.memory_space<hbm>>
      %dma_start3A_83 = tpu.memref_slice %arg7[%dma_start3A_72] : memref<4x!tpu.dma_semaphore, #tpu.memory_space<semaphore_mem>> -> memref<1x!tpu.dma_semaphore, #tpu.memory_space<semaphore_mem>>
      %dma_start3A_84 = tpu.memref_squeeze %dma_start3A_83 : memref<1x!tpu.dma_semaphore, #tpu.memory_space<semaphore_mem>> -> memref<!tpu.dma_semaphore, #tpu.memory_space<semaphore_mem>>
      tpu.enqueue_indirect_dma source(%dma_start3A_82 : memref<2600000x32xf32, #tpu.memory_space<hbm>>) target(%dma_start3A_76 : memref<128x32xf32, #tpu.memory_space<vmem>>) offsets(%dma_start3A_79 : memref<128xi32, #tpu.memory_space<vmem>>) semaphore(%dma_start3A_84 : memref<!tpu.dma_semaphore, #tpu.memory_space<semaphore_mem>>)
      %add3A_85 = arith.constant 0 : i32
      %add3A_86 = arith.addi %add3A_14, %add3A_85 : i32
      %dma_wait3A = arith.constant 0 : i32
      %dma_wait3A_87 = arith.constant 0 : i32
      %dma_wait3A_88 = arith.constant 0 : i32
      %dma_wait3A_89 = arith.constant 0 : i32
      %dma_wait3A_90 = arith.constant 0 : i32
      %dma_wait3A_91 = tpu.memref_slice %arg6[%dma_wait3A_87, %dma_wait3A_89, %dma_wait3A_90] : memref<4x128x32xf32, #tpu.memory_space<vmem>> -> memref<1x128x32xf32, #tpu.memory_space<vmem>>
      %dma_wait3A_92 = tpu.memref_squeeze %dma_wait3A_91 : memref<1x128x32xf32, #tpu.memory_space<vmem>> -> memref<128x32xf32, #tpu.memory_space<vmem>>
      %dma_wait3A_93 = arith.constant 0 : i32
      %dma_wait3A_94 = tpu.memref_slice %arg5[%dma_wait3A, %dma_wait3A_93] : memref<4x128xi32, #tpu.memory_space<vmem>> -> memref<1x128xi32, #tpu.memory_space<vmem>>
      %dma_wait3A_95 = tpu.memref_squeeze %dma_wait3A_94 : memref<1x128xi32, #tpu.memory_space<vmem>> -> memref<128xi32, #tpu.memory_space<vmem>>
      %dma_wait3A_96 = arith.constant 0 : i32
      %dma_wait3A_97 = arith.constant 0 : i32
      %dma_wait3A_98 = tpu.memref_slice %arg3[%dma_wait3A_96, %dma_wait3A_97] : memref<2600000x32xf32, #tpu.memory_space<hbm>> -> memref<2600000x32xf32, #tpu.memory_space<hbm>>
      %dma_wait3A_99 = tpu.memref_slice %arg7[%dma_wait3A_88] : memref<4x!tpu.dma_semaphore, #tpu.memory_space<semaphore_mem>> -> memref<1x!tpu.dma_semaphore, #tpu.memory_space<semaphore_mem>>
      %dma_wait3A_100 = tpu.memref_squeeze %dma_wait3A_99 : memref<1x!tpu.dma_semaphore, #tpu.memory_space<semaphore_mem>> -> memref<!tpu.dma_semaphore, #tpu.memory_space<semaphore_mem>>
      tpu.wait_indirect_dma semaphore(%dma_wait3A_100 : memref<!tpu.dma_semaphore, #tpu.memory_space<semaphore_mem>>) src(%dma_wait3A_98 : memref<2600000x32xf32, #tpu.memory_space<hbm>>) dst(%dma_wait3A_92 : memref<128x32xf32, #tpu.memory_space<vmem>>)
      %run_scoped3A_101 = arith.constant 0 : i32
      "tpu.region"() ({
        %run_scoped3A_156 = tpu.sem_alloc : memref<!tpu.dma_semaphore, #tpu.memory_space<semaphore_mem>>
        %dma_start3A_157 = arith.constant 0 : i32
        %dma_start3A_158 = arith.constant 0 : i32
        %dma_start3A_159 = tpu.memref_slice %arg6[%run_scoped3A_101, %dma_start3A_157, %dma_start3A_158] : memref<4x128x32xf32, #tpu.memory_space<vmem>> -> memref<1x128x32xf32, #tpu.memory_space<vmem>>
        %dma_start3A_160 = tpu.memref_squeeze %dma_start3A_159 : memref<1x128x32xf32, #tpu.memory_space<vmem>> -> memref<128x32xf32, #tpu.memory_space<vmem>>
        %dma_start3A_161 = arith.constant 0 : i32
        %dma_start3A_162 = tpu.memref_slice %arg4[%add3A_86, %dma_start3A_161] : memref<425984x32xf32, #tpu.memory_space<hbm>> -> memref<128x32xf32, #tpu.memory_space<hbm>>
        %dma_start3A_163 = arith.constant 0 : i32
        %dma_start3A_164 = tpu.memref_slice %arg4[%add3A_86, %dma_start3A_163] : memref<425984x32xf32, #tpu.memory_space<hbm>> -> memref<128x32xf32, #tpu.memory_space<hbm>>
        %dma_start3A_165 = arith.constant 0 : i32
        %dma_start3A_166 = arith.constant 0 : i32
        %dma_start3A_167 = tpu.memref_slice %arg6[%run_scoped3A_101, %dma_start3A_165, %dma_start3A_166] : memref<4x128x32xf32, #tpu.memory_space<vmem>> -> memref<1x128x32xf32, #tpu.memory_space<vmem>>
        %dma_start3A_168 = tpu.memref_squeeze %dma_start3A_167 : memref<1x128x32xf32, #tpu.memory_space<vmem>> -> memref<128x32xf32, #tpu.memory_space<vmem>>
        tpu.enqueue_dma source(%dma_start3A_168 : memref<128x32xf32, #tpu.memory_space<vmem>>) target(%dma_start3A_164 : memref<128x32xf32, #tpu.memory_space<hbm>>) target_semaphore(%run_scoped3A_156 : memref<!tpu.dma_semaphore, #tpu.memory_space<semaphore_mem>>)
        %dma_wait3A_169 = arith.constant 0 : i32
        %dma_wait3A_170 = arith.constant 0 : i32
        %dma_wait3A_171 = tpu.memref_slice %arg6[%run_scoped3A_101, %dma_wait3A_169, %dma_wait3A_170] : memref<4x128x32xf32, #tpu.memory_space<vmem>> -> memref<1x128x32xf32, #tpu.memory_space<vmem>>
        %dma_wait3A_172 = tpu.memref_squeeze %dma_wait3A_171 : memref<1x128x32xf32, #tpu.memory_space<vmem>> -> memref<128x32xf32, #tpu.memory_space<vmem>>
        %dma_wait3A_173 = arith.constant 0 : i32
        %dma_wait3A_174 = tpu.memref_slice %arg4[%add3A_86, %dma_wait3A_173] : memref<425984x32xf32, #tpu.memory_space<hbm>> -> memref<128x32xf32, #tpu.memory_space<hbm>>
        %dma_wait3A_175 = arith.constant 0 : i32
        %dma_wait3A_176 = tpu.memref_slice %arg4[%add3A_86, %dma_wait3A_175] : memref<425984x32xf32, #tpu.memory_space<hbm>> -> memref<128x32xf32, #tpu.memory_space<hbm>>
        %dma_wait3A_177 = arith.constant 0 : i32
        %dma_wait3A_178 = arith.constant 0 : i32
        %dma_wait3A_179 = tpu.memref_slice %arg6[%run_scoped3A_101, %dma_wait3A_177, %dma_wait3A_178] : memref<4x128x32xf32, #tpu.memory_space<vmem>> -> memref<1x128x32xf32, #tpu.memory_space<vmem>>
        %dma_wait3A_180 = tpu.memref_squeeze %dma_wait3A_179 : memref<1x128x32xf32, #tpu.memory_space<vmem>> -> memref<128x32xf32, #tpu.memory_space<vmem>>
        tpu.wait_dma2 semaphore(%run_scoped3A_156 : memref<!tpu.dma_semaphore, #tpu.memory_space<semaphore_mem>>) src(%dma_wait3A_180 : memref<128x32xf32, #tpu.memory_space<vmem>>) dst(%dma_wait3A_176 : memref<128x32xf32, #tpu.memory_space<hbm>>)
        tpu.yield
      }) : () -> ()
      %add3A_102 = arith.constant 128 : i32
      %add3A_103 = arith.addi %add3A_14, %add3A_102 : i32
      %dma_wait3A_104 = arith.constant 1 : i32
      %dma_wait3A_105 = arith.constant 1 : i32
      %dma_wait3A_106 = arith.constant 1 : i32
      %dma_wait3A_107 = arith.constant 0 : i32
      %dma_wait3A_108 = arith.constant 0 : i32
      %dma_wait3A_109 = tpu.memref_slice %arg6[%dma_wait3A_105, %dma_wait3A_107, %dma_wait3A_108] : memref<4x128x32xf32, #tpu.memory_space<vmem>> -> memref<1x128x32xf32, #tpu.memory_space<vmem>>
      %dma_wait3A_110 = tpu.memref_squeeze %dma_wait3A_109 : memref<1x128x32xf32, #tpu.memory_space<vmem>> -> memref<128x32xf32, #tpu.memory_space<vmem>>
      %dma_wait3A_111 = arith.constant 0 : i32
      %dma_wait3A_112 = tpu.memref_slice %arg5[%dma_wait3A_104, %dma_wait3A_111] : memref<4x128xi32, #tpu.memory_space<vmem>> -> memref<1x128xi32, #tpu.memory_space<vmem>>
      %dma_wait3A_113 = tpu.memref_squeeze %dma_wait3A_112 : memref<1x128xi32, #tpu.memory_space<vmem>> -> memref<128xi32, #tpu.memory_space<vmem>>
      %dma_wait3A_114 = arith.constant 0 : i32
      %dma_wait3A_115 = arith.constant 0 : i32
      %dma_wait3A_116 = tpu.memref_slice %arg3[%dma_wait3A_114, %dma_wait3A_115] : memref<2600000x32xf32, #tpu.memory_space<hbm>> -> memref<2600000x32xf32, #tpu.memory_space<hbm>>
      %dma_wait3A_117 = tpu.memref_slice %arg7[%dma_wait3A_106] : memref<4x!tpu.dma_semaphore, #tpu.memory_space<semaphore_mem>> -> memref<1x!tpu.dma_semaphore, #tpu.memory_space<semaphore_mem>>
      %dma_wait3A_118 = tpu.memref_squeeze %dma_wait3A_117 : memref<1x!tpu.dma_semaphore, #tpu.memory_space<semaphore_mem>> -> memref<!tpu.dma_semaphore, #tpu.memory_space<semaphore_mem>>
      tpu.wait_indirect_dma semaphore(%dma_wait3A_118 : memref<!tpu.dma_semaphore, #tpu.memory_space<semaphore_mem>>) src(%dma_wait3A_116 : memref<2600000x32xf32, #tpu.memory_space<hbm>>) dst(%dma_wait3A_110 : memref<128x32xf32, #tpu.memory_space<vmem>>)
      %run_scoped3A_119 = arith.constant 1 : i32
      "tpu.region"() ({
        %run_scoped3A_156 = tpu.sem_alloc : memref<!tpu.dma_semaphore, #tpu.memory_space<semaphore_mem>>
        %dma_start3A_157 = arith.constant 0 : i32
        %dma_start3A_158 = arith.constant 0 : i32
        %dma_start3A_159 = tpu.memref_slice %arg6[%run_scoped3A_119, %dma_start3A_157, %dma_start3A_158] : memref<4x128x32xf32, #tpu.memory_space<vmem>> -> memref<1x128x32xf32, #tpu.memory_space<vmem>>
        %dma_start3A_160 = tpu.memref_squeeze %dma_start3A_159 : memref<1x128x32xf32, #tpu.memory_space<vmem>> -> memref<128x32xf32, #tpu.memory_space<vmem>>
        %dma_start3A_161 = arith.constant 0 : i32
        %dma_start3A_162 = tpu.memref_slice %arg4[%add3A_103, %dma_start3A_161] : memref<425984x32xf32, #tpu.memory_space<hbm>> -> memref<128x32xf32, #tpu.memory_space<hbm>>
        %dma_start3A_163 = arith.constant 0 : i32
        %dma_start3A_164 = tpu.memref_slice %arg4[%add3A_103, %dma_start3A_163] : memref<425984x32xf32, #tpu.memory_space<hbm>> -> memref<128x32xf32, #tpu.memory_space<hbm>>
        %dma_start3A_165 = arith.constant 0 : i32
        %dma_start3A_166 = arith.constant 0 : i32
        %dma_start3A_167 = tpu.memref_slice %arg6[%run_scoped3A_119, %dma_start3A_165, %dma_start3A_166] : memref<4x128x32xf32, #tpu.memory_space<vmem>> -> memref<1x128x32xf32, #tpu.memory_space<vmem>>
        %dma_start3A_168 = tpu.memref_squeeze %dma_start3A_167 : memref<1x128x32xf32, #tpu.memory_space<vmem>> -> memref<128x32xf32, #tpu.memory_space<vmem>>
        tpu.enqueue_dma source(%dma_start3A_168 : memref<128x32xf32, #tpu.memory_space<vmem>>) target(%dma_start3A_164 : memref<128x32xf32, #tpu.memory_space<hbm>>) target_semaphore(%run_scoped3A_156 : memref<!tpu.dma_semaphore, #tpu.memory_space<semaphore_mem>>)
        %dma_wait3A_169 = arith.constant 0 : i32
        %dma_wait3A_170 = arith.constant 0 : i32
        %dma_wait3A_171 = tpu.memref_slice %arg6[%run_scoped3A_119, %dma_wait3A_169, %dma_wait3A_170] : memref<4x128x32xf32, #tpu.memory_space<vmem>> -> memref<1x128x32xf32, #tpu.memory_space<vmem>>
        %dma_wait3A_172 = tpu.memref_squeeze %dma_wait3A_171 : memref<1x128x32xf32, #tpu.memory_space<vmem>> -> memref<128x32xf32, #tpu.memory_space<vmem>>
        %dma_wait3A_173 = arith.constant 0 : i32
        %dma_wait3A_174 = tpu.memref_slice %arg4[%add3A_103, %dma_wait3A_173] : memref<425984x32xf32, #tpu.memory_space<hbm>> -> memref<128x32xf32, #tpu.memory_space<hbm>>
        %dma_wait3A_175 = arith.constant 0 : i32
        %dma_wait3A_176 = tpu.memref_slice %arg4[%add3A_103, %dma_wait3A_175] : memref<425984x32xf32, #tpu.memory_space<hbm>> -> memref<128x32xf32, #tpu.memory_space<hbm>>
        %dma_wait3A_177 = arith.constant 0 : i32
        %dma_wait3A_178 = arith.constant 0 : i32
        %dma_wait3A_179 = tpu.memref_slice %arg6[%run_scoped3A_119, %dma_wait3A_177, %dma_wait3A_178] : memref<4x128x32xf32, #tpu.memory_space<vmem>> -> memref<1x128x32xf32, #tpu.memory_space<vmem>>
        %dma_wait3A_180 = tpu.memref_squeeze %dma_wait3A_179 : memref<1x128x32xf32, #tpu.memory_space<vmem>> -> memref<128x32xf32, #tpu.memory_space<vmem>>
        tpu.wait_dma2 semaphore(%run_scoped3A_156 : memref<!tpu.dma_semaphore, #tpu.memory_space<semaphore_mem>>) src(%dma_wait3A_180 : memref<128x32xf32, #tpu.memory_space<vmem>>) dst(%dma_wait3A_176 : memref<128x32xf32, #tpu.memory_space<hbm>>)
        tpu.yield
      }) : () -> ()
      %add3A_120 = arith.constant 256 : i32
      %add3A_121 = arith.addi %add3A_14, %add3A_120 : i32
      %dma_wait3A_122 = arith.constant 2 : i32
      %dma_wait3A_123 = arith.constant 2 : i32
      %dma_wait3A_124 = arith.constant 2 : i32
      %dma_wait3A_125 = arith.constant 0 : i32
      %dma_wait3A_126 = arith.constant 0 : i32
      %dma_wait3A_127 = tpu.memref_slice %arg6[%dma_wait3A_123, %dma_wait3A_125, %dma_wait3A_126] : memref<4x128x32xf32, #tpu.memory_space<vmem>> -> memref<1x128x32xf32, #tpu.memory_space<vmem>>
      %dma_wait3A_128 = tpu.memref_squeeze %dma_wait3A_127 : memref<1x128x32xf32, #tpu.memory_space<vmem>> -> memref<128x32xf32, #tpu.memory_space<vmem>>
      %dma_wait3A_129 = arith.constant 0 : i32
      %dma_wait3A_130 = tpu.memref_slice %arg5[%dma_wait3A_122, %dma_wait3A_129] : memref<4x128xi32, #tpu.memory_space<vmem>> -> memref<1x128xi32, #tpu.memory_space<vmem>>
      %dma_wait3A_131 = tpu.memref_squeeze %dma_wait3A_130 : memref<1x128xi32, #tpu.memory_space<vmem>> -> memref<128xi32, #tpu.memory_space<vmem>>
      %dma_wait3A_132 = arith.constant 0 : i32
      %dma_wait3A_133 = arith.constant 0 : i32
      %dma_wait3A_134 = tpu.memref_slice %arg3[%dma_wait3A_132, %dma_wait3A_133] : memref<2600000x32xf32, #tpu.memory_space<hbm>> -> memref<2600000x32xf32, #tpu.memory_space<hbm>>
      %dma_wait3A_135 = tpu.memref_slice %arg7[%dma_wait3A_124] : memref<4x!tpu.dma_semaphore, #tpu.memory_space<semaphore_mem>> -> memref<1x!tpu.dma_semaphore, #tpu.memory_space<semaphore_mem>>
      %dma_wait3A_136 = tpu.memref_squeeze %dma_wait3A_135 : memref<1x!tpu.dma_semaphore, #tpu.memory_space<semaphore_mem>> -> memref<!tpu.dma_semaphore, #tpu.memory_space<semaphore_mem>>
      tpu.wait_indirect_dma semaphore(%dma_wait3A_136 : memref<!tpu.dma_semaphore, #tpu.memory_space<semaphore_mem>>) src(%dma_wait3A_134 : memref<2600000x32xf32, #tpu.memory_space<hbm>>) dst(%dma_wait3A_128 : memref<128x32xf32, #tpu.memory_space<vmem>>)
      %run_scoped3A_137 = arith.constant 2 : i32
      "tpu.region"() ({
        %run_scoped3A_156 = tpu.sem_alloc : memref<!tpu.dma_semaphore, #tpu.memory_space<semaphore_mem>>
        %dma_start3A_157 = arith.constant 0 : i32
        %dma_start3A_158 = arith.constant 0 : i32
        %dma_start3A_159 = tpu.memref_slice %arg6[%run_scoped3A_137, %dma_start3A_157, %dma_start3A_158] : memref<4x128x32xf32, #tpu.memory_space<vmem>> -> memref<1x128x32xf32, #tpu.memory_space<vmem>>
        %dma_start3A_160 = tpu.memref_squeeze %dma_start3A_159 : memref<1x128x32xf32, #tpu.memory_space<vmem>> -> memref<128x32xf32, #tpu.memory_space<vmem>>
        %dma_start3A_161 = arith.constant 0 : i32
        %dma_start3A_162 = tpu.memref_slice %arg4[%add3A_121, %dma_start3A_161] : memref<425984x32xf32, #tpu.memory_space<hbm>> -> memref<128x32xf32, #tpu.memory_space<hbm>>
        %dma_start3A_163 = arith.constant 0 : i32
        %dma_start3A_164 = tpu.memref_slice %arg4[%add3A_121, %dma_start3A_163] : memref<425984x32xf32, #tpu.memory_space<hbm>> -> memref<128x32xf32, #tpu.memory_space<hbm>>
        %dma_start3A_165 = arith.constant 0 : i32
        %dma_start3A_166 = arith.constant 0 : i32
        %dma_start3A_167 = tpu.memref_slice %arg6[%run_scoped3A_137, %dma_start3A_165, %dma_start3A_166] : memref<4x128x32xf32, #tpu.memory_space<vmem>> -> memref<1x128x32xf32, #tpu.memory_space<vmem>>
        %dma_start3A_168 = tpu.memref_squeeze %dma_start3A_167 : memref<1x128x32xf32, #tpu.memory_space<vmem>> -> memref<128x32xf32, #tpu.memory_space<vmem>>
        tpu.enqueue_dma source(%dma_start3A_168 : memref<128x32xf32, #tpu.memory_space<vmem>>) target(%dma_start3A_164 : memref<128x32xf32, #tpu.memory_space<hbm>>) target_semaphore(%run_scoped3A_156 : memref<!tpu.dma_semaphore, #tpu.memory_space<semaphore_mem>>)
        %dma_wait3A_169 = arith.constant 0 : i32
        %dma_wait3A_170 = arith.constant 0 : i32
        %dma_wait3A_171 = tpu.memref_slice %arg6[%run_scoped3A_137, %dma_wait3A_169, %dma_wait3A_170] : memref<4x128x32xf32, #tpu.memory_space<vmem>> -> memref<1x128x32xf32, #tpu.memory_space<vmem>>
        %dma_wait3A_172 = tpu.memref_squeeze %dma_wait3A_171 : memref<1x128x32xf32, #tpu.memory_space<vmem>> -> memref<128x32xf32, #tpu.memory_space<vmem>>
        %dma_wait3A_173 = arith.constant 0 : i32
        %dma_wait3A_174 = tpu.memref_slice %arg4[%add3A_121, %dma_wait3A_173] : memref<425984x32xf32, #tpu.memory_space<hbm>> -> memref<128x32xf32, #tpu.memory_space<hbm>>
        %dma_wait3A_175 = arith.constant 0 : i32
        %dma_wait3A_176 = tpu.memref_slice %arg4[%add3A_121, %dma_wait3A_175] : memref<425984x32xf32, #tpu.memory_space<hbm>> -> memref<128x32xf32, #tpu.memory_space<hbm>>
        %dma_wait3A_177 = arith.constant 0 : i32
        %dma_wait3A_178 = arith.constant 0 : i32
        %dma_wait3A_179 = tpu.memref_slice %arg6[%run_scoped3A_137, %dma_wait3A_177, %dma_wait3A_178] : memref<4x128x32xf32, #tpu.memory_space<vmem>> -> memref<1x128x32xf32, #tpu.memory_space<vmem>>
        %dma_wait3A_180 = tpu.memref_squeeze %dma_wait3A_179 : memref<1x128x32xf32, #tpu.memory_space<vmem>> -> memref<128x32xf32, #tpu.memory_space<vmem>>
        tpu.wait_dma2 semaphore(%run_scoped3A_156 : memref<!tpu.dma_semaphore, #tpu.memory_space<semaphore_mem>>) src(%dma_wait3A_180 : memref<128x32xf32, #tpu.memory_space<vmem>>) dst(%dma_wait3A_176 : memref<128x32xf32, #tpu.memory_space<hbm>>)
        tpu.yield
      }) : () -> ()
      %add3A_138 = arith.constant 384 : i32
      %add3A_139 = arith.addi %add3A_14, %add3A_138 : i32
      %dma_wait3A_140 = arith.constant 3 : i32
      %dma_wait3A_141 = arith.constant 3 : i32
      %dma_wait3A_142 = arith.constant 3 : i32
      %dma_wait3A_143 = arith.constant 0 : i32
      %dma_wait3A_144 = arith.constant 0 : i32
      %dma_wait3A_145 = tpu.memref_slice %arg6[%dma_wait3A_141, %dma_wait3A_143, %dma_wait3A_144] : memref<4x128x32xf32, #tpu.memory_space<vmem>> -> memref<1x128x32xf32, #tpu.memory_space<vmem>>
      %dma_wait3A_146 = tpu.memref_squeeze %dma_wait3A_145 : memref<1x128x32xf32, #tpu.memory_space<vmem>> -> memref<128x32xf32, #tpu.memory_space<vmem>>
      %dma_wait3A_147 = arith.constant 0 : i32
      %dma_wait3A_148 = tpu.memref_slice %arg5[%dma_wait3A_140, %dma_wait3A_147] : memref<4x128xi32, #tpu.memory_space<vmem>> -> memref<1x128xi32, #tpu.memory_space<vmem>>
      %dma_wait3A_149 = tpu.memref_squeeze %dma_wait3A_148 : memref<1x128xi32, #tpu.memory_space<vmem>> -> memref<128xi32, #tpu.memory_space<vmem>>
      %dma_wait3A_150 = arith.constant 0 : i32
      %dma_wait3A_151 = arith.constant 0 : i32
      %dma_wait3A_152 = tpu.memref_slice %arg3[%dma_wait3A_150, %dma_wait3A_151] : memref<2600000x32xf32, #tpu.memory_space<hbm>> -> memref<2600000x32xf32, #tpu.memory_space<hbm>>
      %dma_wait3A_153 = tpu.memref_slice %arg7[%dma_wait3A_142] : memref<4x!tpu.dma_semaphore, #tpu.memory_space<semaphore_mem>> -> memref<1x!tpu.dma_semaphore, #tpu.memory_space<semaphore_mem>>
      %dma_wait3A_154 = tpu.memref_squeeze %dma_wait3A_153 : memref<1x!tpu.dma_semaphore, #tpu.memory_space<semaphore_mem>> -> memref<!tpu.dma_semaphore, #tpu.memory_space<semaphore_mem>>
      tpu.wait_indirect_dma semaphore(%dma_wait3A_154 : memref<!tpu.dma_semaphore, #tpu.memory_space<semaphore_mem>>) src(%dma_wait3A_152 : memref<2600000x32xf32, #tpu.memory_space<hbm>>) dst(%dma_wait3A_146 : memref<128x32xf32, #tpu.memory_space<vmem>>)
      %run_scoped3A_155 = arith.constant 3 : i32
      "tpu.region"() ({
        %run_scoped3A_156 = tpu.sem_alloc : memref<!tpu.dma_semaphore, #tpu.memory_space<semaphore_mem>>
        %dma_start3A_157 = arith.constant 0 : i32
        %dma_start3A_158 = arith.constant 0 : i32
        %dma_start3A_159 = tpu.memref_slice %arg6[%run_scoped3A_155, %dma_start3A_157, %dma_start3A_158] : memref<4x128x32xf32, #tpu.memory_space<vmem>> -> memref<1x128x32xf32, #tpu.memory_space<vmem>>
        %dma_start3A_160 = tpu.memref_squeeze %dma_start3A_159 : memref<1x128x32xf32, #tpu.memory_space<vmem>> -> memref<128x32xf32, #tpu.memory_space<vmem>>
        %dma_start3A_161 = arith.constant 0 : i32
        %dma_start3A_162 = tpu.memref_slice %arg4[%add3A_139, %dma_start3A_161] : memref<425984x32xf32, #tpu.memory_space<hbm>> -> memref<128x32xf32, #tpu.memory_space<hbm>>
        %dma_start3A_163 = arith.constant 0 : i32
        %dma_start3A_164 = tpu.memref_slice %arg4[%add3A_139, %dma_start3A_163] : memref<425984x32xf32, #tpu.memory_space<hbm>> -> memref<128x32xf32, #tpu.memory_space<hbm>>
        %dma_start3A_165 = arith.constant 0 : i32
        %dma_start3A_166 = arith.constant 0 : i32
        %dma_start3A_167 = tpu.memref_slice %arg6[%run_scoped3A_155, %dma_start3A_165, %dma_start3A_166] : memref<4x128x32xf32, #tpu.memory_space<vmem>> -> memref<1x128x32xf32, #tpu.memory_space<vmem>>
        %dma_start3A_168 = tpu.memref_squeeze %dma_start3A_167 : memref<1x128x32xf32, #tpu.memory_space<vmem>> -> memref<128x32xf32, #tpu.memory_space<vmem>>
        tpu.enqueue_dma source(%dma_start3A_168 : memref<128x32xf32, #tpu.memory_space<vmem>>) target(%dma_start3A_164 : memref<128x32xf32, #tpu.memory_space<hbm>>) target_semaphore(%run_scoped3A_156 : memref<!tpu.dma_semaphore, #tpu.memory_space<semaphore_mem>>)
        %dma_wait3A_169 = arith.constant 0 : i32
        %dma_wait3A_170 = arith.constant 0 : i32
        %dma_wait3A_171 = tpu.memref_slice %arg6[%run_scoped3A_155, %dma_wait3A_169, %dma_wait3A_170] : memref<4x128x32xf32, #tpu.memory_space<vmem>> -> memref<1x128x32xf32, #tpu.memory_space<vmem>>
        %dma_wait3A_172 = tpu.memref_squeeze %dma_wait3A_171 : memref<1x128x32xf32, #tpu.memory_space<vmem>> -> memref<128x32xf32, #tpu.memory_space<vmem>>
        %dma_wait3A_173 = arith.constant 0 : i32
        %dma_wait3A_174 = tpu.memref_slice %arg4[%add3A_139, %dma_wait3A_173] : memref<425984x32xf32, #tpu.memory_space<hbm>> -> memref<128x32xf32, #tpu.memory_space<hbm>>
        %dma_wait3A_175 = arith.constant 0 : i32
        %dma_wait3A_176 = tpu.memref_slice %arg4[%add3A_139, %dma_wait3A_175] : memref<425984x32xf32, #tpu.memory_space<hbm>> -> memref<128x32xf32, #tpu.memory_space<hbm>>
        %dma_wait3A_177 = arith.constant 0 : i32
        %dma_wait3A_178 = arith.constant 0 : i32
        %dma_wait3A_179 = tpu.memref_slice %arg6[%run_scoped3A_155, %dma_wait3A_177, %dma_wait3A_178] : memref<4x128x32xf32, #tpu.memory_space<vmem>> -> memref<1x128x32xf32, #tpu.memory_space<vmem>>
        %dma_wait3A_180 = tpu.memref_squeeze %dma_wait3A_179 : memref<1x128x32xf32, #tpu.memory_space<vmem>> -> memref<128x32xf32, #tpu.memory_space<vmem>>
        tpu.wait_dma2 semaphore(%run_scoped3A_156 : memref<!tpu.dma_semaphore, #tpu.memory_space<semaphore_mem>>) src(%dma_wait3A_180 : memref<128x32xf32, #tpu.memory_space<vmem>>) dst(%dma_wait3A_176 : memref<128x32xf32, #tpu.memory_space<hbm>>)
        tpu.yield
      }) : () -> ()
    }
    %scan3A_6 = arith.constant 26 : i32
    return
  }
}

#map = affine_map<(d0, d1) -> (0)>
#map1 = affine_map<(d0, d1) -> (0, 0)>
module attributes {stable_mosaic.version = 14 : i64} {
  func.func @_sc_gather_lin(%arg0: i32, %arg1: i32, %arg2: memref<425984xi32, #tpu.memory_space<hbm>>, %arg3: memref<162500x16xf32, #tpu.memory_space<hbm>>, %arg4: memref<425984xf32, #tpu.memory_space<hbm>>, %arg5: memref<4x128xi32, #tpu.memory_space<vmem>>, %arg6: memref<4x128xi32, #tpu.memory_space<vmem>>, %arg7: memref<4x128x16xf32, #tpu.memory_space<vmem>>, %arg8: memref<4x128xf32, #tpu.memory_space<vmem>>, %arg9: memref<4x!tpu.dma_semaphore, #tpu.memory_space<semaphore_mem>>) attributes {dimension_semantics = [#tpu.dimension_semantics<core_parallel>, #tpu.dimension_semantics<subcore_parallel>], iteration_bounds = array<i64: 2, 16>, scalar_prefetch = 0 : i64, scratch_operands = 5 : i64, tpu.core_type = #tpu.core_type<sc_vector_subcore>, window_params = [{transform_indices = #map}, {transform_indices = #map1}, {transform_indices = #map}]} {
    %mul3A = arith.constant 2 : i32
    %mul3A_0 = arith.muli %arg1, %mul3A : i32
    %add3A = arith.addi %mul3A_0, %arg0 : i32
    %mul3A_1 = arith.constant 13312 : i32
    %mul3A_2 = arith.muli %add3A, %mul3A_1 : i32
    %iota3A = tpu.iota {dimensions = array<i32: 0>} : vector<16xi32>
    %scan3A = arith.constant 0 : i32
    %scan3A_3 = arith.constant 26 : i32
    %scan3A_4 = arith.addi %scan3A, %scan3A_3 : i32
    %scan3A_5 = arith.constant 1 : i32
    scf.for %scan3A_7 = %scan3A to %scan3A_4 step %scan3A_5  : i32 {
      %mul3A_8 = arith.constant 1 : i32
      %mul3A_9 = arith.muli %scan3A_7, %mul3A_8 : i32
      %add3A_10 = arith.constant 0 : i32
      %add3A_11 = arith.addi %add3A_10, %mul3A_9 : i32
      %mul3A_12 = arith.constant 512 : i32
      %mul3A_13 = arith.muli %add3A_11, %mul3A_12 : i32
      %add3A_14 = arith.addi %mul3A_2, %mul3A_13 : i32
      %add3A_15 = arith.constant 0 : i32
      %add3A_16 = arith.addi %add3A_14, %add3A_15 : i32
      %run_scoped3A = arith.constant 0 : i32
      "tpu.region"() ({
        %run_scoped3A_1271 = tpu.sem_alloc : memref<!tpu.dma_semaphore, #tpu.memory_space<semaphore_mem>>
        %dma_start3A_1272 = arith.constant 0 : i32
        %dma_start3A_1273 = tpu.memref_slice %arg5[%run_scoped3A, %dma_start3A_1272] : memref<4x128xi32, #tpu.memory_space<vmem>> -> memref<1x128xi32, #tpu.memory_space<vmem>>
        %dma_start3A_1274 = tpu.memref_squeeze %dma_start3A_1273 : memref<1x128xi32, #tpu.memory_space<vmem>> -> memref<128xi32, #tpu.memory_space<vmem>>
        %dma_start3A_1275 = tpu.memref_slice %arg2[%add3A_16] : memref<425984xi32, #tpu.memory_space<hbm>> -> memref<128xi32, #tpu.memory_space<hbm>>
        %dma_start3A_1276 = arith.constant 0 : i32
        %dma_start3A_1277 = tpu.memref_slice %arg5[%run_scoped3A, %dma_start3A_1276] : memref<4x128xi32, #tpu.memory_space<vmem>> -> memref<1x128xi32, #tpu.memory_space<vmem>>
        %dma_start3A_1278 = tpu.memref_squeeze %dma_start3A_1277 : memref<1x128xi32, #tpu.memory_space<vmem>> -> memref<128xi32, #tpu.memory_space<vmem>>
        %dma_start3A_1279 = tpu.memref_slice %arg2[%add3A_16] : memref<425984xi32, #tpu.memory_space<hbm>> -> memref<128xi32, #tpu.memory_space<hbm>>
        tpu.enqueue_dma source(%dma_start3A_1279 : memref<128xi32, #tpu.memory_space<hbm>>) target(%dma_start3A_1278 : memref<128xi32, #tpu.memory_space<vmem>>) target_semaphore(%run_scoped3A_1271 : memref<!tpu.dma_semaphore, #tpu.memory_space<semaphore_mem>>)
        %dma_wait3A_1280 = arith.constant 0 : i32
        %dma_wait3A_1281 = tpu.memref_slice %arg5[%run_scoped3A, %dma_wait3A_1280] : memref<4x128xi32, #tpu.memory_space<vmem>> -> memref<1x128xi32, #tpu.memory_space<vmem>>
        %dma_wait3A_1282 = tpu.memref_squeeze %dma_wait3A_1281 : memref<1x128xi32, #tpu.memory_space<vmem>> -> memref<128xi32, #tpu.memory_space<vmem>>
        %dma_wait3A_1283 = tpu.memref_slice %arg2[%add3A_16] : memref<425984xi32, #tpu.memory_space<hbm>> -> memref<128xi32, #tpu.memory_space<hbm>>
        %dma_wait3A_1284 = arith.constant 0 : i32
        %dma_wait3A_1285 = tpu.memref_slice %arg5[%run_scoped3A, %dma_wait3A_1284] : memref<4x128xi32, #tpu.memory_space<vmem>> -> memref<1x128xi32, #tpu.memory_space<vmem>>
        %dma_wait3A_1286 = tpu.memref_squeeze %dma_wait3A_1285 : memref<1x128xi32, #tpu.memory_space<vmem>> -> memref<128xi32, #tpu.memory_space<vmem>>
        %dma_wait3A_1287 = tpu.memref_slice %arg2[%add3A_16] : memref<425984xi32, #tpu.memory_space<hbm>> -> memref<128xi32, #tpu.memory_space<hbm>>
        tpu.wait_dma2 semaphore(%run_scoped3A_1271 : memref<!tpu.dma_semaphore, #tpu.memory_space<semaphore_mem>>) src(%dma_wait3A_1287 : memref<128xi32, #tpu.memory_space<hbm>>) dst(%dma_wait3A_1286 : memref<128xi32, #tpu.memory_space<vmem>>)
        tpu.yield
      }) : () -> ()
      %get3A = arith.constant 0 : i32
      %get3A_17 = arith.index_cast %get3A : i32 to index
      %get3A_18 = arith.constant 0 : index
      %get3A_19 = tpu.vector_load %arg5[%get3A_17, %get3A_18] {strides = array<i32>} : memref<4x128xi32, #tpu.memory_space<vmem>>, vector<16xi32>,
      %and3A = arith.constant 15 : i32
      %and3A_20 = vector.broadcast %and3A : i32 to vector<16xi32>
      %and3A_21 = arith.andi %get3A_19, %and3A_20 : vector<16xi32>
      %swap3A = arith.constant 0 : i32
      %swap3A_22 = arith.index_cast %swap3A : i32 to index
      %swap3A_23 = arith.constant 0 : index
      %swap3A_24 = tpu.vector_load %arg6[%swap3A_22, %swap3A_23] {strides = array<i32>} : memref<4x128xi32, #tpu.memory_space<vmem>>, vector<16xi32>,
      tpu.vector_store %arg6[%swap3A_22, %swap3A_23], %and3A_21 {strides = array<i32>} : memref<4x128xi32, #tpu.memory_space<vmem>>, vector<16xi32>,
      %shift_right_logical3A = arith.constant 4 : i32
      %shift_right_logical3A_25 = vector.broadcast %shift_right_logical3A : i32 to vector<16xi32>
      %shift_right_logical3A_26 = arith.shrui %get3A_19, %shift_right_logical3A_25 : vector<16xi32>
      %swap3A_27 = arith.constant 0 : i32
      %swap3A_28 = arith.index_cast %swap3A_27 : i32 to index
      %swap3A_29 = arith.constant 0 : index
      %swap3A_30 = tpu.vector_load %arg5[%swap3A_28, %swap3A_29] {strides = array<i32>} : memref<4x128xi32, #tpu.memory_space<vmem>>, vector<16xi32>,
      tpu.vector_store %arg5[%swap3A_28, %swap3A_29], %shift_right_logical3A_26 {strides = array<i32>} : memref<4x128xi32, #tpu.memory_space<vmem>>, vector<16xi32>,
      %get3A_31 = arith.constant 0 : i32
      %get3A_32 = arith.index_cast %get3A_31 : i32 to index
      %get3A_33 = arith.constant 16 : index
      %get3A_34 = tpu.vector_load %arg5[%get3A_32, %get3A_33] {strides = array<i32>} : memref<4x128xi32, #tpu.memory_space<vmem>>, vector<16xi32>,
      %and3A_35 = arith.constant 15 : i32
      %and3A_36 = vector.broadcast %and3A_35 : i32 to vector<16xi32>
      %and3A_37 = arith.andi %get3A_34, %and3A_36 : vector<16xi32>
      %swap3A_38 = arith.constant 0 : i32
      %swap3A_39 = arith.index_cast %swap3A_38 : i32 to index
      %swap3A_40 = arith.constant 16 : index
      %swap3A_41 = tpu.vector_load %arg6[%swap3A_39, %swap3A_40] {strides = array<i32>} : memref<4x128xi32, #tpu.memory_space<vmem>>, vector<16xi32>,
      tpu.vector_store %arg6[%swap3A_39, %swap3A_40], %and3A_37 {strides = array<i32>} : memref<4x128xi32, #tpu.memory_space<vmem>>, vector<16xi32>,
      %shift_right_logical3A_42 = arith.constant 4 : i32
      %shift_right_logical3A_43 = vector.broadcast %shift_right_logical3A_42 : i32 to vector<16xi32>
      %shift_right_logical3A_44 = arith.shrui %get3A_34, %shift_right_logical3A_43 : vector<16xi32>
      %swap3A_45 = arith.constant 0 : i32
      %swap3A_46 = arith.index_cast %swap3A_45 : i32 to index
      %swap3A_47 = arith.constant 16 : index
      %swap3A_48 = tpu.vector_load %arg5[%swap3A_46, %swap3A_47] {strides = array<i32>} : memref<4x128xi32, #tpu.memory_space<vmem>>, vector<16xi32>,
      tpu.vector_store %arg5[%swap3A_46, %swap3A_47], %shift_right_logical3A_44 {strides = array<i32>} : memref<4x128xi32, #tpu.memory_space<vmem>>, vector<16xi32>,
      %get3A_49 = arith.constant 0 : i32
      %get3A_50 = arith.index_cast %get3A_49 : i32 to index
      %get3A_51 = arith.constant 32 : index
      %get3A_52 = tpu.vector_load %arg5[%get3A_50, %get3A_51] {strides = array<i32>} : memref<4x128xi32, #tpu.memory_space<vmem>>, vector<16xi32>,
      %and3A_53 = arith.constant 15 : i32
      %and3A_54 = vector.broadcast %and3A_53 : i32 to vector<16xi32>
      %and3A_55 = arith.andi %get3A_52, %and3A_54 : vector<16xi32>
      %swap3A_56 = arith.constant 0 : i32
      %swap3A_57 = arith.index_cast %swap3A_56 : i32 to index
      %swap3A_58 = arith.constant 32 : index
      %swap3A_59 = tpu.vector_load %arg6[%swap3A_57, %swap3A_58] {strides = array<i32>} : memref<4x128xi32, #tpu.memory_space<vmem>>, vector<16xi32>,
      tpu.vector_store %arg6[%swap3A_57, %swap3A_58], %and3A_55 {strides = array<i32>} : memref<4x128xi32, #tpu.memory_space<vmem>>, vector<16xi32>,
      %shift_right_logical3A_60 = arith.constant 4 : i32
      %shift_right_logical3A_61 = vector.broadcast %shift_right_logical3A_60 : i32 to vector<16xi32>
      %shift_right_logical3A_62 = arith.shrui %get3A_52, %shift_right_logical3A_61 : vector<16xi32>
      %swap3A_63 = arith.constant 0 : i32
      %swap3A_64 = arith.index_cast %swap3A_63 : i32 to index
      %swap3A_65 = arith.constant 32 : index
      %swap3A_66 = tpu.vector_load %arg5[%swap3A_64, %swap3A_65] {strides = array<i32>} : memref<4x128xi32, #tpu.memory_space<vmem>>, vector<16xi32>,
      tpu.vector_store %arg5[%swap3A_64, %swap3A_65], %shift_right_logical3A_62 {strides = array<i32>} : memref<4x128xi32, #tpu.memory_space<vmem>>, vector<16xi32>,
      %get3A_67 = arith.constant 0 : i32
      %get3A_68 = arith.index_cast %get3A_67 : i32 to index
      %get3A_69 = arith.constant 48 : index
      %get3A_70 = tpu.vector_load %arg5[%get3A_68, %get3A_69] {strides = array<i32>} : memref<4x128xi32, #tpu.memory_space<vmem>>, vector<16xi32>,
      %and3A_71 = arith.constant 15 : i32
      %and3A_72 = vector.broadcast %and3A_71 : i32 to vector<16xi32>
      %and3A_73 = arith.andi %get3A_70, %and3A_72 : vector<16xi32>
      %swap3A_74 = arith.constant 0 : i32
      %swap3A_75 = arith.index_cast %swap3A_74 : i32 to index
      %swap3A_76 = arith.constant 48 : index
      %swap3A_77 = tpu.vector_load %arg6[%swap3A_75, %swap3A_76] {strides = array<i32>} : memref<4x128xi32, #tpu.memory_space<vmem>>, vector<16xi32>,
      tpu.vector_store %arg6[%swap3A_75, %swap3A_76], %and3A_73 {strides = array<i32>} : memref<4x128xi32, #tpu.memory_space<vmem>>, vector<16xi32>,
      %shift_right_logical3A_78 = arith.constant 4 : i32
      %shift_right_logical3A_79 = vector.broadcast %shift_right_logical3A_78 : i32 to vector<16xi32>
      %shift_right_logical3A_80 = arith.shrui %get3A_70, %shift_right_logical3A_79 : vector<16xi32>
      %swap3A_81 = arith.constant 0 : i32
      %swap3A_82 = arith.index_cast %swap3A_81 : i32 to index
      %swap3A_83 = arith.constant 48 : index
      %swap3A_84 = tpu.vector_load %arg5[%swap3A_82, %swap3A_83] {strides = array<i32>} : memref<4x128xi32, #tpu.memory_space<vmem>>, vector<16xi32>,
      tpu.vector_store %arg5[%swap3A_82, %swap3A_83], %shift_right_logical3A_80 {strides = array<i32>} : memref<4x128xi32, #tpu.memory_space<vmem>>, vector<16xi32>,
      %get3A_85 = arith.constant 0 : i32
      %get3A_86 = arith.index_cast %get3A_85 : i32 to index
      %get3A_87 = arith.constant 64 : index
      %get3A_88 = tpu.vector_load %arg5[%get3A_86, %get3A_87] {strides = array<i32>} : memref<4x128xi32, #tpu.memory_space<vmem>>, vector<16xi32>,
      %and3A_89 = arith.constant 15 : i32
      %and3A_90 = vector.broadcast %and3A_89 : i32 to vector<16xi32>
      %and3A_91 = arith.andi %get3A_88, %and3A_90 : vector<16xi32>
      %swap3A_92 = arith.constant 0 : i32
      %swap3A_93 = arith.index_cast %swap3A_92 : i32 to index
      %swap3A_94 = arith.constant 64 : index
      %swap3A_95 = tpu.vector_load %arg6[%swap3A_93, %swap3A_94] {strides = array<i32>} : memref<4x128xi32, #tpu.memory_space<vmem>>, vector<16xi32>,
      tpu.vector_store %arg6[%swap3A_93, %swap3A_94], %and3A_91 {strides = array<i32>} : memref<4x128xi32, #tpu.memory_space<vmem>>, vector<16xi32>,
      %shift_right_logical3A_96 = arith.constant 4 : i32
      %shift_right_logical3A_97 = vector.broadcast %shift_right_logical3A_96 : i32 to vector<16xi32>
      %shift_right_logical3A_98 = arith.shrui %get3A_88, %shift_right_logical3A_97 : vector<16xi32>
      %swap3A_99 = arith.constant 0 : i32
      %swap3A_100 = arith.index_cast %swap3A_99 : i32 to index
      %swap3A_101 = arith.constant 64 : index
      %swap3A_102 = tpu.vector_load %arg5[%swap3A_100, %swap3A_101] {strides = array<i32>} : memref<4x128xi32, #tpu.memory_space<vmem>>, vector<16xi32>,
      tpu.vector_store %arg5[%swap3A_100, %swap3A_101], %shift_right_logical3A_98 {strides = array<i32>} : memref<4x128xi32, #tpu.memory_space<vmem>>, vector<16xi32>,
      %get3A_103 = arith.constant 0 : i32
      %get3A_104 = arith.index_cast %get3A_103 : i32 to index
      %get3A_105 = arith.constant 80 : index
      %get3A_106 = tpu.vector_load %arg5[%get3A_104, %get3A_105] {strides = array<i32>} : memref<4x128xi32, #tpu.memory_space<vmem>>, vector<16xi32>,
      %and3A_107 = arith.constant 15 : i32
      %and3A_108 = vector.broadcast %and3A_107 : i32 to vector<16xi32>
      %and3A_109 = arith.andi %get3A_106, %and3A_108 : vector<16xi32>
      %swap3A_110 = arith.constant 0 : i32
      %swap3A_111 = arith.index_cast %swap3A_110 : i32 to index
      %swap3A_112 = arith.constant 80 : index
      %swap3A_113 = tpu.vector_load %arg6[%swap3A_111, %swap3A_112] {strides = array<i32>} : memref<4x128xi32, #tpu.memory_space<vmem>>, vector<16xi32>,
      tpu.vector_store %arg6[%swap3A_111, %swap3A_112], %and3A_109 {strides = array<i32>} : memref<4x128xi32, #tpu.memory_space<vmem>>, vector<16xi32>,
      %shift_right_logical3A_114 = arith.constant 4 : i32
      %shift_right_logical3A_115 = vector.broadcast %shift_right_logical3A_114 : i32 to vector<16xi32>
      %shift_right_logical3A_116 = arith.shrui %get3A_106, %shift_right_logical3A_115 : vector<16xi32>
      %swap3A_117 = arith.constant 0 : i32
      %swap3A_118 = arith.index_cast %swap3A_117 : i32 to index
      %swap3A_119 = arith.constant 80 : index
      %swap3A_120 = tpu.vector_load %arg5[%swap3A_118, %swap3A_119] {strides = array<i32>} : memref<4x128xi32, #tpu.memory_space<vmem>>, vector<16xi32>,
      tpu.vector_store %arg5[%swap3A_118, %swap3A_119], %shift_right_logical3A_116 {strides = array<i32>} : memref<4x128xi32, #tpu.memory_space<vmem>>, vector<16xi32>,
      %get3A_121 = arith.constant 0 : i32
      %get3A_122 = arith.index_cast %get3A_121 : i32 to index
      %get3A_123 = arith.constant 96 : index
      %get3A_124 = tpu.vector_load %arg5[%get3A_122, %get3A_123] {strides = array<i32>} : memref<4x128xi32, #tpu.memory_space<vmem>>, vector<16xi32>,
      %and3A_125 = arith.constant 15 : i32
      %and3A_126 = vector.broadcast %and3A_125 : i32 to vector<16xi32>
      %and3A_127 = arith.andi %get3A_124, %and3A_126 : vector<16xi32>
      %swap3A_128 = arith.constant 0 : i32
      %swap3A_129 = arith.index_cast %swap3A_128 : i32 to index
      %swap3A_130 = arith.constant 96 : index
      %swap3A_131 = tpu.vector_load %arg6[%swap3A_129, %swap3A_130] {strides = array<i32>} : memref<4x128xi32, #tpu.memory_space<vmem>>, vector<16xi32>,
      tpu.vector_store %arg6[%swap3A_129, %swap3A_130], %and3A_127 {strides = array<i32>} : memref<4x128xi32, #tpu.memory_space<vmem>>, vector<16xi32>,
      %shift_right_logical3A_132 = arith.constant 4 : i32
      %shift_right_logical3A_133 = vector.broadcast %shift_right_logical3A_132 : i32 to vector<16xi32>
      %shift_right_logical3A_134 = arith.shrui %get3A_124, %shift_right_logical3A_133 : vector<16xi32>
      %swap3A_135 = arith.constant 0 : i32
      %swap3A_136 = arith.index_cast %swap3A_135 : i32 to index
      %swap3A_137 = arith.constant 96 : index
      %swap3A_138 = tpu.vector_load %arg5[%swap3A_136, %swap3A_137] {strides = array<i32>} : memref<4x128xi32, #tpu.memory_space<vmem>>, vector<16xi32>,
      tpu.vector_store %arg5[%swap3A_136, %swap3A_137], %shift_right_logical3A_134 {strides = array<i32>} : memref<4x128xi32, #tpu.memory_space<vmem>>, vector<16xi32>,
      %get3A_139 = arith.constant 0 : i32
      %get3A_140 = arith.index_cast %get3A_139 : i32 to index
      %get3A_141 = arith.constant 112 : index
      %get3A_142 = tpu.vector_load %arg5[%get3A_140, %get3A_141] {strides = array<i32>} : memref<4x128xi32, #tpu.memory_space<vmem>>, vector<16xi32>,
      %and3A_143 = arith.constant 15 : i32
      %and3A_144 = vector.broadcast %and3A_143 : i32 to vector<16xi32>
      %and3A_145 = arith.andi %get3A_142, %and3A_144 : vector<16xi32>
      %swap3A_146 = arith.constant 0 : i32
      %swap3A_147 = arith.index_cast %swap3A_146 : i32 to index
      %swap3A_148 = arith.constant 112 : index
      %swap3A_149 = tpu.vector_load %arg6[%swap3A_147, %swap3A_148] {strides = array<i32>} : memref<4x128xi32, #tpu.memory_space<vmem>>, vector<16xi32>,
      tpu.vector_store %arg6[%swap3A_147, %swap3A_148], %and3A_145 {strides = array<i32>} : memref<4x128xi32, #tpu.memory_space<vmem>>, vector<16xi32>,
      %shift_right_logical3A_150 = arith.constant 4 : i32
      %shift_right_logical3A_151 = vector.broadcast %shift_right_logical3A_150 : i32 to vector<16xi32>
      %shift_right_logical3A_152 = arith.shrui %get3A_142, %shift_right_logical3A_151 : vector<16xi32>
      %swap3A_153 = arith.constant 0 : i32
      %swap3A_154 = arith.index_cast %swap3A_153 : i32 to index
      %swap3A_155 = arith.constant 112 : index
      %swap3A_156 = tpu.vector_load %arg5[%swap3A_154, %swap3A_155] {strides = array<i32>} : memref<4x128xi32, #tpu.memory_space<vmem>>, vector<16xi32>,
      tpu.vector_store %arg5[%swap3A_154, %swap3A_155], %shift_right_logical3A_152 {strides = array<i32>} : memref<4x128xi32, #tpu.memory_space<vmem>>, vector<16xi32>,
      %dma_start3A = arith.constant 0 : i32
      %dma_start3A_157 = arith.constant 0 : i32
      %dma_start3A_158 = arith.constant 0 : i32
      %dma_start3A_159 = arith.constant 0 : i32
      %dma_start3A_160 = arith.constant 0 : i32
      %dma_start3A_161 = tpu.memref_slice %arg7[%dma_start3A_157, %dma_start3A_159, %dma_start3A_160] : memref<4x128x16xf32, #tpu.memory_space<vmem>> -> memref<1x128x16xf32, #tpu.memory_space<vmem>>
      %dma_start3A_162 = tpu.memref_squeeze %dma_start3A_161 : memref<1x128x16xf32, #tpu.memory_space<vmem>> -> memref<128x16xf32, #tpu.memory_space<vmem>>
      %dma_start3A_163 = arith.constant 0 : i32
      %dma_start3A_164 = tpu.memref_slice %arg5[%dma_start3A, %dma_start3A_163] : memref<4x128xi32, #tpu.memory_space<vmem>> -> memref<1x128xi32, #tpu.memory_space<vmem>>
      %dma_start3A_165 = tpu.memref_squeeze %dma_start3A_164 : memref<1x128xi32, #tpu.memory_space<vmem>> -> memref<128xi32, #tpu.memory_space<vmem>>
      %dma_start3A_166 = arith.constant 0 : i32
      %dma_start3A_167 = arith.constant 0 : i32
      %dma_start3A_168 = tpu.memref_slice %arg3[%dma_start3A_166, %dma_start3A_167] : memref<162500x16xf32, #tpu.memory_space<hbm>> -> memref<162500x16xf32, #tpu.memory_space<hbm>>
      %dma_start3A_169 = tpu.memref_slice %arg9[%dma_start3A_158] : memref<4x!tpu.dma_semaphore, #tpu.memory_space<semaphore_mem>> -> memref<1x!tpu.dma_semaphore, #tpu.memory_space<semaphore_mem>>
      %dma_start3A_170 = tpu.memref_squeeze %dma_start3A_169 : memref<1x!tpu.dma_semaphore, #tpu.memory_space<semaphore_mem>> -> memref<!tpu.dma_semaphore, #tpu.memory_space<semaphore_mem>>
      tpu.enqueue_indirect_dma source(%dma_start3A_168 : memref<162500x16xf32, #tpu.memory_space<hbm>>) target(%dma_start3A_162 : memref<128x16xf32, #tpu.memory_space<vmem>>) offsets(%dma_start3A_165 : memref<128xi32, #tpu.memory_space<vmem>>) semaphore(%dma_start3A_170 : memref<!tpu.dma_semaphore, #tpu.memory_space<semaphore_mem>>)
      %add3A_171 = arith.constant 128 : i32
      %add3A_172 = arith.addi %add3A_14, %add3A_171 : i32
      %run_scoped3A_173 = arith.constant 1 : i32
      "tpu.region"() ({
        %run_scoped3A_1271 = tpu.sem_alloc : memref<!tpu.dma_semaphore, #tpu.memory_space<semaphore_mem>>
        %dma_start3A_1272 = arith.constant 0 : i32
        %dma_start3A_1273 = tpu.memref_slice %arg5[%run_scoped3A_173, %dma_start3A_1272] : memref<4x128xi32, #tpu.memory_space<vmem>> -> memref<1x128xi32, #tpu.memory_space<vmem>>
        %dma_start3A_1274 = tpu.memref_squeeze %dma_start3A_1273 : memref<1x128xi32, #tpu.memory_space<vmem>> -> memref<128xi32, #tpu.memory_space<vmem>>
        %dma_start3A_1275 = tpu.memref_slice %arg2[%add3A_172] : memref<425984xi32, #tpu.memory_space<hbm>> -> memref<128xi32, #tpu.memory_space<hbm>>
        %dma_start3A_1276 = arith.constant 0 : i32
        %dma_start3A_1277 = tpu.memref_slice %arg5[%run_scoped3A_173, %dma_start3A_1276] : memref<4x128xi32, #tpu.memory_space<vmem>> -> memref<1x128xi32, #tpu.memory_space<vmem>>
        %dma_start3A_1278 = tpu.memref_squeeze %dma_start3A_1277 : memref<1x128xi32, #tpu.memory_space<vmem>> -> memref<128xi32, #tpu.memory_space<vmem>>
        %dma_start3A_1279 = tpu.memref_slice %arg2[%add3A_172] : memref<425984xi32, #tpu.memory_space<hbm>> -> memref<128xi32, #tpu.memory_space<hbm>>
        tpu.enqueue_dma source(%dma_start3A_1279 : memref<128xi32, #tpu.memory_space<hbm>>) target(%dma_start3A_1278 : memref<128xi32, #tpu.memory_space<vmem>>) target_semaphore(%run_scoped3A_1271 : memref<!tpu.dma_semaphore, #tpu.memory_space<semaphore_mem>>)
        %dma_wait3A_1280 = arith.constant 0 : i32
        %dma_wait3A_1281 = tpu.memref_slice %arg5[%run_scoped3A_173, %dma_wait3A_1280] : memref<4x128xi32, #tpu.memory_space<vmem>> -> memref<1x128xi32, #tpu.memory_space<vmem>>
        %dma_wait3A_1282 = tpu.memref_squeeze %dma_wait3A_1281 : memref<1x128xi32, #tpu.memory_space<vmem>> -> memref<128xi32, #tpu.memory_space<vmem>>
        %dma_wait3A_1283 = tpu.memref_slice %arg2[%add3A_172] : memref<425984xi32, #tpu.memory_space<hbm>> -> memref<128xi32, #tpu.memory_space<hbm>>
        %dma_wait3A_1284 = arith.constant 0 : i32
        %dma_wait3A_1285 = tpu.memref_slice %arg5[%run_scoped3A_173, %dma_wait3A_1284] : memref<4x128xi32, #tpu.memory_space<vmem>> -> memref<1x128xi32, #tpu.memory_space<vmem>>
        %dma_wait3A_1286 = tpu.memref_squeeze %dma_wait3A_1285 : memref<1x128xi32, #tpu.memory_space<vmem>> -> memref<128xi32, #tpu.memory_space<vmem>>
        %dma_wait3A_1287 = tpu.memref_slice %arg2[%add3A_172] : memref<425984xi32, #tpu.memory_space<hbm>> -> memref<128xi32, #tpu.memory_space<hbm>>
        tpu.wait_dma2 semaphore(%run_scoped3A_1271 : memref<!tpu.dma_semaphore, #tpu.memory_space<semaphore_mem>>) src(%dma_wait3A_1287 : memref<128xi32, #tpu.memory_space<hbm>>) dst(%dma_wait3A_1286 : memref<128xi32, #tpu.memory_space<vmem>>)
        tpu.yield
      }) : () -> ()
      %get3A_174 = arith.constant 1 : i32
      %get3A_175 = arith.index_cast %get3A_174 : i32 to index
      %get3A_176 = arith.constant 0 : index
      %get3A_177 = tpu.vector_load %arg5[%get3A_175, %get3A_176] {strides = array<i32>} : memref<4x128xi32, #tpu.memory_space<vmem>>, vector<16xi32>,
      %and3A_178 = arith.constant 15 : i32
      %and3A_179 = vector.broadcast %and3A_178 : i32 to vector<16xi32>
      %and3A_180 = arith.andi %get3A_177, %and3A_179 : vector<16xi32>
      %swap3A_181 = arith.constant 1 : i32
      %swap3A_182 = arith.index_cast %swap3A_181 : i32 to index
      %swap3A_183 = arith.constant 0 : index
      %swap3A_184 = tpu.vector_load %arg6[%swap3A_182, %swap3A_183] {strides = array<i32>} : memref<4x128xi32, #tpu.memory_space<vmem>>, vector<16xi32>,
      tpu.vector_store %arg6[%swap3A_182, %swap3A_183], %and3A_180 {strides = array<i32>} : memref<4x128xi32, #tpu.memory_space<vmem>>, vector<16xi32>,
      %shift_right_logical3A_185 = arith.constant 4 : i32
      %shift_right_logical3A_186 = vector.broadcast %shift_right_logical3A_185 : i32 to vector<16xi32>
      %shift_right_logical3A_187 = arith.shrui %get3A_177, %shift_right_logical3A_186 : vector<16xi32>
      %swap3A_188 = arith.constant 1 : i32
      %swap3A_189 = arith.index_cast %swap3A_188 : i32 to index
      %swap3A_190 = arith.constant 0 : index
      %swap3A_191 = tpu.vector_load %arg5[%swap3A_189, %swap3A_190] {strides = array<i32>} : memref<4x128xi32, #tpu.memory_space<vmem>>, vector<16xi32>,
      tpu.vector_store %arg5[%swap3A_189, %swap3A_190], %shift_right_logical3A_187 {strides = array<i32>} : memref<4x128xi32, #tpu.memory_space<vmem>>, vector<16xi32>,
      %get3A_192 = arith.constant 1 : i32
      %get3A_193 = arith.index_cast %get3A_192 : i32 to index
      %get3A_194 = arith.constant 16 : index
      %get3A_195 = tpu.vector_load %arg5[%get3A_193, %get3A_194] {strides = array<i32>} : memref<4x128xi32, #tpu.memory_space<vmem>>, vector<16xi32>,
      %and3A_196 = arith.constant 15 : i32
      %and3A_197 = vector.broadcast %and3A_196 : i32 to vector<16xi32>
      %and3A_198 = arith.andi %get3A_195, %and3A_197 : vector<16xi32>
      %swap3A_199 = arith.constant 1 : i32
      %swap3A_200 = arith.index_cast %swap3A_199 : i32 to index
      %swap3A_201 = arith.constant 16 : index
      %swap3A_202 = tpu.vector_load %arg6[%swap3A_200, %swap3A_201] {strides = array<i32>} : memref<4x128xi32, #tpu.memory_space<vmem>>, vector<16xi32>,
      tpu.vector_store %arg6[%swap3A_200, %swap3A_201], %and3A_198 {strides = array<i32>} : memref<4x128xi32, #tpu.memory_space<vmem>>, vector<16xi32>,
      %shift_right_logical3A_203 = arith.constant 4 : i32
      %shift_right_logical3A_204 = vector.broadcast %shift_right_logical3A_203 : i32 to vector<16xi32>
      %shift_right_logical3A_205 = arith.shrui %get3A_195, %shift_right_logical3A_204 : vector<16xi32>
      %swap3A_206 = arith.constant 1 : i32
      %swap3A_207 = arith.index_cast %swap3A_206 : i32 to index
      %swap3A_208 = arith.constant 16 : index
      %swap3A_209 = tpu.vector_load %arg5[%swap3A_207, %swap3A_208] {strides = array<i32>} : memref<4x128xi32, #tpu.memory_space<vmem>>, vector<16xi32>,
      tpu.vector_store %arg5[%swap3A_207, %swap3A_208], %shift_right_logical3A_205 {strides = array<i32>} : memref<4x128xi32, #tpu.memory_space<vmem>>, vector<16xi32>,
      %get3A_210 = arith.constant 1 : i32
      %get3A_211 = arith.index_cast %get3A_210 : i32 to index
      %get3A_212 = arith.constant 32 : index
      %get3A_213 = tpu.vector_load %arg5[%get3A_211, %get3A_212] {strides = array<i32>} : memref<4x128xi32, #tpu.memory_space<vmem>>, vector<16xi32>,
      %and3A_214 = arith.constant 15 : i32
      %and3A_215 = vector.broadcast %and3A_214 : i32 to vector<16xi32>
      %and3A_216 = arith.andi %get3A_213, %and3A_215 : vector<16xi32>
      %swap3A_217 = arith.constant 1 : i32
      %swap3A_218 = arith.index_cast %swap3A_217 : i32 to index
      %swap3A_219 = arith.constant 32 : index
      %swap3A_220 = tpu.vector_load %arg6[%swap3A_218, %swap3A_219] {strides = array<i32>} : memref<4x128xi32, #tpu.memory_space<vmem>>, vector<16xi32>,
      tpu.vector_store %arg6[%swap3A_218, %swap3A_219], %and3A_216 {strides = array<i32>} : memref<4x128xi32, #tpu.memory_space<vmem>>, vector<16xi32>,
      %shift_right_logical3A_221 = arith.constant 4 : i32
      %shift_right_logical3A_222 = vector.broadcast %shift_right_logical3A_221 : i32 to vector<16xi32>
      %shift_right_logical3A_223 = arith.shrui %get3A_213, %shift_right_logical3A_222 : vector<16xi32>
      %swap3A_224 = arith.constant 1 : i32
      %swap3A_225 = arith.index_cast %swap3A_224 : i32 to index
      %swap3A_226 = arith.constant 32 : index
      %swap3A_227 = tpu.vector_load %arg5[%swap3A_225, %swap3A_226] {strides = array<i32>} : memref<4x128xi32, #tpu.memory_space<vmem>>, vector<16xi32>,
      tpu.vector_store %arg5[%swap3A_225, %swap3A_226], %shift_right_logical3A_223 {strides = array<i32>} : memref<4x128xi32, #tpu.memory_space<vmem>>, vector<16xi32>,
      %get3A_228 = arith.constant 1 : i32
      %get3A_229 = arith.index_cast %get3A_228 : i32 to index
      %get3A_230 = arith.constant 48 : index
      %get3A_231 = tpu.vector_load %arg5[%get3A_229, %get3A_230] {strides = array<i32>} : memref<4x128xi32, #tpu.memory_space<vmem>>, vector<16xi32>,
      %and3A_232 = arith.constant 15 : i32
      %and3A_233 = vector.broadcast %and3A_232 : i32 to vector<16xi32>
      %and3A_234 = arith.andi %get3A_231, %and3A_233 : vector<16xi32>
      %swap3A_235 = arith.constant 1 : i32
      %swap3A_236 = arith.index_cast %swap3A_235 : i32 to index
      %swap3A_237 = arith.constant 48 : index
      %swap3A_238 = tpu.vector_load %arg6[%swap3A_236, %swap3A_237] {strides = array<i32>} : memref<4x128xi32, #tpu.memory_space<vmem>>, vector<16xi32>,
      tpu.vector_store %arg6[%swap3A_236, %swap3A_237], %and3A_234 {strides = array<i32>} : memref<4x128xi32, #tpu.memory_space<vmem>>, vector<16xi32>,
      %shift_right_logical3A_239 = arith.constant 4 : i32
      %shift_right_logical3A_240 = vector.broadcast %shift_right_logical3A_239 : i32 to vector<16xi32>
      %shift_right_logical3A_241 = arith.shrui %get3A_231, %shift_right_logical3A_240 : vector<16xi32>
      %swap3A_242 = arith.constant 1 : i32
      %swap3A_243 = arith.index_cast %swap3A_242 : i32 to index
      %swap3A_244 = arith.constant 48 : index
      %swap3A_245 = tpu.vector_load %arg5[%swap3A_243, %swap3A_244] {strides = array<i32>} : memref<4x128xi32, #tpu.memory_space<vmem>>, vector<16xi32>,
      tpu.vector_store %arg5[%swap3A_243, %swap3A_244], %shift_right_logical3A_241 {strides = array<i32>} : memref<4x128xi32, #tpu.memory_space<vmem>>, vector<16xi32>,
      %get3A_246 = arith.constant 1 : i32
      %get3A_247 = arith.index_cast %get3A_246 : i32 to index
      %get3A_248 = arith.constant 64 : index
      %get3A_249 = tpu.vector_load %arg5[%get3A_247, %get3A_248] {strides = array<i32>} : memref<4x128xi32, #tpu.memory_space<vmem>>, vector<16xi32>,
      %and3A_250 = arith.constant 15 : i32
      %and3A_251 = vector.broadcast %and3A_250 : i32 to vector<16xi32>
      %and3A_252 = arith.andi %get3A_249, %and3A_251 : vector<16xi32>
      %swap3A_253 = arith.constant 1 : i32
      %swap3A_254 = arith.index_cast %swap3A_253 : i32 to index
      %swap3A_255 = arith.constant 64 : index
      %swap3A_256 = tpu.vector_load %arg6[%swap3A_254, %swap3A_255] {strides = array<i32>} : memref<4x128xi32, #tpu.memory_space<vmem>>, vector<16xi32>,
      tpu.vector_store %arg6[%swap3A_254, %swap3A_255], %and3A_252 {strides = array<i32>} : memref<4x128xi32, #tpu.memory_space<vmem>>, vector<16xi32>,
      %shift_right_logical3A_257 = arith.constant 4 : i32
      %shift_right_logical3A_258 = vector.broadcast %shift_right_logical3A_257 : i32 to vector<16xi32>
      %shift_right_logical3A_259 = arith.shrui %get3A_249, %shift_right_logical3A_258 : vector<16xi32>
      %swap3A_260 = arith.constant 1 : i32
      %swap3A_261 = arith.index_cast %swap3A_260 : i32 to index
      %swap3A_262 = arith.constant 64 : index
      %swap3A_263 = tpu.vector_load %arg5[%swap3A_261, %swap3A_262] {strides = array<i32>} : memref<4x128xi32, #tpu.memory_space<vmem>>, vector<16xi32>,
      tpu.vector_store %arg5[%swap3A_261, %swap3A_262], %shift_right_logical3A_259 {strides = array<i32>} : memref<4x128xi32, #tpu.memory_space<vmem>>, vector<16xi32>,
      %get3A_264 = arith.constant 1 : i32
      %get3A_265 = arith.index_cast %get3A_264 : i32 to index
      %get3A_266 = arith.constant 80 : index
      %get3A_267 = tpu.vector_load %arg5[%get3A_265, %get3A_266] {strides = array<i32>} : memref<4x128xi32, #tpu.memory_space<vmem>>, vector<16xi32>,
      %and3A_268 = arith.constant 15 : i32
      %and3A_269 = vector.broadcast %and3A_268 : i32 to vector<16xi32>
      %and3A_270 = arith.andi %get3A_267, %and3A_269 : vector<16xi32>
      %swap3A_271 = arith.constant 1 : i32
      %swap3A_272 = arith.index_cast %swap3A_271 : i32 to index
      %swap3A_273 = arith.constant 80 : index
      %swap3A_274 = tpu.vector_load %arg6[%swap3A_272, %swap3A_273] {strides = array<i32>} : memref<4x128xi32, #tpu.memory_space<vmem>>, vector<16xi32>,
      tpu.vector_store %arg6[%swap3A_272, %swap3A_273], %and3A_270 {strides = array<i32>} : memref<4x128xi32, #tpu.memory_space<vmem>>, vector<16xi32>,
      %shift_right_logical3A_275 = arith.constant 4 : i32
      %shift_right_logical3A_276 = vector.broadcast %shift_right_logical3A_275 : i32 to vector<16xi32>
      %shift_right_logical3A_277 = arith.shrui %get3A_267, %shift_right_logical3A_276 : vector<16xi32>
      %swap3A_278 = arith.constant 1 : i32
      %swap3A_279 = arith.index_cast %swap3A_278 : i32 to index
      %swap3A_280 = arith.constant 80 : index
      %swap3A_281 = tpu.vector_load %arg5[%swap3A_279, %swap3A_280] {strides = array<i32>} : memref<4x128xi32, #tpu.memory_space<vmem>>, vector<16xi32>,
      tpu.vector_store %arg5[%swap3A_279, %swap3A_280], %shift_right_logical3A_277 {strides = array<i32>} : memref<4x128xi32, #tpu.memory_space<vmem>>, vector<16xi32>,
      %get3A_282 = arith.constant 1 : i32
      %get3A_283 = arith.index_cast %get3A_282 : i32 to index
      %get3A_284 = arith.constant 96 : index
      %get3A_285 = tpu.vector_load %arg5[%get3A_283, %get3A_284] {strides = array<i32>} : memref<4x128xi32, #tpu.memory_space<vmem>>, vector<16xi32>,
      %and3A_286 = arith.constant 15 : i32
      %and3A_287 = vector.broadcast %and3A_286 : i32 to vector<16xi32>
      %and3A_288 = arith.andi %get3A_285, %and3A_287 : vector<16xi32>
      %swap3A_289 = arith.constant 1 : i32
      %swap3A_290 = arith.index_cast %swap3A_289 : i32 to index
      %swap3A_291 = arith.constant 96 : index
      %swap3A_292 = tpu.vector_load %arg6[%swap3A_290, %swap3A_291] {strides = array<i32>} : memref<4x128xi32, #tpu.memory_space<vmem>>, vector<16xi32>,
      tpu.vector_store %arg6[%swap3A_290, %swap3A_291], %and3A_288 {strides = array<i32>} : memref<4x128xi32, #tpu.memory_space<vmem>>, vector<16xi32>,
      %shift_right_logical3A_293 = arith.constant 4 : i32
      %shift_right_logical3A_294 = vector.broadcast %shift_right_logical3A_293 : i32 to vector<16xi32>
      %shift_right_logical3A_295 = arith.shrui %get3A_285, %shift_right_logical3A_294 : vector<16xi32>
      %swap3A_296 = arith.constant 1 : i32
      %swap3A_297 = arith.index_cast %swap3A_296 : i32 to index
      %swap3A_298 = arith.constant 96 : index
      %swap3A_299 = tpu.vector_load %arg5[%swap3A_297, %swap3A_298] {strides = array<i32>} : memref<4x128xi32, #tpu.memory_space<vmem>>, vector<16xi32>,
      tpu.vector_store %arg5[%swap3A_297, %swap3A_298], %shift_right_logical3A_295 {strides = array<i32>} : memref<4x128xi32, #tpu.memory_space<vmem>>, vector<16xi32>,
      %get3A_300 = arith.constant 1 : i32
      %get3A_301 = arith.index_cast %get3A_300 : i32 to index
      %get3A_302 = arith.constant 112 : index
      %get3A_303 = tpu.vector_load %arg5[%get3A_301, %get3A_302] {strides = array<i32>} : memref<4x128xi32, #tpu.memory_space<vmem>>, vector<16xi32>,
      %and3A_304 = arith.constant 15 : i32
      %and3A_305 = vector.broadcast %and3A_304 : i32 to vector<16xi32>
      %and3A_306 = arith.andi %get3A_303, %and3A_305 : vector<16xi32>
      %swap3A_307 = arith.constant 1 : i32
      %swap3A_308 = arith.index_cast %swap3A_307 : i32 to index
      %swap3A_309 = arith.constant 112 : index
      %swap3A_310 = tpu.vector_load %arg6[%swap3A_308, %swap3A_309] {strides = array<i32>} : memref<4x128xi32, #tpu.memory_space<vmem>>, vector<16xi32>,
      tpu.vector_store %arg6[%swap3A_308, %swap3A_309], %and3A_306 {strides = array<i32>} : memref<4x128xi32, #tpu.memory_space<vmem>>, vector<16xi32>,
      %shift_right_logical3A_311 = arith.constant 4 : i32
      %shift_right_logical3A_312 = vector.broadcast %shift_right_logical3A_311 : i32 to vector<16xi32>
      %shift_right_logical3A_313 = arith.shrui %get3A_303, %shift_right_logical3A_312 : vector<16xi32>
      %swap3A_314 = arith.constant 1 : i32
      %swap3A_315 = arith.index_cast %swap3A_314 : i32 to index
      %swap3A_316 = arith.constant 112 : index
      %swap3A_317 = tpu.vector_load %arg5[%swap3A_315, %swap3A_316] {strides = array<i32>} : memref<4x128xi32, #tpu.memory_space<vmem>>, vector<16xi32>,
      tpu.vector_store %arg5[%swap3A_315, %swap3A_316], %shift_right_logical3A_313 {strides = array<i32>} : memref<4x128xi32, #tpu.memory_space<vmem>>, vector<16xi32>,
      %dma_start3A_318 = arith.constant 1 : i32
      %dma_start3A_319 = arith.constant 1 : i32
      %dma_start3A_320 = arith.constant 1 : i32
      %dma_start3A_321 = arith.constant 0 : i32
      %dma_start3A_322 = arith.constant 0 : i32
      %dma_start3A_323 = tpu.memref_slice %arg7[%dma_start3A_319, %dma_start3A_321, %dma_start3A_322] : memref<4x128x16xf32, #tpu.memory_space<vmem>> -> memref<1x128x16xf32, #tpu.memory_space<vmem>>
      %dma_start3A_324 = tpu.memref_squeeze %dma_start3A_323 : memref<1x128x16xf32, #tpu.memory_space<vmem>> -> memref<128x16xf32, #tpu.memory_space<vmem>>
      %dma_start3A_325 = arith.constant 0 : i32
      %dma_start3A_326 = tpu.memref_slice %arg5[%dma_start3A_318, %dma_start3A_325] : memref<4x128xi32, #tpu.memory_space<vmem>> -> memref<1x128xi32, #tpu.memory_space<vmem>>
      %dma_start3A_327 = tpu.memref_squeeze %dma_start3A_326 : memref<1x128xi32, #tpu.memory_space<vmem>> -> memref<128xi32, #tpu.memory_space<vmem>>
      %dma_start3A_328 = arith.constant 0 : i32
      %dma_start3A_329 = arith.constant 0 : i32
      %dma_start3A_330 = tpu.memref_slice %arg3[%dma_start3A_328, %dma_start3A_329] : memref<162500x16xf32, #tpu.memory_space<hbm>> -> memref<162500x16xf32, #tpu.memory_space<hbm>>
      %dma_start3A_331 = tpu.memref_slice %arg9[%dma_start3A_320] : memref<4x!tpu.dma_semaphore, #tpu.memory_space<semaphore_mem>> -> memref<1x!tpu.dma_semaphore, #tpu.memory_space<semaphore_mem>>
      %dma_start3A_332 = tpu.memref_squeeze %dma_start3A_331 : memref<1x!tpu.dma_semaphore, #tpu.memory_space<semaphore_mem>> -> memref<!tpu.dma_semaphore, #tpu.memory_space<semaphore_mem>>
      tpu.enqueue_indirect_dma source(%dma_start3A_330 : memref<162500x16xf32, #tpu.memory_space<hbm>>) target(%dma_start3A_324 : memref<128x16xf32, #tpu.memory_space<vmem>>) offsets(%dma_start3A_327 : memref<128xi32, #tpu.memory_space<vmem>>) semaphore(%dma_start3A_332 : memref<!tpu.dma_semaphore, #tpu.memory_space<semaphore_mem>>)
      %add3A_333 = arith.constant 256 : i32
      %add3A_334 = arith.addi %add3A_14, %add3A_333 : i32
      %run_scoped3A_335 = arith.constant 2 : i32
      "tpu.region"() ({
        %run_scoped3A_1271 = tpu.sem_alloc : memref<!tpu.dma_semaphore, #tpu.memory_space<semaphore_mem>>
        %dma_start3A_1272 = arith.constant 0 : i32
        %dma_start3A_1273 = tpu.memref_slice %arg5[%run_scoped3A_335, %dma_start3A_1272] : memref<4x128xi32, #tpu.memory_space<vmem>> -> memref<1x128xi32, #tpu.memory_space<vmem>>
        %dma_start3A_1274 = tpu.memref_squeeze %dma_start3A_1273 : memref<1x128xi32, #tpu.memory_space<vmem>> -> memref<128xi32, #tpu.memory_space<vmem>>
        %dma_start3A_1275 = tpu.memref_slice %arg2[%add3A_334] : memref<425984xi32, #tpu.memory_space<hbm>> -> memref<128xi32, #tpu.memory_space<hbm>>
        %dma_start3A_1276 = arith.constant 0 : i32
        %dma_start3A_1277 = tpu.memref_slice %arg5[%run_scoped3A_335, %dma_start3A_1276] : memref<4x128xi32, #tpu.memory_space<vmem>> -> memref<1x128xi32, #tpu.memory_space<vmem>>
        %dma_start3A_1278 = tpu.memref_squeeze %dma_start3A_1277 : memref<1x128xi32, #tpu.memory_space<vmem>> -> memref<128xi32, #tpu.memory_space<vmem>>
        %dma_start3A_1279 = tpu.memref_slice %arg2[%add3A_334] : memref<425984xi32, #tpu.memory_space<hbm>> -> memref<128xi32, #tpu.memory_space<hbm>>
        tpu.enqueue_dma source(%dma_start3A_1279 : memref<128xi32, #tpu.memory_space<hbm>>) target(%dma_start3A_1278 : memref<128xi32, #tpu.memory_space<vmem>>) target_semaphore(%run_scoped3A_1271 : memref<!tpu.dma_semaphore, #tpu.memory_space<semaphore_mem>>)
        %dma_wait3A_1280 = arith.constant 0 : i32
        %dma_wait3A_1281 = tpu.memref_slice %arg5[%run_scoped3A_335, %dma_wait3A_1280] : memref<4x128xi32, #tpu.memory_space<vmem>> -> memref<1x128xi32, #tpu.memory_space<vmem>>
        %dma_wait3A_1282 = tpu.memref_squeeze %dma_wait3A_1281 : memref<1x128xi32, #tpu.memory_space<vmem>> -> memref<128xi32, #tpu.memory_space<vmem>>
        %dma_wait3A_1283 = tpu.memref_slice %arg2[%add3A_334] : memref<425984xi32, #tpu.memory_space<hbm>> -> memref<128xi32, #tpu.memory_space<hbm>>
        %dma_wait3A_1284 = arith.constant 0 : i32
        %dma_wait3A_1285 = tpu.memref_slice %arg5[%run_scoped3A_335, %dma_wait3A_1284] : memref<4x128xi32, #tpu.memory_space<vmem>> -> memref<1x128xi32, #tpu.memory_space<vmem>>
        %dma_wait3A_1286 = tpu.memref_squeeze %dma_wait3A_1285 : memref<1x128xi32, #tpu.memory_space<vmem>> -> memref<128xi32, #tpu.memory_space<vmem>>
        %dma_wait3A_1287 = tpu.memref_slice %arg2[%add3A_334] : memref<425984xi32, #tpu.memory_space<hbm>> -> memref<128xi32, #tpu.memory_space<hbm>>
        tpu.wait_dma2 semaphore(%run_scoped3A_1271 : memref<!tpu.dma_semaphore, #tpu.memory_space<semaphore_mem>>) src(%dma_wait3A_1287 : memref<128xi32, #tpu.memory_space<hbm>>) dst(%dma_wait3A_1286 : memref<128xi32, #tpu.memory_space<vmem>>)
        tpu.yield
      }) : () -> ()
      %get3A_336 = arith.constant 2 : i32
      %get3A_337 = arith.index_cast %get3A_336 : i32 to index
      %get3A_338 = arith.constant 0 : index
      %get3A_339 = tpu.vector_load %arg5[%get3A_337, %get3A_338] {strides = array<i32>} : memref<4x128xi32, #tpu.memory_space<vmem>>, vector<16xi32>,
      %and3A_340 = arith.constant 15 : i32
      %and3A_341 = vector.broadcast %and3A_340 : i32 to vector<16xi32>
      %and3A_342 = arith.andi %get3A_339, %and3A_341 : vector<16xi32>
      %swap3A_343 = arith.constant 2 : i32
      %swap3A_344 = arith.index_cast %swap3A_343 : i32 to index
      %swap3A_345 = arith.constant 0 : index
      %swap3A_346 = tpu.vector_load %arg6[%swap3A_344, %swap3A_345] {strides = array<i32>} : memref<4x128xi32, #tpu.memory_space<vmem>>, vector<16xi32>,
      tpu.vector_store %arg6[%swap3A_344, %swap3A_345], %and3A_342 {strides = array<i32>} : memref<4x128xi32, #tpu.memory_space<vmem>>, vector<16xi32>,
      %shift_right_logical3A_347 = arith.constant 4 : i32
      %shift_right_logical3A_348 = vector.broadcast %shift_right_logical3A_347 : i32 to vector<16xi32>
      %shift_right_logical3A_349 = arith.shrui %get3A_339, %shift_right_logical3A_348 : vector<16xi32>
      %swap3A_350 = arith.constant 2 : i32
      %swap3A_351 = arith.index_cast %swap3A_350 : i32 to index
      %swap3A_352 = arith.constant 0 : index
      %swap3A_353 = tpu.vector_load %arg5[%swap3A_351, %swap3A_352] {strides = array<i32>} : memref<4x128xi32, #tpu.memory_space<vmem>>, vector<16xi32>,
      tpu.vector_store %arg5[%swap3A_351, %swap3A_352], %shift_right_logical3A_349 {strides = array<i32>} : memref<4x128xi32, #tpu.memory_space<vmem>>, vector<16xi32>,
      %get3A_354 = arith.constant 2 : i32
      %get3A_355 = arith.index_cast %get3A_354 : i32 to index
      %get3A_356 = arith.constant 16 : index
      %get3A_357 = tpu.vector_load %arg5[%get3A_355, %get3A_356] {strides = array<i32>} : memref<4x128xi32, #tpu.memory_space<vmem>>, vector<16xi32>,
      %and3A_358 = arith.constant 15 : i32
      %and3A_359 = vector.broadcast %and3A_358 : i32 to vector<16xi32>
      %and3A_360 = arith.andi %get3A_357, %and3A_359 : vector<16xi32>
      %swap3A_361 = arith.constant 2 : i32
      %swap3A_362 = arith.index_cast %swap3A_361 : i32 to index
      %swap3A_363 = arith.constant 16 : index
      %swap3A_364 = tpu.vector_load %arg6[%swap3A_362, %swap3A_363] {strides = array<i32>} : memref<4x128xi32, #tpu.memory_space<vmem>>, vector<16xi32>,
      tpu.vector_store %arg6[%swap3A_362, %swap3A_363], %and3A_360 {strides = array<i32>} : memref<4x128xi32, #tpu.memory_space<vmem>>, vector<16xi32>,
      %shift_right_logical3A_365 = arith.constant 4 : i32
      %shift_right_logical3A_366 = vector.broadcast %shift_right_logical3A_365 : i32 to vector<16xi32>
      %shift_right_logical3A_367 = arith.shrui %get3A_357, %shift_right_logical3A_366 : vector<16xi32>
      %swap3A_368 = arith.constant 2 : i32
      %swap3A_369 = arith.index_cast %swap3A_368 : i32 to index
      %swap3A_370 = arith.constant 16 : index
      %swap3A_371 = tpu.vector_load %arg5[%swap3A_369, %swap3A_370] {strides = array<i32>} : memref<4x128xi32, #tpu.memory_space<vmem>>, vector<16xi32>,
      tpu.vector_store %arg5[%swap3A_369, %swap3A_370], %shift_right_logical3A_367 {strides = array<i32>} : memref<4x128xi32, #tpu.memory_space<vmem>>, vector<16xi32>,
      %get3A_372 = arith.constant 2 : i32
      %get3A_373 = arith.index_cast %get3A_372 : i32 to index
      %get3A_374 = arith.constant 32 : index
      %get3A_375 = tpu.vector_load %arg5[%get3A_373, %get3A_374] {strides = array<i32>} : memref<4x128xi32, #tpu.memory_space<vmem>>, vector<16xi32>,
      %and3A_376 = arith.constant 15 : i32
      %and3A_377 = vector.broadcast %and3A_376 : i32 to vector<16xi32>
      %and3A_378 = arith.andi %get3A_375, %and3A_377 : vector<16xi32>
      %swap3A_379 = arith.constant 2 : i32
      %swap3A_380 = arith.index_cast %swap3A_379 : i32 to index
      %swap3A_381 = arith.constant 32 : index
      %swap3A_382 = tpu.vector_load %arg6[%swap3A_380, %swap3A_381] {strides = array<i32>} : memref<4x128xi32, #tpu.memory_space<vmem>>, vector<16xi32>,
      tpu.vector_store %arg6[%swap3A_380, %swap3A_381], %and3A_378 {strides = array<i32>} : memref<4x128xi32, #tpu.memory_space<vmem>>, vector<16xi32>,
      %shift_right_logical3A_383 = arith.constant 4 : i32
      %shift_right_logical3A_384 = vector.broadcast %shift_right_logical3A_383 : i32 to vector<16xi32>
      %shift_right_logical3A_385 = arith.shrui %get3A_375, %shift_right_logical3A_384 : vector<16xi32>
      %swap3A_386 = arith.constant 2 : i32
      %swap3A_387 = arith.index_cast %swap3A_386 : i32 to index
      %swap3A_388 = arith.constant 32 : index
      %swap3A_389 = tpu.vector_load %arg5[%swap3A_387, %swap3A_388] {strides = array<i32>} : memref<4x128xi32, #tpu.memory_space<vmem>>, vector<16xi32>,
      tpu.vector_store %arg5[%swap3A_387, %swap3A_388], %shift_right_logical3A_385 {strides = array<i32>} : memref<4x128xi32, #tpu.memory_space<vmem>>, vector<16xi32>,
      %get3A_390 = arith.constant 2 : i32
      %get3A_391 = arith.index_cast %get3A_390 : i32 to index
      %get3A_392 = arith.constant 48 : index
      %get3A_393 = tpu.vector_load %arg5[%get3A_391, %get3A_392] {strides = array<i32>} : memref<4x128xi32, #tpu.memory_space<vmem>>, vector<16xi32>,
      %and3A_394 = arith.constant 15 : i32
      %and3A_395 = vector.broadcast %and3A_394 : i32 to vector<16xi32>
      %and3A_396 = arith.andi %get3A_393, %and3A_395 : vector<16xi32>
      %swap3A_397 = arith.constant 2 : i32
      %swap3A_398 = arith.index_cast %swap3A_397 : i32 to index
      %swap3A_399 = arith.constant 48 : index
      %swap3A_400 = tpu.vector_load %arg6[%swap3A_398, %swap3A_399] {strides = array<i32>} : memref<4x128xi32, #tpu.memory_space<vmem>>, vector<16xi32>,
      tpu.vector_store %arg6[%swap3A_398, %swap3A_399], %and3A_396 {strides = array<i32>} : memref<4x128xi32, #tpu.memory_space<vmem>>, vector<16xi32>,
      %shift_right_logical3A_401 = arith.constant 4 : i32
      %shift_right_logical3A_402 = vector.broadcast %shift_right_logical3A_401 : i32 to vector<16xi32>
      %shift_right_logical3A_403 = arith.shrui %get3A_393, %shift_right_logical3A_402 : vector<16xi32>
      %swap3A_404 = arith.constant 2 : i32
      %swap3A_405 = arith.index_cast %swap3A_404 : i32 to index
      %swap3A_406 = arith.constant 48 : index
      %swap3A_407 = tpu.vector_load %arg5[%swap3A_405, %swap3A_406] {strides = array<i32>} : memref<4x128xi32, #tpu.memory_space<vmem>>, vector<16xi32>,
      tpu.vector_store %arg5[%swap3A_405, %swap3A_406], %shift_right_logical3A_403 {strides = array<i32>} : memref<4x128xi32, #tpu.memory_space<vmem>>, vector<16xi32>,
      %get3A_408 = arith.constant 2 : i32
      %get3A_409 = arith.index_cast %get3A_408 : i32 to index
      %get3A_410 = arith.constant 64 : index
      %get3A_411 = tpu.vector_load %arg5[%get3A_409, %get3A_410] {strides = array<i32>} : memref<4x128xi32, #tpu.memory_space<vmem>>, vector<16xi32>,
      %and3A_412 = arith.constant 15 : i32
      %and3A_413 = vector.broadcast %and3A_412 : i32 to vector<16xi32>
      %and3A_414 = arith.andi %get3A_411, %and3A_413 : vector<16xi32>
      %swap3A_415 = arith.constant 2 : i32
      %swap3A_416 = arith.index_cast %swap3A_415 : i32 to index
      %swap3A_417 = arith.constant 64 : index
      %swap3A_418 = tpu.vector_load %arg6[%swap3A_416, %swap3A_417] {strides = array<i32>} : memref<4x128xi32, #tpu.memory_space<vmem>>, vector<16xi32>,
      tpu.vector_store %arg6[%swap3A_416, %swap3A_417], %and3A_414 {strides = array<i32>} : memref<4x128xi32, #tpu.memory_space<vmem>>, vector<16xi32>,
      %shift_right_logical3A_419 = arith.constant 4 : i32
      %shift_right_logical3A_420 = vector.broadcast %shift_right_logical3A_419 : i32 to vector<16xi32>
      %shift_right_logical3A_421 = arith.shrui %get3A_411, %shift_right_logical3A_420 : vector<16xi32>
      %swap3A_422 = arith.constant 2 : i32
      %swap3A_423 = arith.index_cast %swap3A_422 : i32 to index
      %swap3A_424 = arith.constant 64 : index
      %swap3A_425 = tpu.vector_load %arg5[%swap3A_423, %swap3A_424] {strides = array<i32>} : memref<4x128xi32, #tpu.memory_space<vmem>>, vector<16xi32>,
      tpu.vector_store %arg5[%swap3A_423, %swap3A_424], %shift_right_logical3A_421 {strides = array<i32>} : memref<4x128xi32, #tpu.memory_space<vmem>>, vector<16xi32>,
      %get3A_426 = arith.constant 2 : i32
      %get3A_427 = arith.index_cast %get3A_426 : i32 to index
      %get3A_428 = arith.constant 80 : index
      %get3A_429 = tpu.vector_load %arg5[%get3A_427, %get3A_428] {strides = array<i32>} : memref<4x128xi32, #tpu.memory_space<vmem>>, vector<16xi32>,
      %and3A_430 = arith.constant 15 : i32
      %and3A_431 = vector.broadcast %and3A_430 : i32 to vector<16xi32>
      %and3A_432 = arith.andi %get3A_429, %and3A_431 : vector<16xi32>
      %swap3A_433 = arith.constant 2 : i32
      %swap3A_434 = arith.index_cast %swap3A_433 : i32 to index
      %swap3A_435 = arith.constant 80 : index
      %swap3A_436 = tpu.vector_load %arg6[%swap3A_434, %swap3A_435] {strides = array<i32>} : memref<4x128xi32, #tpu.memory_space<vmem>>, vector<16xi32>,
      tpu.vector_store %arg6[%swap3A_434, %swap3A_435], %and3A_432 {strides = array<i32>} : memref<4x128xi32, #tpu.memory_space<vmem>>, vector<16xi32>,
      %shift_right_logical3A_437 = arith.constant 4 : i32
      %shift_right_logical3A_438 = vector.broadcast %shift_right_logical3A_437 : i32 to vector<16xi32>
      %shift_right_logical3A_439 = arith.shrui %get3A_429, %shift_right_logical3A_438 : vector<16xi32>
      %swap3A_440 = arith.constant 2 : i32
      %swap3A_441 = arith.index_cast %swap3A_440 : i32 to index
      %swap3A_442 = arith.constant 80 : index
      %swap3A_443 = tpu.vector_load %arg5[%swap3A_441, %swap3A_442] {strides = array<i32>} : memref<4x128xi32, #tpu.memory_space<vmem>>, vector<16xi32>,
      tpu.vector_store %arg5[%swap3A_441, %swap3A_442], %shift_right_logical3A_439 {strides = array<i32>} : memref<4x128xi32, #tpu.memory_space<vmem>>, vector<16xi32>,
      %get3A_444 = arith.constant 2 : i32
      %get3A_445 = arith.index_cast %get3A_444 : i32 to index
      %get3A_446 = arith.constant 96 : index
      %get3A_447 = tpu.vector_load %arg5[%get3A_445, %get3A_446] {strides = array<i32>} : memref<4x128xi32, #tpu.memory_space<vmem>>, vector<16xi32>,
      %and3A_448 = arith.constant 15 : i32
      %and3A_449 = vector.broadcast %and3A_448 : i32 to vector<16xi32>
      %and3A_450 = arith.andi %get3A_447, %and3A_449 : vector<16xi32>
      %swap3A_451 = arith.constant 2 : i32
      %swap3A_452 = arith.index_cast %swap3A_451 : i32 to index
      %swap3A_453 = arith.constant 96 : index
      %swap3A_454 = tpu.vector_load %arg6[%swap3A_452, %swap3A_453] {strides = array<i32>} : memref<4x128xi32, #tpu.memory_space<vmem>>, vector<16xi32>,
      tpu.vector_store %arg6[%swap3A_452, %swap3A_453], %and3A_450 {strides = array<i32>} : memref<4x128xi32, #tpu.memory_space<vmem>>, vector<16xi32>,
      %shift_right_logical3A_455 = arith.constant 4 : i32
      %shift_right_logical3A_456 = vector.broadcast %shift_right_logical3A_455 : i32 to vector<16xi32>
      %shift_right_logical3A_457 = arith.shrui %get3A_447, %shift_right_logical3A_456 : vector<16xi32>
      %swap3A_458 = arith.constant 2 : i32
      %swap3A_459 = arith.index_cast %swap3A_458 : i32 to index
      %swap3A_460 = arith.constant 96 : index
      %swap3A_461 = tpu.vector_load %arg5[%swap3A_459, %swap3A_460] {strides = array<i32>} : memref<4x128xi32, #tpu.memory_space<vmem>>, vector<16xi32>,
      tpu.vector_store %arg5[%swap3A_459, %swap3A_460], %shift_right_logical3A_457 {strides = array<i32>} : memref<4x128xi32, #tpu.memory_space<vmem>>, vector<16xi32>,
      %get3A_462 = arith.constant 2 : i32
      %get3A_463 = arith.index_cast %get3A_462 : i32 to index
      %get3A_464 = arith.constant 112 : index
      %get3A_465 = tpu.vector_load %arg5[%get3A_463, %get3A_464] {strides = array<i32>} : memref<4x128xi32, #tpu.memory_space<vmem>>, vector<16xi32>,
      %and3A_466 = arith.constant 15 : i32
      %and3A_467 = vector.broadcast %and3A_466 : i32 to vector<16xi32>
      %and3A_468 = arith.andi %get3A_465, %and3A_467 : vector<16xi32>
      %swap3A_469 = arith.constant 2 : i32
      %swap3A_470 = arith.index_cast %swap3A_469 : i32 to index
      %swap3A_471 = arith.constant 112 : index
      %swap3A_472 = tpu.vector_load %arg6[%swap3A_470, %swap3A_471] {strides = array<i32>} : memref<4x128xi32, #tpu.memory_space<vmem>>, vector<16xi32>,
      tpu.vector_store %arg6[%swap3A_470, %swap3A_471], %and3A_468 {strides = array<i32>} : memref<4x128xi32, #tpu.memory_space<vmem>>, vector<16xi32>,
      %shift_right_logical3A_473 = arith.constant 4 : i32
      %shift_right_logical3A_474 = vector.broadcast %shift_right_logical3A_473 : i32 to vector<16xi32>
      %shift_right_logical3A_475 = arith.shrui %get3A_465, %shift_right_logical3A_474 : vector<16xi32>
      %swap3A_476 = arith.constant 2 : i32
      %swap3A_477 = arith.index_cast %swap3A_476 : i32 to index
      %swap3A_478 = arith.constant 112 : index
      %swap3A_479 = tpu.vector_load %arg5[%swap3A_477, %swap3A_478] {strides = array<i32>} : memref<4x128xi32, #tpu.memory_space<vmem>>, vector<16xi32>,
      tpu.vector_store %arg5[%swap3A_477, %swap3A_478], %shift_right_logical3A_475 {strides = array<i32>} : memref<4x128xi32, #tpu.memory_space<vmem>>, vector<16xi32>,
      %dma_start3A_480 = arith.constant 2 : i32
      %dma_start3A_481 = arith.constant 2 : i32
      %dma_start3A_482 = arith.constant 2 : i32
      %dma_start3A_483 = arith.constant 0 : i32
      %dma_start3A_484 = arith.constant 0 : i32
      %dma_start3A_485 = tpu.memref_slice %arg7[%dma_start3A_481, %dma_start3A_483, %dma_start3A_484] : memref<4x128x16xf32, #tpu.memory_space<vmem>> -> memref<1x128x16xf32, #tpu.memory_space<vmem>>
      %dma_start3A_486 = tpu.memref_squeeze %dma_start3A_485 : memref<1x128x16xf32, #tpu.memory_space<vmem>> -> memref<128x16xf32, #tpu.memory_space<vmem>>
      %dma_start3A_487 = arith.constant 0 : i32
      %dma_start3A_488 = tpu.memref_slice %arg5[%dma_start3A_480, %dma_start3A_487] : memref<4x128xi32, #tpu.memory_space<vmem>> -> memref<1x128xi32, #tpu.memory_space<vmem>>
      %dma_start3A_489 = tpu.memref_squeeze %dma_start3A_488 : memref<1x128xi32, #tpu.memory_space<vmem>> -> memref<128xi32, #tpu.memory_space<vmem>>
      %dma_start3A_490 = arith.constant 0 : i32
      %dma_start3A_491 = arith.constant 0 : i32
      %dma_start3A_492 = tpu.memref_slice %arg3[%dma_start3A_490, %dma_start3A_491] : memref<162500x16xf32, #tpu.memory_space<hbm>> -> memref<162500x16xf32, #tpu.memory_space<hbm>>
      %dma_start3A_493 = tpu.memref_slice %arg9[%dma_start3A_482] : memref<4x!tpu.dma_semaphore, #tpu.memory_space<semaphore_mem>> -> memref<1x!tpu.dma_semaphore, #tpu.memory_space<semaphore_mem>>
      %dma_start3A_494 = tpu.memref_squeeze %dma_start3A_493 : memref<1x!tpu.dma_semaphore, #tpu.memory_space<semaphore_mem>> -> memref<!tpu.dma_semaphore, #tpu.memory_space<semaphore_mem>>
      tpu.enqueue_indirect_dma source(%dma_start3A_492 : memref<162500x16xf32, #tpu.memory_space<hbm>>) target(%dma_start3A_486 : memref<128x16xf32, #tpu.memory_space<vmem>>) offsets(%dma_start3A_489 : memref<128xi32, #tpu.memory_space<vmem>>) semaphore(%dma_start3A_494 : memref<!tpu.dma_semaphore, #tpu.memory_space<semaphore_mem>>)
      %add3A_495 = arith.constant 384 : i32
      %add3A_496 = arith.addi %add3A_14, %add3A_495 : i32
      %run_scoped3A_497 = arith.constant 3 : i32
      "tpu.region"() ({
        %run_scoped3A_1271 = tpu.sem_alloc : memref<!tpu.dma_semaphore, #tpu.memory_space<semaphore_mem>>
        %dma_start3A_1272 = arith.constant 0 : i32
        %dma_start3A_1273 = tpu.memref_slice %arg5[%run_scoped3A_497, %dma_start3A_1272] : memref<4x128xi32, #tpu.memory_space<vmem>> -> memref<1x128xi32, #tpu.memory_space<vmem>>
        %dma_start3A_1274 = tpu.memref_squeeze %dma_start3A_1273 : memref<1x128xi32, #tpu.memory_space<vmem>> -> memref<128xi32, #tpu.memory_space<vmem>>
        %dma_start3A_1275 = tpu.memref_slice %arg2[%add3A_496] : memref<425984xi32, #tpu.memory_space<hbm>> -> memref<128xi32, #tpu.memory_space<hbm>>
        %dma_start3A_1276 = arith.constant 0 : i32
        %dma_start3A_1277 = tpu.memref_slice %arg5[%run_scoped3A_497, %dma_start3A_1276] : memref<4x128xi32, #tpu.memory_space<vmem>> -> memref<1x128xi32, #tpu.memory_space<vmem>>
        %dma_start3A_1278 = tpu.memref_squeeze %dma_start3A_1277 : memref<1x128xi32, #tpu.memory_space<vmem>> -> memref<128xi32, #tpu.memory_space<vmem>>
        %dma_start3A_1279 = tpu.memref_slice %arg2[%add3A_496] : memref<425984xi32, #tpu.memory_space<hbm>> -> memref<128xi32, #tpu.memory_space<hbm>>
        tpu.enqueue_dma source(%dma_start3A_1279 : memref<128xi32, #tpu.memory_space<hbm>>) target(%dma_start3A_1278 : memref<128xi32, #tpu.memory_space<vmem>>) target_semaphore(%run_scoped3A_1271 : memref<!tpu.dma_semaphore, #tpu.memory_space<semaphore_mem>>)
        %dma_wait3A_1280 = arith.constant 0 : i32
        %dma_wait3A_1281 = tpu.memref_slice %arg5[%run_scoped3A_497, %dma_wait3A_1280] : memref<4x128xi32, #tpu.memory_space<vmem>> -> memref<1x128xi32, #tpu.memory_space<vmem>>
        %dma_wait3A_1282 = tpu.memref_squeeze %dma_wait3A_1281 : memref<1x128xi32, #tpu.memory_space<vmem>> -> memref<128xi32, #tpu.memory_space<vmem>>
        %dma_wait3A_1283 = tpu.memref_slice %arg2[%add3A_496] : memref<425984xi32, #tpu.memory_space<hbm>> -> memref<128xi32, #tpu.memory_space<hbm>>
        %dma_wait3A_1284 = arith.constant 0 : i32
        %dma_wait3A_1285 = tpu.memref_slice %arg5[%run_scoped3A_497, %dma_wait3A_1284] : memref<4x128xi32, #tpu.memory_space<vmem>> -> memref<1x128xi32, #tpu.memory_space<vmem>>
        %dma_wait3A_1286 = tpu.memref_squeeze %dma_wait3A_1285 : memref<1x128xi32, #tpu.memory_space<vmem>> -> memref<128xi32, #tpu.memory_space<vmem>>
        %dma_wait3A_1287 = tpu.memref_slice %arg2[%add3A_496] : memref<425984xi32, #tpu.memory_space<hbm>> -> memref<128xi32, #tpu.memory_space<hbm>>
        tpu.wait_dma2 semaphore(%run_scoped3A_1271 : memref<!tpu.dma_semaphore, #tpu.memory_space<semaphore_mem>>) src(%dma_wait3A_1287 : memref<128xi32, #tpu.memory_space<hbm>>) dst(%dma_wait3A_1286 : memref<128xi32, #tpu.memory_space<vmem>>)
        tpu.yield
      }) : () -> ()
      %get3A_498 = arith.constant 3 : i32
      %get3A_499 = arith.index_cast %get3A_498 : i32 to index
      %get3A_500 = arith.constant 0 : index
      %get3A_501 = tpu.vector_load %arg5[%get3A_499, %get3A_500] {strides = array<i32>} : memref<4x128xi32, #tpu.memory_space<vmem>>, vector<16xi32>,
      %and3A_502 = arith.constant 15 : i32
      %and3A_503 = vector.broadcast %and3A_502 : i32 to vector<16xi32>
      %and3A_504 = arith.andi %get3A_501, %and3A_503 : vector<16xi32>
      %swap3A_505 = arith.constant 3 : i32
      %swap3A_506 = arith.index_cast %swap3A_505 : i32 to index
      %swap3A_507 = arith.constant 0 : index
      %swap3A_508 = tpu.vector_load %arg6[%swap3A_506, %swap3A_507] {strides = array<i32>} : memref<4x128xi32, #tpu.memory_space<vmem>>, vector<16xi32>,
      tpu.vector_store %arg6[%swap3A_506, %swap3A_507], %and3A_504 {strides = array<i32>} : memref<4x128xi32, #tpu.memory_space<vmem>>, vector<16xi32>,
      %shift_right_logical3A_509 = arith.constant 4 : i32
      %shift_right_logical3A_510 = vector.broadcast %shift_right_logical3A_509 : i32 to vector<16xi32>
      %shift_right_logical3A_511 = arith.shrui %get3A_501, %shift_right_logical3A_510 : vector<16xi32>
      %swap3A_512 = arith.constant 3 : i32
      %swap3A_513 = arith.index_cast %swap3A_512 : i32 to index
      %swap3A_514 = arith.constant 0 : index
      %swap3A_515 = tpu.vector_load %arg5[%swap3A_513, %swap3A_514] {strides = array<i32>} : memref<4x128xi32, #tpu.memory_space<vmem>>, vector<16xi32>,
      tpu.vector_store %arg5[%swap3A_513, %swap3A_514], %shift_right_logical3A_511 {strides = array<i32>} : memref<4x128xi32, #tpu.memory_space<vmem>>, vector<16xi32>,
      %get3A_516 = arith.constant 3 : i32
      %get3A_517 = arith.index_cast %get3A_516 : i32 to index
      %get3A_518 = arith.constant 16 : index
      %get3A_519 = tpu.vector_load %arg5[%get3A_517, %get3A_518] {strides = array<i32>} : memref<4x128xi32, #tpu.memory_space<vmem>>, vector<16xi32>,
      %and3A_520 = arith.constant 15 : i32
      %and3A_521 = vector.broadcast %and3A_520 : i32 to vector<16xi32>
      %and3A_522 = arith.andi %get3A_519, %and3A_521 : vector<16xi32>
      %swap3A_523 = arith.constant 3 : i32
      %swap3A_524 = arith.index_cast %swap3A_523 : i32 to index
      %swap3A_525 = arith.constant 16 : index
      %swap3A_526 = tpu.vector_load %arg6[%swap3A_524, %swap3A_525] {strides = array<i32>} : memref<4x128xi32, #tpu.memory_space<vmem>>, vector<16xi32>,
      tpu.vector_store %arg6[%swap3A_524, %swap3A_525], %and3A_522 {strides = array<i32>} : memref<4x128xi32, #tpu.memory_space<vmem>>, vector<16xi32>,
      %shift_right_logical3A_527 = arith.constant 4 : i32
      %shift_right_logical3A_528 = vector.broadcast %shift_right_logical3A_527 : i32 to vector<16xi32>
      %shift_right_logical3A_529 = arith.shrui %get3A_519, %shift_right_logical3A_528 : vector<16xi32>
      %swap3A_530 = arith.constant 3 : i32
      %swap3A_531 = arith.index_cast %swap3A_530 : i32 to index
      %swap3A_532 = arith.constant 16 : index
      %swap3A_533 = tpu.vector_load %arg5[%swap3A_531, %swap3A_532] {strides = array<i32>} : memref<4x128xi32, #tpu.memory_space<vmem>>, vector<16xi32>,
      tpu.vector_store %arg5[%swap3A_531, %swap3A_532], %shift_right_logical3A_529 {strides = array<i32>} : memref<4x128xi32, #tpu.memory_space<vmem>>, vector<16xi32>,
      %get3A_534 = arith.constant 3 : i32
      %get3A_535 = arith.index_cast %get3A_534 : i32 to index
      %get3A_536 = arith.constant 32 : index
      %get3A_537 = tpu.vector_load %arg5[%get3A_535, %get3A_536] {strides = array<i32>} : memref<4x128xi32, #tpu.memory_space<vmem>>, vector<16xi32>,
      %and3A_538 = arith.constant 15 : i32
      %and3A_539 = vector.broadcast %and3A_538 : i32 to vector<16xi32>
      %and3A_540 = arith.andi %get3A_537, %and3A_539 : vector<16xi32>
      %swap3A_541 = arith.constant 3 : i32
      %swap3A_542 = arith.index_cast %swap3A_541 : i32 to index
      %swap3A_543 = arith.constant 32 : index
      %swap3A_544 = tpu.vector_load %arg6[%swap3A_542, %swap3A_543] {strides = array<i32>} : memref<4x128xi32, #tpu.memory_space<vmem>>, vector<16xi32>,
      tpu.vector_store %arg6[%swap3A_542, %swap3A_543], %and3A_540 {strides = array<i32>} : memref<4x128xi32, #tpu.memory_space<vmem>>, vector<16xi32>,
      %shift_right_logical3A_545 = arith.constant 4 : i32
      %shift_right_logical3A_546 = vector.broadcast %shift_right_logical3A_545 : i32 to vector<16xi32>
      %shift_right_logical3A_547 = arith.shrui %get3A_537, %shift_right_logical3A_546 : vector<16xi32>
      %swap3A_548 = arith.constant 3 : i32
      %swap3A_549 = arith.index_cast %swap3A_548 : i32 to index
      %swap3A_550 = arith.constant 32 : index
      %swap3A_551 = tpu.vector_load %arg5[%swap3A_549, %swap3A_550] {strides = array<i32>} : memref<4x128xi32, #tpu.memory_space<vmem>>, vector<16xi32>,
      tpu.vector_store %arg5[%swap3A_549, %swap3A_550], %shift_right_logical3A_547 {strides = array<i32>} : memref<4x128xi32, #tpu.memory_space<vmem>>, vector<16xi32>,
      %get3A_552 = arith.constant 3 : i32
      %get3A_553 = arith.index_cast %get3A_552 : i32 to index
      %get3A_554 = arith.constant 48 : index
      %get3A_555 = tpu.vector_load %arg5[%get3A_553, %get3A_554] {strides = array<i32>} : memref<4x128xi32, #tpu.memory_space<vmem>>, vector<16xi32>,
      %and3A_556 = arith.constant 15 : i32
      %and3A_557 = vector.broadcast %and3A_556 : i32 to vector<16xi32>
      %and3A_558 = arith.andi %get3A_555, %and3A_557 : vector<16xi32>
      %swap3A_559 = arith.constant 3 : i32
      %swap3A_560 = arith.index_cast %swap3A_559 : i32 to index
      %swap3A_561 = arith.constant 48 : index
      %swap3A_562 = tpu.vector_load %arg6[%swap3A_560, %swap3A_561] {strides = array<i32>} : memref<4x128xi32, #tpu.memory_space<vmem>>, vector<16xi32>,
      tpu.vector_store %arg6[%swap3A_560, %swap3A_561], %and3A_558 {strides = array<i32>} : memref<4x128xi32, #tpu.memory_space<vmem>>, vector<16xi32>,
      %shift_right_logical3A_563 = arith.constant 4 : i32
      %shift_right_logical3A_564 = vector.broadcast %shift_right_logical3A_563 : i32 to vector<16xi32>
      %shift_right_logical3A_565 = arith.shrui %get3A_555, %shift_right_logical3A_564 : vector<16xi32>
      %swap3A_566 = arith.constant 3 : i32
      %swap3A_567 = arith.index_cast %swap3A_566 : i32 to index
      %swap3A_568 = arith.constant 48 : index
      %swap3A_569 = tpu.vector_load %arg5[%swap3A_567, %swap3A_568] {strides = array<i32>} : memref<4x128xi32, #tpu.memory_space<vmem>>, vector<16xi32>,
      tpu.vector_store %arg5[%swap3A_567, %swap3A_568], %shift_right_logical3A_565 {strides = array<i32>} : memref<4x128xi32, #tpu.memory_space<vmem>>, vector<16xi32>,
      %get3A_570 = arith.constant 3 : i32
      %get3A_571 = arith.index_cast %get3A_570 : i32 to index
      %get3A_572 = arith.constant 64 : index
      %get3A_573 = tpu.vector_load %arg5[%get3A_571, %get3A_572] {strides = array<i32>} : memref<4x128xi32, #tpu.memory_space<vmem>>, vector<16xi32>,
      %and3A_574 = arith.constant 15 : i32
      %and3A_575 = vector.broadcast %and3A_574 : i32 to vector<16xi32>
      %and3A_576 = arith.andi %get3A_573, %and3A_575 : vector<16xi32>
      %swap3A_577 = arith.constant 3 : i32
      %swap3A_578 = arith.index_cast %swap3A_577 : i32 to index
      %swap3A_579 = arith.constant 64 : index
      %swap3A_580 = tpu.vector_load %arg6[%swap3A_578, %swap3A_579] {strides = array<i32>} : memref<4x128xi32, #tpu.memory_space<vmem>>, vector<16xi32>,
      tpu.vector_store %arg6[%swap3A_578, %swap3A_579], %and3A_576 {strides = array<i32>} : memref<4x128xi32, #tpu.memory_space<vmem>>, vector<16xi32>,
      %shift_right_logical3A_581 = arith.constant 4 : i32
      %shift_right_logical3A_582 = vector.broadcast %shift_right_logical3A_581 : i32 to vector<16xi32>
      %shift_right_logical3A_583 = arith.shrui %get3A_573, %shift_right_logical3A_582 : vector<16xi32>
      %swap3A_584 = arith.constant 3 : i32
      %swap3A_585 = arith.index_cast %swap3A_584 : i32 to index
      %swap3A_586 = arith.constant 64 : index
      %swap3A_587 = tpu.vector_load %arg5[%swap3A_585, %swap3A_586] {strides = array<i32>} : memref<4x128xi32, #tpu.memory_space<vmem>>, vector<16xi32>,
      tpu.vector_store %arg5[%swap3A_585, %swap3A_586], %shift_right_logical3A_583 {strides = array<i32>} : memref<4x128xi32, #tpu.memory_space<vmem>>, vector<16xi32>,
      %get3A_588 = arith.constant 3 : i32
      %get3A_589 = arith.index_cast %get3A_588 : i32 to index
      %get3A_590 = arith.constant 80 : index
      %get3A_591 = tpu.vector_load %arg5[%get3A_589, %get3A_590] {strides = array<i32>} : memref<4x128xi32, #tpu.memory_space<vmem>>, vector<16xi32>,
      %and3A_592 = arith.constant 15 : i32
      %and3A_593 = vector.broadcast %and3A_592 : i32 to vector<16xi32>
      %and3A_594 = arith.andi %get3A_591, %and3A_593 : vector<16xi32>
      %swap3A_595 = arith.constant 3 : i32
      %swap3A_596 = arith.index_cast %swap3A_595 : i32 to index
      %swap3A_597 = arith.constant 80 : index
      %swap3A_598 = tpu.vector_load %arg6[%swap3A_596, %swap3A_597] {strides = array<i32>} : memref<4x128xi32, #tpu.memory_space<vmem>>, vector<16xi32>,
      tpu.vector_store %arg6[%swap3A_596, %swap3A_597], %and3A_594 {strides = array<i32>} : memref<4x128xi32, #tpu.memory_space<vmem>>, vector<16xi32>,
      %shift_right_logical3A_599 = arith.constant 4 : i32
      %shift_right_logical3A_600 = vector.broadcast %shift_right_logical3A_599 : i32 to vector<16xi32>
      %shift_right_logical3A_601 = arith.shrui %get3A_591, %shift_right_logical3A_600 : vector<16xi32>
      %swap3A_602 = arith.constant 3 : i32
      %swap3A_603 = arith.index_cast %swap3A_602 : i32 to index
      %swap3A_604 = arith.constant 80 : index
      %swap3A_605 = tpu.vector_load %arg5[%swap3A_603, %swap3A_604] {strides = array<i32>} : memref<4x128xi32, #tpu.memory_space<vmem>>, vector<16xi32>,
      tpu.vector_store %arg5[%swap3A_603, %swap3A_604], %shift_right_logical3A_601 {strides = array<i32>} : memref<4x128xi32, #tpu.memory_space<vmem>>, vector<16xi32>,
      %get3A_606 = arith.constant 3 : i32
      %get3A_607 = arith.index_cast %get3A_606 : i32 to index
      %get3A_608 = arith.constant 96 : index
      %get3A_609 = tpu.vector_load %arg5[%get3A_607, %get3A_608] {strides = array<i32>} : memref<4x128xi32, #tpu.memory_space<vmem>>, vector<16xi32>,
      %and3A_610 = arith.constant 15 : i32
      %and3A_611 = vector.broadcast %and3A_610 : i32 to vector<16xi32>
      %and3A_612 = arith.andi %get3A_609, %and3A_611 : vector<16xi32>
      %swap3A_613 = arith.constant 3 : i32
      %swap3A_614 = arith.index_cast %swap3A_613 : i32 to index
      %swap3A_615 = arith.constant 96 : index
      %swap3A_616 = tpu.vector_load %arg6[%swap3A_614, %swap3A_615] {strides = array<i32>} : memref<4x128xi32, #tpu.memory_space<vmem>>, vector<16xi32>,
      tpu.vector_store %arg6[%swap3A_614, %swap3A_615], %and3A_612 {strides = array<i32>} : memref<4x128xi32, #tpu.memory_space<vmem>>, vector<16xi32>,
      %shift_right_logical3A_617 = arith.constant 4 : i32
      %shift_right_logical3A_618 = vector.broadcast %shift_right_logical3A_617 : i32 to vector<16xi32>
      %shift_right_logical3A_619 = arith.shrui %get3A_609, %shift_right_logical3A_618 : vector<16xi32>
      %swap3A_620 = arith.constant 3 : i32
      %swap3A_621 = arith.index_cast %swap3A_620 : i32 to index
      %swap3A_622 = arith.constant 96 : index
      %swap3A_623 = tpu.vector_load %arg5[%swap3A_621, %swap3A_622] {strides = array<i32>} : memref<4x128xi32, #tpu.memory_space<vmem>>, vector<16xi32>,
      tpu.vector_store %arg5[%swap3A_621, %swap3A_622], %shift_right_logical3A_619 {strides = array<i32>} : memref<4x128xi32, #tpu.memory_space<vmem>>, vector<16xi32>,
      %get3A_624 = arith.constant 3 : i32
      %get3A_625 = arith.index_cast %get3A_624 : i32 to index
      %get3A_626 = arith.constant 112 : index
      %get3A_627 = tpu.vector_load %arg5[%get3A_625, %get3A_626] {strides = array<i32>} : memref<4x128xi32, #tpu.memory_space<vmem>>, vector<16xi32>,
      %and3A_628 = arith.constant 15 : i32
      %and3A_629 = vector.broadcast %and3A_628 : i32 to vector<16xi32>
      %and3A_630 = arith.andi %get3A_627, %and3A_629 : vector<16xi32>
      %swap3A_631 = arith.constant 3 : i32
      %swap3A_632 = arith.index_cast %swap3A_631 : i32 to index
      %swap3A_633 = arith.constant 112 : index
      %swap3A_634 = tpu.vector_load %arg6[%swap3A_632, %swap3A_633] {strides = array<i32>} : memref<4x128xi32, #tpu.memory_space<vmem>>, vector<16xi32>,
      tpu.vector_store %arg6[%swap3A_632, %swap3A_633], %and3A_630 {strides = array<i32>} : memref<4x128xi32, #tpu.memory_space<vmem>>, vector<16xi32>,
      %shift_right_logical3A_635 = arith.constant 4 : i32
      %shift_right_logical3A_636 = vector.broadcast %shift_right_logical3A_635 : i32 to vector<16xi32>
      %shift_right_logical3A_637 = arith.shrui %get3A_627, %shift_right_logical3A_636 : vector<16xi32>
      %swap3A_638 = arith.constant 3 : i32
      %swap3A_639 = arith.index_cast %swap3A_638 : i32 to index
      %swap3A_640 = arith.constant 112 : index
      %swap3A_641 = tpu.vector_load %arg5[%swap3A_639, %swap3A_640] {strides = array<i32>} : memref<4x128xi32, #tpu.memory_space<vmem>>, vector<16xi32>,
      tpu.vector_store %arg5[%swap3A_639, %swap3A_640], %shift_right_logical3A_637 {strides = array<i32>} : memref<4x128xi32, #tpu.memory_space<vmem>>, vector<16xi32>,
      %dma_start3A_642 = arith.constant 3 : i32
      %dma_start3A_643 = arith.constant 3 : i32
      %dma_start3A_644 = arith.constant 3 : i32
      %dma_start3A_645 = arith.constant 0 : i32
      %dma_start3A_646 = arith.constant 0 : i32
      %dma_start3A_647 = tpu.memref_slice %arg7[%dma_start3A_643, %dma_start3A_645, %dma_start3A_646] : memref<4x128x16xf32, #tpu.memory_space<vmem>> -> memref<1x128x16xf32, #tpu.memory_space<vmem>>
      %dma_start3A_648 = tpu.memref_squeeze %dma_start3A_647 : memref<1x128x16xf32, #tpu.memory_space<vmem>> -> memref<128x16xf32, #tpu.memory_space<vmem>>
      %dma_start3A_649 = arith.constant 0 : i32
      %dma_start3A_650 = tpu.memref_slice %arg5[%dma_start3A_642, %dma_start3A_649] : memref<4x128xi32, #tpu.memory_space<vmem>> -> memref<1x128xi32, #tpu.memory_space<vmem>>
      %dma_start3A_651 = tpu.memref_squeeze %dma_start3A_650 : memref<1x128xi32, #tpu.memory_space<vmem>> -> memref<128xi32, #tpu.memory_space<vmem>>
      %dma_start3A_652 = arith.constant 0 : i32
      %dma_start3A_653 = arith.constant 0 : i32
      %dma_start3A_654 = tpu.memref_slice %arg3[%dma_start3A_652, %dma_start3A_653] : memref<162500x16xf32, #tpu.memory_space<hbm>> -> memref<162500x16xf32, #tpu.memory_space<hbm>>
      %dma_start3A_655 = tpu.memref_slice %arg9[%dma_start3A_644] : memref<4x!tpu.dma_semaphore, #tpu.memory_space<semaphore_mem>> -> memref<1x!tpu.dma_semaphore, #tpu.memory_space<semaphore_mem>>
      %dma_start3A_656 = tpu.memref_squeeze %dma_start3A_655 : memref<1x!tpu.dma_semaphore, #tpu.memory_space<semaphore_mem>> -> memref<!tpu.dma_semaphore, #tpu.memory_space<semaphore_mem>>
      tpu.enqueue_indirect_dma source(%dma_start3A_654 : memref<162500x16xf32, #tpu.memory_space<hbm>>) target(%dma_start3A_648 : memref<128x16xf32, #tpu.memory_space<vmem>>) offsets(%dma_start3A_651 : memref<128xi32, #tpu.memory_space<vmem>>) semaphore(%dma_start3A_656 : memref<!tpu.dma_semaphore, #tpu.memory_space<semaphore_mem>>)
      %add3A_657 = arith.constant 0 : i32
      %add3A_658 = arith.addi %add3A_14, %add3A_657 : i32
      %dma_wait3A = arith.constant 0 : i32
      %dma_wait3A_659 = arith.constant 0 : i32
      %dma_wait3A_660 = arith.constant 0 : i32
      %dma_wait3A_661 = arith.constant 0 : i32
      %dma_wait3A_662 = arith.constant 0 : i32
      %dma_wait3A_663 = tpu.memref_slice %arg7[%dma_wait3A_659, %dma_wait3A_661, %dma_wait3A_662] : memref<4x128x16xf32, #tpu.memory_space<vmem>> -> memref<1x128x16xf32, #tpu.memory_space<vmem>>
      %dma_wait3A_664 = tpu.memref_squeeze %dma_wait3A_663 : memref<1x128x16xf32, #tpu.memory_space<vmem>> -> memref<128x16xf32, #tpu.memory_space<vmem>>
      %dma_wait3A_665 = arith.constant 0 : i32
      %dma_wait3A_666 = tpu.memref_slice %arg5[%dma_wait3A, %dma_wait3A_665] : memref<4x128xi32, #tpu.memory_space<vmem>> -> memref<1x128xi32, #tpu.memory_space<vmem>>
      %dma_wait3A_667 = tpu.memref_squeeze %dma_wait3A_666 : memref<1x128xi32, #tpu.memory_space<vmem>> -> memref<128xi32, #tpu.memory_space<vmem>>
      %dma_wait3A_668 = arith.constant 0 : i32
      %dma_wait3A_669 = arith.constant 0 : i32
      %dma_wait3A_670 = tpu.memref_slice %arg3[%dma_wait3A_668, %dma_wait3A_669] : memref<162500x16xf32, #tpu.memory_space<hbm>> -> memref<162500x16xf32, #tpu.memory_space<hbm>>
      %dma_wait3A_671 = tpu.memref_slice %arg9[%dma_wait3A_660] : memref<4x!tpu.dma_semaphore, #tpu.memory_space<semaphore_mem>> -> memref<1x!tpu.dma_semaphore, #tpu.memory_space<semaphore_mem>>
      %dma_wait3A_672 = tpu.memref_squeeze %dma_wait3A_671 : memref<1x!tpu.dma_semaphore, #tpu.memory_space<semaphore_mem>> -> memref<!tpu.dma_semaphore, #tpu.memory_space<semaphore_mem>>
      tpu.wait_indirect_dma semaphore(%dma_wait3A_672 : memref<!tpu.dma_semaphore, #tpu.memory_space<semaphore_mem>>) src(%dma_wait3A_670 : memref<162500x16xf32, #tpu.memory_space<hbm>>) dst(%dma_wait3A_664 : memref<128x16xf32, #tpu.memory_space<vmem>>)
      %add3A_673 = arith.constant 0 : i32
      %add3A_674 = vector.broadcast %add3A_673 : i32 to vector<16xi32>
      %add3A_675 = arith.addi %iota3A, %add3A_674 : vector<16xi32>
      %get3A_676 = arith.constant 0 : i32
      %get3A_677 = arith.index_cast %get3A_676 : i32 to index
      %get3A_678 = arith.constant 0 : index
      %get3A_679 = tpu.vector_load %arg6[%get3A_677, %get3A_678] {strides = array<i32>} : memref<4x128xi32, #tpu.memory_space<vmem>>, vector<16xi32>,
      %gather3A = arith.constant 0 : i32
      %gather3A_680 = arith.constant 0 : i32
      %gather3A_681 = arith.constant 0 : i32
      %gather3A_682 = tpu.memref_slice %arg7[%gather3A, %gather3A_680, %gather3A_681] : memref<4x128x16xf32, #tpu.memory_space<vmem>> -> memref<1x128x16xf32, #tpu.memory_space<vmem>>
      %gather3A_683 = tpu.memref_squeeze %gather3A_682 : memref<1x128x16xf32, #tpu.memory_space<vmem>> -> memref<128x16xf32, #tpu.memory_space<vmem>>
      %gather3A_684 = tpu.vector_load_idx %gather3A_683[%add3A_675, %get3A_679] : memref<128x16xf32, #tpu.memory_space<vmem>>[vector<16xi32>, vector<16xi32>], vector<16xf32>,
      %swap3A_685 = arith.constant 0 : i32
      %swap3A_686 = arith.index_cast %swap3A_685 : i32 to index
      %swap3A_687 = arith.constant 0 : index
      %swap3A_688 = tpu.vector_load %arg8[%swap3A_686, %swap3A_687] {strides = array<i32>} : memref<4x128xf32, #tpu.memory_space<vmem>>, vector<16xf32>,
      tpu.vector_store %arg8[%swap3A_686, %swap3A_687], %gather3A_684 {strides = array<i32>} : memref<4x128xf32, #tpu.memory_space<vmem>>, vector<16xf32>,
      %add3A_689 = arith.constant 16 : i32
      %add3A_690 = vector.broadcast %add3A_689 : i32 to vector<16xi32>
      %add3A_691 = arith.addi %iota3A, %add3A_690 : vector<16xi32>
      %get3A_692 = arith.constant 0 : i32
      %get3A_693 = arith.index_cast %get3A_692 : i32 to index
      %get3A_694 = arith.constant 16 : index
      %get3A_695 = tpu.vector_load %arg6[%get3A_693, %get3A_694] {strides = array<i32>} : memref<4x128xi32, #tpu.memory_space<vmem>>, vector<16xi32>,
      %gather3A_696 = arith.constant 0 : i32
      %gather3A_697 = arith.constant 0 : i32
      %gather3A_698 = arith.constant 0 : i32
      %gather3A_699 = tpu.memref_slice %arg7[%gather3A_696, %gather3A_697, %gather3A_698] : memref<4x128x16xf32, #tpu.memory_space<vmem>> -> memref<1x128x16xf32, #tpu.memory_space<vmem>>
      %gather3A_700 = tpu.memref_squeeze %gather3A_699 : memref<1x128x16xf32, #tpu.memory_space<vmem>> -> memref<128x16xf32, #tpu.memory_space<vmem>>
      %gather3A_701 = tpu.vector_load_idx %gather3A_700[%add3A_691, %get3A_695] : memref<128x16xf32, #tpu.memory_space<vmem>>[vector<16xi32>, vector<16xi32>], vector<16xf32>,
      %swap3A_702 = arith.constant 0 : i32
      %swap3A_703 = arith.index_cast %swap3A_702 : i32 to index
      %swap3A_704 = arith.constant 16 : index
      %swap3A_705 = tpu.vector_load %arg8[%swap3A_703, %swap3A_704] {strides = array<i32>} : memref<4x128xf32, #tpu.memory_space<vmem>>, vector<16xf32>,
      tpu.vector_store %arg8[%swap3A_703, %swap3A_704], %gather3A_701 {strides = array<i32>} : memref<4x128xf32, #tpu.memory_space<vmem>>, vector<16xf32>,
      %add3A_706 = arith.constant 32 : i32
      %add3A_707 = vector.broadcast %add3A_706 : i32 to vector<16xi32>
      %add3A_708 = arith.addi %iota3A, %add3A_707 : vector<16xi32>
      %get3A_709 = arith.constant 0 : i32
      %get3A_710 = arith.index_cast %get3A_709 : i32 to index
      %get3A_711 = arith.constant 32 : index
      %get3A_712 = tpu.vector_load %arg6[%get3A_710, %get3A_711] {strides = array<i32>} : memref<4x128xi32, #tpu.memory_space<vmem>>, vector<16xi32>,
      %gather3A_713 = arith.constant 0 : i32
      %gather3A_714 = arith.constant 0 : i32
      %gather3A_715 = arith.constant 0 : i32
      %gather3A_716 = tpu.memref_slice %arg7[%gather3A_713, %gather3A_714, %gather3A_715] : memref<4x128x16xf32, #tpu.memory_space<vmem>> -> memref<1x128x16xf32, #tpu.memory_space<vmem>>
      %gather3A_717 = tpu.memref_squeeze %gather3A_716 : memref<1x128x16xf32, #tpu.memory_space<vmem>> -> memref<128x16xf32, #tpu.memory_space<vmem>>
      %gather3A_718 = tpu.vector_load_idx %gather3A_717[%add3A_708, %get3A_712] : memref<128x16xf32, #tpu.memory_space<vmem>>[vector<16xi32>, vector<16xi32>], vector<16xf32>,
      %swap3A_719 = arith.constant 0 : i32
      %swap3A_720 = arith.index_cast %swap3A_719 : i32 to index
      %swap3A_721 = arith.constant 32 : index
      %swap3A_722 = tpu.vector_load %arg8[%swap3A_720, %swap3A_721] {strides = array<i32>} : memref<4x128xf32, #tpu.memory_space<vmem>>, vector<16xf32>,
      tpu.vector_store %arg8[%swap3A_720, %swap3A_721], %gather3A_718 {strides = array<i32>} : memref<4x128xf32, #tpu.memory_space<vmem>>, vector<16xf32>,
      %add3A_723 = arith.constant 48 : i32
      %add3A_724 = vector.broadcast %add3A_723 : i32 to vector<16xi32>
      %add3A_725 = arith.addi %iota3A, %add3A_724 : vector<16xi32>
      %get3A_726 = arith.constant 0 : i32
      %get3A_727 = arith.index_cast %get3A_726 : i32 to index
      %get3A_728 = arith.constant 48 : index
      %get3A_729 = tpu.vector_load %arg6[%get3A_727, %get3A_728] {strides = array<i32>} : memref<4x128xi32, #tpu.memory_space<vmem>>, vector<16xi32>,
      %gather3A_730 = arith.constant 0 : i32
      %gather3A_731 = arith.constant 0 : i32
      %gather3A_732 = arith.constant 0 : i32
      %gather3A_733 = tpu.memref_slice %arg7[%gather3A_730, %gather3A_731, %gather3A_732] : memref<4x128x16xf32, #tpu.memory_space<vmem>> -> memref<1x128x16xf32, #tpu.memory_space<vmem>>
      %gather3A_734 = tpu.memref_squeeze %gather3A_733 : memref<1x128x16xf32, #tpu.memory_space<vmem>> -> memref<128x16xf32, #tpu.memory_space<vmem>>
      %gather3A_735 = tpu.vector_load_idx %gather3A_734[%add3A_725, %get3A_729] : memref<128x16xf32, #tpu.memory_space<vmem>>[vector<16xi32>, vector<16xi32>], vector<16xf32>,
      %swap3A_736 = arith.constant 0 : i32
      %swap3A_737 = arith.index_cast %swap3A_736 : i32 to index
      %swap3A_738 = arith.constant 48 : index
      %swap3A_739 = tpu.vector_load %arg8[%swap3A_737, %swap3A_738] {strides = array<i32>} : memref<4x128xf32, #tpu.memory_space<vmem>>, vector<16xf32>,
      tpu.vector_store %arg8[%swap3A_737, %swap3A_738], %gather3A_735 {strides = array<i32>} : memref<4x128xf32, #tpu.memory_space<vmem>>, vector<16xf32>,
      %add3A_740 = arith.constant 64 : i32
      %add3A_741 = vector.broadcast %add3A_740 : i32 to vector<16xi32>
      %add3A_742 = arith.addi %iota3A, %add3A_741 : vector<16xi32>
      %get3A_743 = arith.constant 0 : i32
      %get3A_744 = arith.index_cast %get3A_743 : i32 to index
      %get3A_745 = arith.constant 64 : index
      %get3A_746 = tpu.vector_load %arg6[%get3A_744, %get3A_745] {strides = array<i32>} : memref<4x128xi32, #tpu.memory_space<vmem>>, vector<16xi32>,
      %gather3A_747 = arith.constant 0 : i32
      %gather3A_748 = arith.constant 0 : i32
      %gather3A_749 = arith.constant 0 : i32
      %gather3A_750 = tpu.memref_slice %arg7[%gather3A_747, %gather3A_748, %gather3A_749] : memref<4x128x16xf32, #tpu.memory_space<vmem>> -> memref<1x128x16xf32, #tpu.memory_space<vmem>>
      %gather3A_751 = tpu.memref_squeeze %gather3A_750 : memref<1x128x16xf32, #tpu.memory_space<vmem>> -> memref<128x16xf32, #tpu.memory_space<vmem>>
      %gather3A_752 = tpu.vector_load_idx %gather3A_751[%add3A_742, %get3A_746] : memref<128x16xf32, #tpu.memory_space<vmem>>[vector<16xi32>, vector<16xi32>], vector<16xf32>,
      %swap3A_753 = arith.constant 0 : i32
      %swap3A_754 = arith.index_cast %swap3A_753 : i32 to index
      %swap3A_755 = arith.constant 64 : index
      %swap3A_756 = tpu.vector_load %arg8[%swap3A_754, %swap3A_755] {strides = array<i32>} : memref<4x128xf32, #tpu.memory_space<vmem>>, vector<16xf32>,
      tpu.vector_store %arg8[%swap3A_754, %swap3A_755], %gather3A_752 {strides = array<i32>} : memref<4x128xf32, #tpu.memory_space<vmem>>, vector<16xf32>,
      %add3A_757 = arith.constant 80 : i32
      %add3A_758 = vector.broadcast %add3A_757 : i32 to vector<16xi32>
      %add3A_759 = arith.addi %iota3A, %add3A_758 : vector<16xi32>
      %get3A_760 = arith.constant 0 : i32
      %get3A_761 = arith.index_cast %get3A_760 : i32 to index
      %get3A_762 = arith.constant 80 : index
      %get3A_763 = tpu.vector_load %arg6[%get3A_761, %get3A_762] {strides = array<i32>} : memref<4x128xi32, #tpu.memory_space<vmem>>, vector<16xi32>,
      %gather3A_764 = arith.constant 0 : i32
      %gather3A_765 = arith.constant 0 : i32
      %gather3A_766 = arith.constant 0 : i32
      %gather3A_767 = tpu.memref_slice %arg7[%gather3A_764, %gather3A_765, %gather3A_766] : memref<4x128x16xf32, #tpu.memory_space<vmem>> -> memref<1x128x16xf32, #tpu.memory_space<vmem>>
      %gather3A_768 = tpu.memref_squeeze %gather3A_767 : memref<1x128x16xf32, #tpu.memory_space<vmem>> -> memref<128x16xf32, #tpu.memory_space<vmem>>
      %gather3A_769 = tpu.vector_load_idx %gather3A_768[%add3A_759, %get3A_763] : memref<128x16xf32, #tpu.memory_space<vmem>>[vector<16xi32>, vector<16xi32>], vector<16xf32>,
      %swap3A_770 = arith.constant 0 : i32
      %swap3A_771 = arith.index_cast %swap3A_770 : i32 to index
      %swap3A_772 = arith.constant 80 : index
      %swap3A_773 = tpu.vector_load %arg8[%swap3A_771, %swap3A_772] {strides = array<i32>} : memref<4x128xf32, #tpu.memory_space<vmem>>, vector<16xf32>,
      tpu.vector_store %arg8[%swap3A_771, %swap3A_772], %gather3A_769 {strides = array<i32>} : memref<4x128xf32, #tpu.memory_space<vmem>>, vector<16xf32>,
      %add3A_774 = arith.constant 96 : i32
      %add3A_775 = vector.broadcast %add3A_774 : i32 to vector<16xi32>
      %add3A_776 = arith.addi %iota3A, %add3A_775 : vector<16xi32>
      %get3A_777 = arith.constant 0 : i32
      %get3A_778 = arith.index_cast %get3A_777 : i32 to index
      %get3A_779 = arith.constant 96 : index
      %get3A_780 = tpu.vector_load %arg6[%get3A_778, %get3A_779] {strides = array<i32>} : memref<4x128xi32, #tpu.memory_space<vmem>>, vector<16xi32>,
      %gather3A_781 = arith.constant 0 : i32
      %gather3A_782 = arith.constant 0 : i32
      %gather3A_783 = arith.constant 0 : i32
      %gather3A_784 = tpu.memref_slice %arg7[%gather3A_781, %gather3A_782, %gather3A_783] : memref<4x128x16xf32, #tpu.memory_space<vmem>> -> memref<1x128x16xf32, #tpu.memory_space<vmem>>
      %gather3A_785 = tpu.memref_squeeze %gather3A_784 : memref<1x128x16xf32, #tpu.memory_space<vmem>> -> memref<128x16xf32, #tpu.memory_space<vmem>>
      %gather3A_786 = tpu.vector_load_idx %gather3A_785[%add3A_776, %get3A_780] : memref<128x16xf32, #tpu.memory_space<vmem>>[vector<16xi32>, vector<16xi32>], vector<16xf32>,
      %swap3A_787 = arith.constant 0 : i32
      %swap3A_788 = arith.index_cast %swap3A_787 : i32 to index
      %swap3A_789 = arith.constant 96 : index
      %swap3A_790 = tpu.vector_load %arg8[%swap3A_788, %swap3A_789] {strides = array<i32>} : memref<4x128xf32, #tpu.memory_space<vmem>>, vector<16xf32>,
      tpu.vector_store %arg8[%swap3A_788, %swap3A_789], %gather3A_786 {strides = array<i32>} : memref<4x128xf32, #tpu.memory_space<vmem>>, vector<16xf32>,
      %add3A_791 = arith.constant 112 : i32
      %add3A_792 = vector.broadcast %add3A_791 : i32 to vector<16xi32>
      %add3A_793 = arith.addi %iota3A, %add3A_792 : vector<16xi32>
      %get3A_794 = arith.constant 0 : i32
      %get3A_795 = arith.index_cast %get3A_794 : i32 to index
      %get3A_796 = arith.constant 112 : index
      %get3A_797 = tpu.vector_load %arg6[%get3A_795, %get3A_796] {strides = array<i32>} : memref<4x128xi32, #tpu.memory_space<vmem>>, vector<16xi32>,
      %gather3A_798 = arith.constant 0 : i32
      %gather3A_799 = arith.constant 0 : i32
      %gather3A_800 = arith.constant 0 : i32
      %gather3A_801 = tpu.memref_slice %arg7[%gather3A_798, %gather3A_799, %gather3A_800] : memref<4x128x16xf32, #tpu.memory_space<vmem>> -> memref<1x128x16xf32, #tpu.memory_space<vmem>>
      %gather3A_802 = tpu.memref_squeeze %gather3A_801 : memref<1x128x16xf32, #tpu.memory_space<vmem>> -> memref<128x16xf32, #tpu.memory_space<vmem>>
      %gather3A_803 = tpu.vector_load_idx %gather3A_802[%add3A_793, %get3A_797] : memref<128x16xf32, #tpu.memory_space<vmem>>[vector<16xi32>, vector<16xi32>], vector<16xf32>,
      %swap3A_804 = arith.constant 0 : i32
      %swap3A_805 = arith.index_cast %swap3A_804 : i32 to index
      %swap3A_806 = arith.constant 112 : index
      %swap3A_807 = tpu.vector_load %arg8[%swap3A_805, %swap3A_806] {strides = array<i32>} : memref<4x128xf32, #tpu.memory_space<vmem>>, vector<16xf32>,
      tpu.vector_store %arg8[%swap3A_805, %swap3A_806], %gather3A_803 {strides = array<i32>} : memref<4x128xf32, #tpu.memory_space<vmem>>, vector<16xf32>,
      %run_scoped3A_808 = arith.constant 0 : i32
      "tpu.region"() ({
        %run_scoped3A_1271 = tpu.sem_alloc : memref<!tpu.dma_semaphore, #tpu.memory_space<semaphore_mem>>
        %dma_start3A_1272 = arith.constant 0 : i32
        %dma_start3A_1273 = tpu.memref_slice %arg8[%run_scoped3A_808, %dma_start3A_1272] : memref<4x128xf32, #tpu.memory_space<vmem>> -> memref<1x128xf32, #tpu.memory_space<vmem>>
        %dma_start3A_1274 = tpu.memref_squeeze %dma_start3A_1273 : memref<1x128xf32, #tpu.memory_space<vmem>> -> memref<128xf32, #tpu.memory_space<vmem>>
        %dma_start3A_1275 = tpu.memref_slice %arg4[%add3A_658] : memref<425984xf32, #tpu.memory_space<hbm>> -> memref<128xf32, #tpu.memory_space<hbm>>
        %dma_start3A_1276 = tpu.memref_slice %arg4[%add3A_658] : memref<425984xf32, #tpu.memory_space<hbm>> -> memref<128xf32, #tpu.memory_space<hbm>>
        %dma_start3A_1277 = arith.constant 0 : i32
        %dma_start3A_1278 = tpu.memref_slice %arg8[%run_scoped3A_808, %dma_start3A_1277] : memref<4x128xf32, #tpu.memory_space<vmem>> -> memref<1x128xf32, #tpu.memory_space<vmem>>
        %dma_start3A_1279 = tpu.memref_squeeze %dma_start3A_1278 : memref<1x128xf32, #tpu.memory_space<vmem>> -> memref<128xf32, #tpu.memory_space<vmem>>
        tpu.enqueue_dma source(%dma_start3A_1279 : memref<128xf32, #tpu.memory_space<vmem>>) target(%dma_start3A_1276 : memref<128xf32, #tpu.memory_space<hbm>>) target_semaphore(%run_scoped3A_1271 : memref<!tpu.dma_semaphore, #tpu.memory_space<semaphore_mem>>)
        %dma_wait3A_1280 = arith.constant 0 : i32
        %dma_wait3A_1281 = tpu.memref_slice %arg8[%run_scoped3A_808, %dma_wait3A_1280] : memref<4x128xf32, #tpu.memory_space<vmem>> -> memref<1x128xf32, #tpu.memory_space<vmem>>
        %dma_wait3A_1282 = tpu.memref_squeeze %dma_wait3A_1281 : memref<1x128xf32, #tpu.memory_space<vmem>> -> memref<128xf32, #tpu.memory_space<vmem>>
        %dma_wait3A_1283 = tpu.memref_slice %arg4[%add3A_658] : memref<425984xf32, #tpu.memory_space<hbm>> -> memref<128xf32, #tpu.memory_space<hbm>>
        %dma_wait3A_1284 = tpu.memref_slice %arg4[%add3A_658] : memref<425984xf32, #tpu.memory_space<hbm>> -> memref<128xf32, #tpu.memory_space<hbm>>
        %dma_wait3A_1285 = arith.constant 0 : i32
        %dma_wait3A_1286 = tpu.memref_slice %arg8[%run_scoped3A_808, %dma_wait3A_1285] : memref<4x128xf32, #tpu.memory_space<vmem>> -> memref<1x128xf32, #tpu.memory_space<vmem>>
        %dma_wait3A_1287 = tpu.memref_squeeze %dma_wait3A_1286 : memref<1x128xf32, #tpu.memory_space<vmem>> -> memref<128xf32, #tpu.memory_space<vmem>>
        tpu.wait_dma2 semaphore(%run_scoped3A_1271 : memref<!tpu.dma_semaphore, #tpu.memory_space<semaphore_mem>>) src(%dma_wait3A_1287 : memref<128xf32, #tpu.memory_space<vmem>>) dst(%dma_wait3A_1284 : memref<128xf32, #tpu.memory_space<hbm>>)
        tpu.yield
      }) : () -> ()
      %add3A_809 = arith.constant 128 : i32
      %add3A_810 = arith.addi %add3A_14, %add3A_809 : i32
      %dma_wait3A_811 = arith.constant 1 : i32
      %dma_wait3A_812 = arith.constant 1 : i32
      %dma_wait3A_813 = arith.constant 1 : i32
      %dma_wait3A_814 = arith.constant 0 : i32
      %dma_wait3A_815 = arith.constant 0 : i32
      %dma_wait3A_816 = tpu.memref_slice %arg7[%dma_wait3A_812, %dma_wait3A_814, %dma_wait3A_815] : memref<4x128x16xf32, #tpu.memory_space<vmem>> -> memref<1x128x16xf32, #tpu.memory_space<vmem>>
      %dma_wait3A_817 = tpu.memref_squeeze %dma_wait3A_816 : memref<1x128x16xf32, #tpu.memory_space<vmem>> -> memref<128x16xf32, #tpu.memory_space<vmem>>
      %dma_wait3A_818 = arith.constant 0 : i32
      %dma_wait3A_819 = tpu.memref_slice %arg5[%dma_wait3A_811, %dma_wait3A_818] : memref<4x128xi32, #tpu.memory_space<vmem>> -> memref<1x128xi32, #tpu.memory_space<vmem>>
      %dma_wait3A_820 = tpu.memref_squeeze %dma_wait3A_819 : memref<1x128xi32, #tpu.memory_space<vmem>> -> memref<128xi32, #tpu.memory_space<vmem>>
      %dma_wait3A_821 = arith.constant 0 : i32
      %dma_wait3A_822 = arith.constant 0 : i32
      %dma_wait3A_823 = tpu.memref_slice %arg3[%dma_wait3A_821, %dma_wait3A_822] : memref<162500x16xf32, #tpu.memory_space<hbm>> -> memref<162500x16xf32, #tpu.memory_space<hbm>>
      %dma_wait3A_824 = tpu.memref_slice %arg9[%dma_wait3A_813] : memref<4x!tpu.dma_semaphore, #tpu.memory_space<semaphore_mem>> -> memref<1x!tpu.dma_semaphore, #tpu.memory_space<semaphore_mem>>
      %dma_wait3A_825 = tpu.memref_squeeze %dma_wait3A_824 : memref<1x!tpu.dma_semaphore, #tpu.memory_space<semaphore_mem>> -> memref<!tpu.dma_semaphore, #tpu.memory_space<semaphore_mem>>
      tpu.wait_indirect_dma semaphore(%dma_wait3A_825 : memref<!tpu.dma_semaphore, #tpu.memory_space<semaphore_mem>>) src(%dma_wait3A_823 : memref<162500x16xf32, #tpu.memory_space<hbm>>) dst(%dma_wait3A_817 : memref<128x16xf32, #tpu.memory_space<vmem>>)
      %add3A_826 = arith.constant 0 : i32
      %add3A_827 = vector.broadcast %add3A_826 : i32 to vector<16xi32>
      %add3A_828 = arith.addi %iota3A, %add3A_827 : vector<16xi32>
      %get3A_829 = arith.constant 1 : i32
      %get3A_830 = arith.index_cast %get3A_829 : i32 to index
      %get3A_831 = arith.constant 0 : index
      %get3A_832 = tpu.vector_load %arg6[%get3A_830, %get3A_831] {strides = array<i32>} : memref<4x128xi32, #tpu.memory_space<vmem>>, vector<16xi32>,
      %gather3A_833 = arith.constant 1 : i32
      %gather3A_834 = arith.constant 0 : i32
      %gather3A_835 = arith.constant 0 : i32
      %gather3A_836 = tpu.memref_slice %arg7[%gather3A_833, %gather3A_834, %gather3A_835] : memref<4x128x16xf32, #tpu.memory_space<vmem>> -> memref<1x128x16xf32, #tpu.memory_space<vmem>>
      %gather3A_837 = tpu.memref_squeeze %gather3A_836 : memref<1x128x16xf32, #tpu.memory_space<vmem>> -> memref<128x16xf32, #tpu.memory_space<vmem>>
      %gather3A_838 = tpu.vector_load_idx %gather3A_837[%add3A_828, %get3A_832] : memref<128x16xf32, #tpu.memory_space<vmem>>[vector<16xi32>, vector<16xi32>], vector<16xf32>,
      %swap3A_839 = arith.constant 1 : i32
      %swap3A_840 = arith.index_cast %swap3A_839 : i32 to index
      %swap3A_841 = arith.constant 0 : index
      %swap3A_842 = tpu.vector_load %arg8[%swap3A_840, %swap3A_841] {strides = array<i32>} : memref<4x128xf32, #tpu.memory_space<vmem>>, vector<16xf32>,
      tpu.vector_store %arg8[%swap3A_840, %swap3A_841], %gather3A_838 {strides = array<i32>} : memref<4x128xf32, #tpu.memory_space<vmem>>, vector<16xf32>,
      %add3A_843 = arith.constant 16 : i32
      %add3A_844 = vector.broadcast %add3A_843 : i32 to vector<16xi32>
      %add3A_845 = arith.addi %iota3A, %add3A_844 : vector<16xi32>
      %get3A_846 = arith.constant 1 : i32
      %get3A_847 = arith.index_cast %get3A_846 : i32 to index
      %get3A_848 = arith.constant 16 : index
      %get3A_849 = tpu.vector_load %arg6[%get3A_847, %get3A_848] {strides = array<i32>} : memref<4x128xi32, #tpu.memory_space<vmem>>, vector<16xi32>,
      %gather3A_850 = arith.constant 1 : i32
      %gather3A_851 = arith.constant 0 : i32
      %gather3A_852 = arith.constant 0 : i32
      %gather3A_853 = tpu.memref_slice %arg7[%gather3A_850, %gather3A_851, %gather3A_852] : memref<4x128x16xf32, #tpu.memory_space<vmem>> -> memref<1x128x16xf32, #tpu.memory_space<vmem>>
      %gather3A_854 = tpu.memref_squeeze %gather3A_853 : memref<1x128x16xf32, #tpu.memory_space<vmem>> -> memref<128x16xf32, #tpu.memory_space<vmem>>
      %gather3A_855 = tpu.vector_load_idx %gather3A_854[%add3A_845, %get3A_849] : memref<128x16xf32, #tpu.memory_space<vmem>>[vector<16xi32>, vector<16xi32>], vector<16xf32>,
      %swap3A_856 = arith.constant 1 : i32
      %swap3A_857 = arith.index_cast %swap3A_856 : i32 to index
      %swap3A_858 = arith.constant 16 : index
      %swap3A_859 = tpu.vector_load %arg8[%swap3A_857, %swap3A_858] {strides = array<i32>} : memref<4x128xf32, #tpu.memory_space<vmem>>, vector<16xf32>,
      tpu.vector_store %arg8[%swap3A_857, %swap3A_858], %gather3A_855 {strides = array<i32>} : memref<4x128xf32, #tpu.memory_space<vmem>>, vector<16xf32>,
      %add3A_860 = arith.constant 32 : i32
      %add3A_861 = vector.broadcast %add3A_860 : i32 to vector<16xi32>
      %add3A_862 = arith.addi %iota3A, %add3A_861 : vector<16xi32>
      %get3A_863 = arith.constant 1 : i32
      %get3A_864 = arith.index_cast %get3A_863 : i32 to index
      %get3A_865 = arith.constant 32 : index
      %get3A_866 = tpu.vector_load %arg6[%get3A_864, %get3A_865] {strides = array<i32>} : memref<4x128xi32, #tpu.memory_space<vmem>>, vector<16xi32>,
      %gather3A_867 = arith.constant 1 : i32
      %gather3A_868 = arith.constant 0 : i32
      %gather3A_869 = arith.constant 0 : i32
      %gather3A_870 = tpu.memref_slice %arg7[%gather3A_867, %gather3A_868, %gather3A_869] : memref<4x128x16xf32, #tpu.memory_space<vmem>> -> memref<1x128x16xf32, #tpu.memory_space<vmem>>
      %gather3A_871 = tpu.memref_squeeze %gather3A_870 : memref<1x128x16xf32, #tpu.memory_space<vmem>> -> memref<128x16xf32, #tpu.memory_space<vmem>>
      %gather3A_872 = tpu.vector_load_idx %gather3A_871[%add3A_862, %get3A_866] : memref<128x16xf32, #tpu.memory_space<vmem>>[vector<16xi32>, vector<16xi32>], vector<16xf32>,
      %swap3A_873 = arith.constant 1 : i32
      %swap3A_874 = arith.index_cast %swap3A_873 : i32 to index
      %swap3A_875 = arith.constant 32 : index
      %swap3A_876 = tpu.vector_load %arg8[%swap3A_874, %swap3A_875] {strides = array<i32>} : memref<4x128xf32, #tpu.memory_space<vmem>>, vector<16xf32>,
      tpu.vector_store %arg8[%swap3A_874, %swap3A_875], %gather3A_872 {strides = array<i32>} : memref<4x128xf32, #tpu.memory_space<vmem>>, vector<16xf32>,
      %add3A_877 = arith.constant 48 : i32
      %add3A_878 = vector.broadcast %add3A_877 : i32 to vector<16xi32>
      %add3A_879 = arith.addi %iota3A, %add3A_878 : vector<16xi32>
      %get3A_880 = arith.constant 1 : i32
      %get3A_881 = arith.index_cast %get3A_880 : i32 to index
      %get3A_882 = arith.constant 48 : index
      %get3A_883 = tpu.vector_load %arg6[%get3A_881, %get3A_882] {strides = array<i32>} : memref<4x128xi32, #tpu.memory_space<vmem>>, vector<16xi32>,
      %gather3A_884 = arith.constant 1 : i32
      %gather3A_885 = arith.constant 0 : i32
      %gather3A_886 = arith.constant 0 : i32
      %gather3A_887 = tpu.memref_slice %arg7[%gather3A_884, %gather3A_885, %gather3A_886] : memref<4x128x16xf32, #tpu.memory_space<vmem>> -> memref<1x128x16xf32, #tpu.memory_space<vmem>>
      %gather3A_888 = tpu.memref_squeeze %gather3A_887 : memref<1x128x16xf32, #tpu.memory_space<vmem>> -> memref<128x16xf32, #tpu.memory_space<vmem>>
      %gather3A_889 = tpu.vector_load_idx %gather3A_888[%add3A_879, %get3A_883] : memref<128x16xf32, #tpu.memory_space<vmem>>[vector<16xi32>, vector<16xi32>], vector<16xf32>,
      %swap3A_890 = arith.constant 1 : i32
      %swap3A_891 = arith.index_cast %swap3A_890 : i32 to index
      %swap3A_892 = arith.constant 48 : index
      %swap3A_893 = tpu.vector_load %arg8[%swap3A_891, %swap3A_892] {strides = array<i32>} : memref<4x128xf32, #tpu.memory_space<vmem>>, vector<16xf32>,
      tpu.vector_store %arg8[%swap3A_891, %swap3A_892], %gather3A_889 {strides = array<i32>} : memref<4x128xf32, #tpu.memory_space<vmem>>, vector<16xf32>,
      %add3A_894 = arith.constant 64 : i32
      %add3A_895 = vector.broadcast %add3A_894 : i32 to vector<16xi32>
      %add3A_896 = arith.addi %iota3A, %add3A_895 : vector<16xi32>
      %get3A_897 = arith.constant 1 : i32
      %get3A_898 = arith.index_cast %get3A_897 : i32 to index
      %get3A_899 = arith.constant 64 : index
      %get3A_900 = tpu.vector_load %arg6[%get3A_898, %get3A_899] {strides = array<i32>} : memref<4x128xi32, #tpu.memory_space<vmem>>, vector<16xi32>,
      %gather3A_901 = arith.constant 1 : i32
      %gather3A_902 = arith.constant 0 : i32
      %gather3A_903 = arith.constant 0 : i32
      %gather3A_904 = tpu.memref_slice %arg7[%gather3A_901, %gather3A_902, %gather3A_903] : memref<4x128x16xf32, #tpu.memory_space<vmem>> -> memref<1x128x16xf32, #tpu.memory_space<vmem>>
      %gather3A_905 = tpu.memref_squeeze %gather3A_904 : memref<1x128x16xf32, #tpu.memory_space<vmem>> -> memref<128x16xf32, #tpu.memory_space<vmem>>
      %gather3A_906 = tpu.vector_load_idx %gather3A_905[%add3A_896, %get3A_900] : memref<128x16xf32, #tpu.memory_space<vmem>>[vector<16xi32>, vector<16xi32>], vector<16xf32>,
      %swap3A_907 = arith.constant 1 : i32
      %swap3A_908 = arith.index_cast %swap3A_907 : i32 to index
      %swap3A_909 = arith.constant 64 : index
      %swap3A_910 = tpu.vector_load %arg8[%swap3A_908, %swap3A_909] {strides = array<i32>} : memref<4x128xf32, #tpu.memory_space<vmem>>, vector<16xf32>,
      tpu.vector_store %arg8[%swap3A_908, %swap3A_909], %gather3A_906 {strides = array<i32>} : memref<4x128xf32, #tpu.memory_space<vmem>>, vector<16xf32>,
      %add3A_911 = arith.constant 80 : i32
      %add3A_912 = vector.broadcast %add3A_911 : i32 to vector<16xi32>
      %add3A_913 = arith.addi %iota3A, %add3A_912 : vector<16xi32>
      %get3A_914 = arith.constant 1 : i32
      %get3A_915 = arith.index_cast %get3A_914 : i32 to index
      %get3A_916 = arith.constant 80 : index
      %get3A_917 = tpu.vector_load %arg6[%get3A_915, %get3A_916] {strides = array<i32>} : memref<4x128xi32, #tpu.memory_space<vmem>>, vector<16xi32>,
      %gather3A_918 = arith.constant 1 : i32
      %gather3A_919 = arith.constant 0 : i32
      %gather3A_920 = arith.constant 0 : i32
      %gather3A_921 = tpu.memref_slice %arg7[%gather3A_918, %gather3A_919, %gather3A_920] : memref<4x128x16xf32, #tpu.memory_space<vmem>> -> memref<1x128x16xf32, #tpu.memory_space<vmem>>
      %gather3A_922 = tpu.memref_squeeze %gather3A_921 : memref<1x128x16xf32, #tpu.memory_space<vmem>> -> memref<128x16xf32, #tpu.memory_space<vmem>>
      %gather3A_923 = tpu.vector_load_idx %gather3A_922[%add3A_913, %get3A_917] : memref<128x16xf32, #tpu.memory_space<vmem>>[vector<16xi32>, vector<16xi32>], vector<16xf32>,
      %swap3A_924 = arith.constant 1 : i32
      %swap3A_925 = arith.index_cast %swap3A_924 : i32 to index
      %swap3A_926 = arith.constant 80 : index
      %swap3A_927 = tpu.vector_load %arg8[%swap3A_925, %swap3A_926] {strides = array<i32>} : memref<4x128xf32, #tpu.memory_space<vmem>>, vector<16xf32>,
      tpu.vector_store %arg8[%swap3A_925, %swap3A_926], %gather3A_923 {strides = array<i32>} : memref<4x128xf32, #tpu.memory_space<vmem>>, vector<16xf32>,
      %add3A_928 = arith.constant 96 : i32
      %add3A_929 = vector.broadcast %add3A_928 : i32 to vector<16xi32>
      %add3A_930 = arith.addi %iota3A, %add3A_929 : vector<16xi32>
      %get3A_931 = arith.constant 1 : i32
      %get3A_932 = arith.index_cast %get3A_931 : i32 to index
      %get3A_933 = arith.constant 96 : index
      %get3A_934 = tpu.vector_load %arg6[%get3A_932, %get3A_933] {strides = array<i32>} : memref<4x128xi32, #tpu.memory_space<vmem>>, vector<16xi32>,
      %gather3A_935 = arith.constant 1 : i32
      %gather3A_936 = arith.constant 0 : i32
      %gather3A_937 = arith.constant 0 : i32
      %gather3A_938 = tpu.memref_slice %arg7[%gather3A_935, %gather3A_936, %gather3A_937] : memref<4x128x16xf32, #tpu.memory_space<vmem>> -> memref<1x128x16xf32, #tpu.memory_space<vmem>>
      %gather3A_939 = tpu.memref_squeeze %gather3A_938 : memref<1x128x16xf32, #tpu.memory_space<vmem>> -> memref<128x16xf32, #tpu.memory_space<vmem>>
      %gather3A_940 = tpu.vector_load_idx %gather3A_939[%add3A_930, %get3A_934] : memref<128x16xf32, #tpu.memory_space<vmem>>[vector<16xi32>, vector<16xi32>], vector<16xf32>,
      %swap3A_941 = arith.constant 1 : i32
      %swap3A_942 = arith.index_cast %swap3A_941 : i32 to index
      %swap3A_943 = arith.constant 96 : index
      %swap3A_944 = tpu.vector_load %arg8[%swap3A_942, %swap3A_943] {strides = array<i32>} : memref<4x128xf32, #tpu.memory_space<vmem>>, vector<16xf32>,
      tpu.vector_store %arg8[%swap3A_942, %swap3A_943], %gather3A_940 {strides = array<i32>} : memref<4x128xf32, #tpu.memory_space<vmem>>, vector<16xf32>,
      %add3A_945 = arith.constant 112 : i32
      %add3A_946 = vector.broadcast %add3A_945 : i32 to vector<16xi32>
      %add3A_947 = arith.addi %iota3A, %add3A_946 : vector<16xi32>
      %get3A_948 = arith.constant 1 : i32
      %get3A_949 = arith.index_cast %get3A_948 : i32 to index
      %get3A_950 = arith.constant 112 : index
      %get3A_951 = tpu.vector_load %arg6[%get3A_949, %get3A_950] {strides = array<i32>} : memref<4x128xi32, #tpu.memory_space<vmem>>, vector<16xi32>,
      %gather3A_952 = arith.constant 1 : i32
      %gather3A_953 = arith.constant 0 : i32
      %gather3A_954 = arith.constant 0 : i32
      %gather3A_955 = tpu.memref_slice %arg7[%gather3A_952, %gather3A_953, %gather3A_954] : memref<4x128x16xf32, #tpu.memory_space<vmem>> -> memref<1x128x16xf32, #tpu.memory_space<vmem>>
      %gather3A_956 = tpu.memref_squeeze %gather3A_955 : memref<1x128x16xf32, #tpu.memory_space<vmem>> -> memref<128x16xf32, #tpu.memory_space<vmem>>
      %gather3A_957 = tpu.vector_load_idx %gather3A_956[%add3A_947, %get3A_951] : memref<128x16xf32, #tpu.memory_space<vmem>>[vector<16xi32>, vector<16xi32>], vector<16xf32>,
      %swap3A_958 = arith.constant 1 : i32
      %swap3A_959 = arith.index_cast %swap3A_958 : i32 to index
      %swap3A_960 = arith.constant 112 : index
      %swap3A_961 = tpu.vector_load %arg8[%swap3A_959, %swap3A_960] {strides = array<i32>} : memref<4x128xf32, #tpu.memory_space<vmem>>, vector<16xf32>,
      tpu.vector_store %arg8[%swap3A_959, %swap3A_960], %gather3A_957 {strides = array<i32>} : memref<4x128xf32, #tpu.memory_space<vmem>>, vector<16xf32>,
      %run_scoped3A_962 = arith.constant 1 : i32
      "tpu.region"() ({
        %run_scoped3A_1271 = tpu.sem_alloc : memref<!tpu.dma_semaphore, #tpu.memory_space<semaphore_mem>>
        %dma_start3A_1272 = arith.constant 0 : i32
        %dma_start3A_1273 = tpu.memref_slice %arg8[%run_scoped3A_962, %dma_start3A_1272] : memref<4x128xf32, #tpu.memory_space<vmem>> -> memref<1x128xf32, #tpu.memory_space<vmem>>
        %dma_start3A_1274 = tpu.memref_squeeze %dma_start3A_1273 : memref<1x128xf32, #tpu.memory_space<vmem>> -> memref<128xf32, #tpu.memory_space<vmem>>
        %dma_start3A_1275 = tpu.memref_slice %arg4[%add3A_810] : memref<425984xf32, #tpu.memory_space<hbm>> -> memref<128xf32, #tpu.memory_space<hbm>>
        %dma_start3A_1276 = tpu.memref_slice %arg4[%add3A_810] : memref<425984xf32, #tpu.memory_space<hbm>> -> memref<128xf32, #tpu.memory_space<hbm>>
        %dma_start3A_1277 = arith.constant 0 : i32
        %dma_start3A_1278 = tpu.memref_slice %arg8[%run_scoped3A_962, %dma_start3A_1277] : memref<4x128xf32, #tpu.memory_space<vmem>> -> memref<1x128xf32, #tpu.memory_space<vmem>>
        %dma_start3A_1279 = tpu.memref_squeeze %dma_start3A_1278 : memref<1x128xf32, #tpu.memory_space<vmem>> -> memref<128xf32, #tpu.memory_space<vmem>>
        tpu.enqueue_dma source(%dma_start3A_1279 : memref<128xf32, #tpu.memory_space<vmem>>) target(%dma_start3A_1276 : memref<128xf32, #tpu.memory_space<hbm>>) target_semaphore(%run_scoped3A_1271 : memref<!tpu.dma_semaphore, #tpu.memory_space<semaphore_mem>>)
        %dma_wait3A_1280 = arith.constant 0 : i32
        %dma_wait3A_1281 = tpu.memref_slice %arg8[%run_scoped3A_962, %dma_wait3A_1280] : memref<4x128xf32, #tpu.memory_space<vmem>> -> memref<1x128xf32, #tpu.memory_space<vmem>>
        %dma_wait3A_1282 = tpu.memref_squeeze %dma_wait3A_1281 : memref<1x128xf32, #tpu.memory_space<vmem>> -> memref<128xf32, #tpu.memory_space<vmem>>
        %dma_wait3A_1283 = tpu.memref_slice %arg4[%add3A_810] : memref<425984xf32, #tpu.memory_space<hbm>> -> memref<128xf32, #tpu.memory_space<hbm>>
        %dma_wait3A_1284 = tpu.memref_slice %arg4[%add3A_810] : memref<425984xf32, #tpu.memory_space<hbm>> -> memref<128xf32, #tpu.memory_space<hbm>>
        %dma_wait3A_1285 = arith.constant 0 : i32
        %dma_wait3A_1286 = tpu.memref_slice %arg8[%run_scoped3A_962, %dma_wait3A_1285] : memref<4x128xf32, #tpu.memory_space<vmem>> -> memref<1x128xf32, #tpu.memory_space<vmem>>
        %dma_wait3A_1287 = tpu.memref_squeeze %dma_wait3A_1286 : memref<1x128xf32, #tpu.memory_space<vmem>> -> memref<128xf32, #tpu.memory_space<vmem>>
        tpu.wait_dma2 semaphore(%run_scoped3A_1271 : memref<!tpu.dma_semaphore, #tpu.memory_space<semaphore_mem>>) src(%dma_wait3A_1287 : memref<128xf32, #tpu.memory_space<vmem>>) dst(%dma_wait3A_1284 : memref<128xf32, #tpu.memory_space<hbm>>)
        tpu.yield
      }) : () -> ()
      %add3A_963 = arith.constant 256 : i32
      %add3A_964 = arith.addi %add3A_14, %add3A_963 : i32
      %dma_wait3A_965 = arith.constant 2 : i32
      %dma_wait3A_966 = arith.constant 2 : i32
      %dma_wait3A_967 = arith.constant 2 : i32
      %dma_wait3A_968 = arith.constant 0 : i32
      %dma_wait3A_969 = arith.constant 0 : i32
      %dma_wait3A_970 = tpu.memref_slice %arg7[%dma_wait3A_966, %dma_wait3A_968, %dma_wait3A_969] : memref<4x128x16xf32, #tpu.memory_space<vmem>> -> memref<1x128x16xf32, #tpu.memory_space<vmem>>
      %dma_wait3A_971 = tpu.memref_squeeze %dma_wait3A_970 : memref<1x128x16xf32, #tpu.memory_space<vmem>> -> memref<128x16xf32, #tpu.memory_space<vmem>>
      %dma_wait3A_972 = arith.constant 0 : i32
      %dma_wait3A_973 = tpu.memref_slice %arg5[%dma_wait3A_965, %dma_wait3A_972] : memref<4x128xi32, #tpu.memory_space<vmem>> -> memref<1x128xi32, #tpu.memory_space<vmem>>
      %dma_wait3A_974 = tpu.memref_squeeze %dma_wait3A_973 : memref<1x128xi32, #tpu.memory_space<vmem>> -> memref<128xi32, #tpu.memory_space<vmem>>
      %dma_wait3A_975 = arith.constant 0 : i32
      %dma_wait3A_976 = arith.constant 0 : i32
      %dma_wait3A_977 = tpu.memref_slice %arg3[%dma_wait3A_975, %dma_wait3A_976] : memref<162500x16xf32, #tpu.memory_space<hbm>> -> memref<162500x16xf32, #tpu.memory_space<hbm>>
      %dma_wait3A_978 = tpu.memref_slice %arg9[%dma_wait3A_967] : memref<4x!tpu.dma_semaphore, #tpu.memory_space<semaphore_mem>> -> memref<1x!tpu.dma_semaphore, #tpu.memory_space<semaphore_mem>>
      %dma_wait3A_979 = tpu.memref_squeeze %dma_wait3A_978 : memref<1x!tpu.dma_semaphore, #tpu.memory_space<semaphore_mem>> -> memref<!tpu.dma_semaphore, #tpu.memory_space<semaphore_mem>>
      tpu.wait_indirect_dma semaphore(%dma_wait3A_979 : memref<!tpu.dma_semaphore, #tpu.memory_space<semaphore_mem>>) src(%dma_wait3A_977 : memref<162500x16xf32, #tpu.memory_space<hbm>>) dst(%dma_wait3A_971 : memref<128x16xf32, #tpu.memory_space<vmem>>)
      %add3A_980 = arith.constant 0 : i32
      %add3A_981 = vector.broadcast %add3A_980 : i32 to vector<16xi32>
      %add3A_982 = arith.addi %iota3A, %add3A_981 : vector<16xi32>
      %get3A_983 = arith.constant 2 : i32
      %get3A_984 = arith.index_cast %get3A_983 : i32 to index
      %get3A_985 = arith.constant 0 : index
      %get3A_986 = tpu.vector_load %arg6[%get3A_984, %get3A_985] {strides = array<i32>} : memref<4x128xi32, #tpu.memory_space<vmem>>, vector<16xi32>,
      %gather3A_987 = arith.constant 2 : i32
      %gather3A_988 = arith.constant 0 : i32
      %gather3A_989 = arith.constant 0 : i32
      %gather3A_990 = tpu.memref_slice %arg7[%gather3A_987, %gather3A_988, %gather3A_989] : memref<4x128x16xf32, #tpu.memory_space<vmem>> -> memref<1x128x16xf32, #tpu.memory_space<vmem>>
      %gather3A_991 = tpu.memref_squeeze %gather3A_990 : memref<1x128x16xf32, #tpu.memory_space<vmem>> -> memref<128x16xf32, #tpu.memory_space<vmem>>
      %gather3A_992 = tpu.vector_load_idx %gather3A_991[%add3A_982, %get3A_986] : memref<128x16xf32, #tpu.memory_space<vmem>>[vector<16xi32>, vector<16xi32>], vector<16xf32>,
      %swap3A_993 = arith.constant 2 : i32
      %swap3A_994 = arith.index_cast %swap3A_993 : i32 to index
      %swap3A_995 = arith.constant 0 : index
      %swap3A_996 = tpu.vector_load %arg8[%swap3A_994, %swap3A_995] {strides = array<i32>} : memref<4x128xf32, #tpu.memory_space<vmem>>, vector<16xf32>,
      tpu.vector_store %arg8[%swap3A_994, %swap3A_995], %gather3A_992 {strides = array<i32>} : memref<4x128xf32, #tpu.memory_space<vmem>>, vector<16xf32>,
      %add3A_997 = arith.constant 16 : i32
      %add3A_998 = vector.broadcast %add3A_997 : i32 to vector<16xi32>
      %add3A_999 = arith.addi %iota3A, %add3A_998 : vector<16xi32>
      %get3A_1000 = arith.constant 2 : i32
      %get3A_1001 = arith.index_cast %get3A_1000 : i32 to index
      %get3A_1002 = arith.constant 16 : index
      %get3A_1003 = tpu.vector_load %arg6[%get3A_1001, %get3A_1002] {strides = array<i32>} : memref<4x128xi32, #tpu.memory_space<vmem>>, vector<16xi32>,
      %gather3A_1004 = arith.constant 2 : i32
      %gather3A_1005 = arith.constant 0 : i32
      %gather3A_1006 = arith.constant 0 : i32
      %gather3A_1007 = tpu.memref_slice %arg7[%gather3A_1004, %gather3A_1005, %gather3A_1006] : memref<4x128x16xf32, #tpu.memory_space<vmem>> -> memref<1x128x16xf32, #tpu.memory_space<vmem>>
      %gather3A_1008 = tpu.memref_squeeze %gather3A_1007 : memref<1x128x16xf32, #tpu.memory_space<vmem>> -> memref<128x16xf32, #tpu.memory_space<vmem>>
      %gather3A_1009 = tpu.vector_load_idx %gather3A_1008[%add3A_999, %get3A_1003] : memref<128x16xf32, #tpu.memory_space<vmem>>[vector<16xi32>, vector<16xi32>], vector<16xf32>,
      %swap3A_1010 = arith.constant 2 : i32
      %swap3A_1011 = arith.index_cast %swap3A_1010 : i32 to index
      %swap3A_1012 = arith.constant 16 : index
      %swap3A_1013 = tpu.vector_load %arg8[%swap3A_1011, %swap3A_1012] {strides = array<i32>} : memref<4x128xf32, #tpu.memory_space<vmem>>, vector<16xf32>,
      tpu.vector_store %arg8[%swap3A_1011, %swap3A_1012], %gather3A_1009 {strides = array<i32>} : memref<4x128xf32, #tpu.memory_space<vmem>>, vector<16xf32>,
      %add3A_1014 = arith.constant 32 : i32
      %add3A_1015 = vector.broadcast %add3A_1014 : i32 to vector<16xi32>
      %add3A_1016 = arith.addi %iota3A, %add3A_1015 : vector<16xi32>
      %get3A_1017 = arith.constant 2 : i32
      %get3A_1018 = arith.index_cast %get3A_1017 : i32 to index
      %get3A_1019 = arith.constant 32 : index
      %get3A_1020 = tpu.vector_load %arg6[%get3A_1018, %get3A_1019] {strides = array<i32>} : memref<4x128xi32, #tpu.memory_space<vmem>>, vector<16xi32>,
      %gather3A_1021 = arith.constant 2 : i32
      %gather3A_1022 = arith.constant 0 : i32
      %gather3A_1023 = arith.constant 0 : i32
      %gather3A_1024 = tpu.memref_slice %arg7[%gather3A_1021, %gather3A_1022, %gather3A_1023] : memref<4x128x16xf32, #tpu.memory_space<vmem>> -> memref<1x128x16xf32, #tpu.memory_space<vmem>>
      %gather3A_1025 = tpu.memref_squeeze %gather3A_1024 : memref<1x128x16xf32, #tpu.memory_space<vmem>> -> memref<128x16xf32, #tpu.memory_space<vmem>>
      %gather3A_1026 = tpu.vector_load_idx %gather3A_1025[%add3A_1016, %get3A_1020] : memref<128x16xf32, #tpu.memory_space<vmem>>[vector<16xi32>, vector<16xi32>], vector<16xf32>,
      %swap3A_1027 = arith.constant 2 : i32
      %swap3A_1028 = arith.index_cast %swap3A_1027 : i32 to index
      %swap3A_1029 = arith.constant 32 : index
      %swap3A_1030 = tpu.vector_load %arg8[%swap3A_1028, %swap3A_1029] {strides = array<i32>} : memref<4x128xf32, #tpu.memory_space<vmem>>, vector<16xf32>,
      tpu.vector_store %arg8[%swap3A_1028, %swap3A_1029], %gather3A_1026 {strides = array<i32>} : memref<4x128xf32, #tpu.memory_space<vmem>>, vector<16xf32>,
      %add3A_1031 = arith.constant 48 : i32
      %add3A_1032 = vector.broadcast %add3A_1031 : i32 to vector<16xi32>
      %add3A_1033 = arith.addi %iota3A, %add3A_1032 : vector<16xi32>
      %get3A_1034 = arith.constant 2 : i32
      %get3A_1035 = arith.index_cast %get3A_1034 : i32 to index
      %get3A_1036 = arith.constant 48 : index
      %get3A_1037 = tpu.vector_load %arg6[%get3A_1035, %get3A_1036] {strides = array<i32>} : memref<4x128xi32, #tpu.memory_space<vmem>>, vector<16xi32>,
      %gather3A_1038 = arith.constant 2 : i32
      %gather3A_1039 = arith.constant 0 : i32
      %gather3A_1040 = arith.constant 0 : i32
      %gather3A_1041 = tpu.memref_slice %arg7[%gather3A_1038, %gather3A_1039, %gather3A_1040] : memref<4x128x16xf32, #tpu.memory_space<vmem>> -> memref<1x128x16xf32, #tpu.memory_space<vmem>>
      %gather3A_1042 = tpu.memref_squeeze %gather3A_1041 : memref<1x128x16xf32, #tpu.memory_space<vmem>> -> memref<128x16xf32, #tpu.memory_space<vmem>>
      %gather3A_1043 = tpu.vector_load_idx %gather3A_1042[%add3A_1033, %get3A_1037] : memref<128x16xf32, #tpu.memory_space<vmem>>[vector<16xi32>, vector<16xi32>], vector<16xf32>,
      %swap3A_1044 = arith.constant 2 : i32
      %swap3A_1045 = arith.index_cast %swap3A_1044 : i32 to index
      %swap3A_1046 = arith.constant 48 : index
      %swap3A_1047 = tpu.vector_load %arg8[%swap3A_1045, %swap3A_1046] {strides = array<i32>} : memref<4x128xf32, #tpu.memory_space<vmem>>, vector<16xf32>,
      tpu.vector_store %arg8[%swap3A_1045, %swap3A_1046], %gather3A_1043 {strides = array<i32>} : memref<4x128xf32, #tpu.memory_space<vmem>>, vector<16xf32>,
      %add3A_1048 = arith.constant 64 : i32
      %add3A_1049 = vector.broadcast %add3A_1048 : i32 to vector<16xi32>
      %add3A_1050 = arith.addi %iota3A, %add3A_1049 : vector<16xi32>
      %get3A_1051 = arith.constant 2 : i32
      %get3A_1052 = arith.index_cast %get3A_1051 : i32 to index
      %get3A_1053 = arith.constant 64 : index
      %get3A_1054 = tpu.vector_load %arg6[%get3A_1052, %get3A_1053] {strides = array<i32>} : memref<4x128xi32, #tpu.memory_space<vmem>>, vector<16xi32>,
      %gather3A_1055 = arith.constant 2 : i32
      %gather3A_1056 = arith.constant 0 : i32
      %gather3A_1057 = arith.constant 0 : i32
      %gather3A_1058 = tpu.memref_slice %arg7[%gather3A_1055, %gather3A_1056, %gather3A_1057] : memref<4x128x16xf32, #tpu.memory_space<vmem>> -> memref<1x128x16xf32, #tpu.memory_space<vmem>>
      %gather3A_1059 = tpu.memref_squeeze %gather3A_1058 : memref<1x128x16xf32, #tpu.memory_space<vmem>> -> memref<128x16xf32, #tpu.memory_space<vmem>>
      %gather3A_1060 = tpu.vector_load_idx %gather3A_1059[%add3A_1050, %get3A_1054] : memref<128x16xf32, #tpu.memory_space<vmem>>[vector<16xi32>, vector<16xi32>], vector<16xf32>,
      %swap3A_1061 = arith.constant 2 : i32
      %swap3A_1062 = arith.index_cast %swap3A_1061 : i32 to index
      %swap3A_1063 = arith.constant 64 : index
      %swap3A_1064 = tpu.vector_load %arg8[%swap3A_1062, %swap3A_1063] {strides = array<i32>} : memref<4x128xf32, #tpu.memory_space<vmem>>, vector<16xf32>,
      tpu.vector_store %arg8[%swap3A_1062, %swap3A_1063], %gather3A_1060 {strides = array<i32>} : memref<4x128xf32, #tpu.memory_space<vmem>>, vector<16xf32>,
      %add3A_1065 = arith.constant 80 : i32
      %add3A_1066 = vector.broadcast %add3A_1065 : i32 to vector<16xi32>
      %add3A_1067 = arith.addi %iota3A, %add3A_1066 : vector<16xi32>
      %get3A_1068 = arith.constant 2 : i32
      %get3A_1069 = arith.index_cast %get3A_1068 : i32 to index
      %get3A_1070 = arith.constant 80 : index
      %get3A_1071 = tpu.vector_load %arg6[%get3A_1069, %get3A_1070] {strides = array<i32>} : memref<4x128xi32, #tpu.memory_space<vmem>>, vector<16xi32>,
      %gather3A_1072 = arith.constant 2 : i32
      %gather3A_1073 = arith.constant 0 : i32
      %gather3A_1074 = arith.constant 0 : i32
      %gather3A_1075 = tpu.memref_slice %arg7[%gather3A_1072, %gather3A_1073, %gather3A_1074] : memref<4x128x16xf32, #tpu.memory_space<vmem>> -> memref<1x128x16xf32, #tpu.memory_space<vmem>>
      %gather3A_1076 = tpu.memref_squeeze %gather3A_1075 : memref<1x128x16xf32, #tpu.memory_space<vmem>> -> memref<128x16xf32, #tpu.memory_space<vmem>>
      %gather3A_1077 = tpu.vector_load_idx %gather3A_1076[%add3A_1067, %get3A_1071] : memref<128x16xf32, #tpu.memory_space<vmem>>[vector<16xi32>, vector<16xi32>], vector<16xf32>,
      %swap3A_1078 = arith.constant 2 : i32
      %swap3A_1079 = arith.index_cast %swap3A_1078 : i32 to index
      %swap3A_1080 = arith.constant 80 : index
      %swap3A_1081 = tpu.vector_load %arg8[%swap3A_1079, %swap3A_1080] {strides = array<i32>} : memref<4x128xf32, #tpu.memory_space<vmem>>, vector<16xf32>,
      tpu.vector_store %arg8[%swap3A_1079, %swap3A_1080], %gather3A_1077 {strides = array<i32>} : memref<4x128xf32, #tpu.memory_space<vmem>>, vector<16xf32>,
      %add3A_1082 = arith.constant 96 : i32
      %add3A_1083 = vector.broadcast %add3A_1082 : i32 to vector<16xi32>
      %add3A_1084 = arith.addi %iota3A, %add3A_1083 : vector<16xi32>
      %get3A_1085 = arith.constant 2 : i32
      %get3A_1086 = arith.index_cast %get3A_1085 : i32 to index
      %get3A_1087 = arith.constant 96 : index
      %get3A_1088 = tpu.vector_load %arg6[%get3A_1086, %get3A_1087] {strides = array<i32>} : memref<4x128xi32, #tpu.memory_space<vmem>>, vector<16xi32>,
      %gather3A_1089 = arith.constant 2 : i32
      %gather3A_1090 = arith.constant 0 : i32
      %gather3A_1091 = arith.constant 0 : i32
      %gather3A_1092 = tpu.memref_slice %arg7[%gather3A_1089, %gather3A_1090, %gather3A_1091] : memref<4x128x16xf32, #tpu.memory_space<vmem>> -> memref<1x128x16xf32, #tpu.memory_space<vmem>>
      %gather3A_1093 = tpu.memref_squeeze %gather3A_1092 : memref<1x128x16xf32, #tpu.memory_space<vmem>> -> memref<128x16xf32, #tpu.memory_space<vmem>>
      %gather3A_1094 = tpu.vector_load_idx %gather3A_1093[%add3A_1084, %get3A_1088] : memref<128x16xf32, #tpu.memory_space<vmem>>[vector<16xi32>, vector<16xi32>], vector<16xf32>,
      %swap3A_1095 = arith.constant 2 : i32
      %swap3A_1096 = arith.index_cast %swap3A_1095 : i32 to index
      %swap3A_1097 = arith.constant 96 : index
      %swap3A_1098 = tpu.vector_load %arg8[%swap3A_1096, %swap3A_1097] {strides = array<i32>} : memref<4x128xf32, #tpu.memory_space<vmem>>, vector<16xf32>,
      tpu.vector_store %arg8[%swap3A_1096, %swap3A_1097], %gather3A_1094 {strides = array<i32>} : memref<4x128xf32, #tpu.memory_space<vmem>>, vector<16xf32>,
      %add3A_1099 = arith.constant 112 : i32
      %add3A_1100 = vector.broadcast %add3A_1099 : i32 to vector<16xi32>
      %add3A_1101 = arith.addi %iota3A, %add3A_1100 : vector<16xi32>
      %get3A_1102 = arith.constant 2 : i32
      %get3A_1103 = arith.index_cast %get3A_1102 : i32 to index
      %get3A_1104 = arith.constant 112 : index
      %get3A_1105 = tpu.vector_load %arg6[%get3A_1103, %get3A_1104] {strides = array<i32>} : memref<4x128xi32, #tpu.memory_space<vmem>>, vector<16xi32>,
      %gather3A_1106 = arith.constant 2 : i32
      %gather3A_1107 = arith.constant 0 : i32
      %gather3A_1108 = arith.constant 0 : i32
      %gather3A_1109 = tpu.memref_slice %arg7[%gather3A_1106, %gather3A_1107, %gather3A_1108] : memref<4x128x16xf32, #tpu.memory_space<vmem>> -> memref<1x128x16xf32, #tpu.memory_space<vmem>>
      %gather3A_1110 = tpu.memref_squeeze %gather3A_1109 : memref<1x128x16xf32, #tpu.memory_space<vmem>> -> memref<128x16xf32, #tpu.memory_space<vmem>>
      %gather3A_1111 = tpu.vector_load_idx %gather3A_1110[%add3A_1101, %get3A_1105] : memref<128x16xf32, #tpu.memory_space<vmem>>[vector<16xi32>, vector<16xi32>], vector<16xf32>,
      %swap3A_1112 = arith.constant 2 : i32
      %swap3A_1113 = arith.index_cast %swap3A_1112 : i32 to index
      %swap3A_1114 = arith.constant 112 : index
      %swap3A_1115 = tpu.vector_load %arg8[%swap3A_1113, %swap3A_1114] {strides = array<i32>} : memref<4x128xf32, #tpu.memory_space<vmem>>, vector<16xf32>,
      tpu.vector_store %arg8[%swap3A_1113, %swap3A_1114], %gather3A_1111 {strides = array<i32>} : memref<4x128xf32, #tpu.memory_space<vmem>>, vector<16xf32>,
      %run_scoped3A_1116 = arith.constant 2 : i32
      "tpu.region"() ({
        %run_scoped3A_1271 = tpu.sem_alloc : memref<!tpu.dma_semaphore, #tpu.memory_space<semaphore_mem>>
        %dma_start3A_1272 = arith.constant 0 : i32
        %dma_start3A_1273 = tpu.memref_slice %arg8[%run_scoped3A_1116, %dma_start3A_1272] : memref<4x128xf32, #tpu.memory_space<vmem>> -> memref<1x128xf32, #tpu.memory_space<vmem>>
        %dma_start3A_1274 = tpu.memref_squeeze %dma_start3A_1273 : memref<1x128xf32, #tpu.memory_space<vmem>> -> memref<128xf32, #tpu.memory_space<vmem>>
        %dma_start3A_1275 = tpu.memref_slice %arg4[%add3A_964] : memref<425984xf32, #tpu.memory_space<hbm>> -> memref<128xf32, #tpu.memory_space<hbm>>
        %dma_start3A_1276 = tpu.memref_slice %arg4[%add3A_964] : memref<425984xf32, #tpu.memory_space<hbm>> -> memref<128xf32, #tpu.memory_space<hbm>>
        %dma_start3A_1277 = arith.constant 0 : i32
        %dma_start3A_1278 = tpu.memref_slice %arg8[%run_scoped3A_1116, %dma_start3A_1277] : memref<4x128xf32, #tpu.memory_space<vmem>> -> memref<1x128xf32, #tpu.memory_space<vmem>>
        %dma_start3A_1279 = tpu.memref_squeeze %dma_start3A_1278 : memref<1x128xf32, #tpu.memory_space<vmem>> -> memref<128xf32, #tpu.memory_space<vmem>>
        tpu.enqueue_dma source(%dma_start3A_1279 : memref<128xf32, #tpu.memory_space<vmem>>) target(%dma_start3A_1276 : memref<128xf32, #tpu.memory_space<hbm>>) target_semaphore(%run_scoped3A_1271 : memref<!tpu.dma_semaphore, #tpu.memory_space<semaphore_mem>>)
        %dma_wait3A_1280 = arith.constant 0 : i32
        %dma_wait3A_1281 = tpu.memref_slice %arg8[%run_scoped3A_1116, %dma_wait3A_1280] : memref<4x128xf32, #tpu.memory_space<vmem>> -> memref<1x128xf32, #tpu.memory_space<vmem>>
        %dma_wait3A_1282 = tpu.memref_squeeze %dma_wait3A_1281 : memref<1x128xf32, #tpu.memory_space<vmem>> -> memref<128xf32, #tpu.memory_space<vmem>>
        %dma_wait3A_1283 = tpu.memref_slice %arg4[%add3A_964] : memref<425984xf32, #tpu.memory_space<hbm>> -> memref<128xf32, #tpu.memory_space<hbm>>
        %dma_wait3A_1284 = tpu.memref_slice %arg4[%add3A_964] : memref<425984xf32, #tpu.memory_space<hbm>> -> memref<128xf32, #tpu.memory_space<hbm>>
        %dma_wait3A_1285 = arith.constant 0 : i32
        %dma_wait3A_1286 = tpu.memref_slice %arg8[%run_scoped3A_1116, %dma_wait3A_1285] : memref<4x128xf32, #tpu.memory_space<vmem>> -> memref<1x128xf32, #tpu.memory_space<vmem>>
        %dma_wait3A_1287 = tpu.memref_squeeze %dma_wait3A_1286 : memref<1x128xf32, #tpu.memory_space<vmem>> -> memref<128xf32, #tpu.memory_space<vmem>>
        tpu.wait_dma2 semaphore(%run_scoped3A_1271 : memref<!tpu.dma_semaphore, #tpu.memory_space<semaphore_mem>>) src(%dma_wait3A_1287 : memref<128xf32, #tpu.memory_space<vmem>>) dst(%dma_wait3A_1284 : memref<128xf32, #tpu.memory_space<hbm>>)
        tpu.yield
      }) : () -> ()
      %add3A_1117 = arith.constant 384 : i32
      %add3A_1118 = arith.addi %add3A_14, %add3A_1117 : i32
      %dma_wait3A_1119 = arith.constant 3 : i32
      %dma_wait3A_1120 = arith.constant 3 : i32
      %dma_wait3A_1121 = arith.constant 3 : i32
      %dma_wait3A_1122 = arith.constant 0 : i32
      %dma_wait3A_1123 = arith.constant 0 : i32
      %dma_wait3A_1124 = tpu.memref_slice %arg7[%dma_wait3A_1120, %dma_wait3A_1122, %dma_wait3A_1123] : memref<4x128x16xf32, #tpu.memory_space<vmem>> -> memref<1x128x16xf32, #tpu.memory_space<vmem>>
      %dma_wait3A_1125 = tpu.memref_squeeze %dma_wait3A_1124 : memref<1x128x16xf32, #tpu.memory_space<vmem>> -> memref<128x16xf32, #tpu.memory_space<vmem>>
      %dma_wait3A_1126 = arith.constant 0 : i32
      %dma_wait3A_1127 = tpu.memref_slice %arg5[%dma_wait3A_1119, %dma_wait3A_1126] : memref<4x128xi32, #tpu.memory_space<vmem>> -> memref<1x128xi32, #tpu.memory_space<vmem>>
      %dma_wait3A_1128 = tpu.memref_squeeze %dma_wait3A_1127 : memref<1x128xi32, #tpu.memory_space<vmem>> -> memref<128xi32, #tpu.memory_space<vmem>>
      %dma_wait3A_1129 = arith.constant 0 : i32
      %dma_wait3A_1130 = arith.constant 0 : i32
      %dma_wait3A_1131 = tpu.memref_slice %arg3[%dma_wait3A_1129, %dma_wait3A_1130] : memref<162500x16xf32, #tpu.memory_space<hbm>> -> memref<162500x16xf32, #tpu.memory_space<hbm>>
      %dma_wait3A_1132 = tpu.memref_slice %arg9[%dma_wait3A_1121] : memref<4x!tpu.dma_semaphore, #tpu.memory_space<semaphore_mem>> -> memref<1x!tpu.dma_semaphore, #tpu.memory_space<semaphore_mem>>
      %dma_wait3A_1133 = tpu.memref_squeeze %dma_wait3A_1132 : memref<1x!tpu.dma_semaphore, #tpu.memory_space<semaphore_mem>> -> memref<!tpu.dma_semaphore, #tpu.memory_space<semaphore_mem>>
      tpu.wait_indirect_dma semaphore(%dma_wait3A_1133 : memref<!tpu.dma_semaphore, #tpu.memory_space<semaphore_mem>>) src(%dma_wait3A_1131 : memref<162500x16xf32, #tpu.memory_space<hbm>>) dst(%dma_wait3A_1125 : memref<128x16xf32, #tpu.memory_space<vmem>>)
      %add3A_1134 = arith.constant 0 : i32
      %add3A_1135 = vector.broadcast %add3A_1134 : i32 to vector<16xi32>
      %add3A_1136 = arith.addi %iota3A, %add3A_1135 : vector<16xi32>
      %get3A_1137 = arith.constant 3 : i32
      %get3A_1138 = arith.index_cast %get3A_1137 : i32 to index
      %get3A_1139 = arith.constant 0 : index
      %get3A_1140 = tpu.vector_load %arg6[%get3A_1138, %get3A_1139] {strides = array<i32>} : memref<4x128xi32, #tpu.memory_space<vmem>>, vector<16xi32>,
      %gather3A_1141 = arith.constant 3 : i32
      %gather3A_1142 = arith.constant 0 : i32
      %gather3A_1143 = arith.constant 0 : i32
      %gather3A_1144 = tpu.memref_slice %arg7[%gather3A_1141, %gather3A_1142, %gather3A_1143] : memref<4x128x16xf32, #tpu.memory_space<vmem>> -> memref<1x128x16xf32, #tpu.memory_space<vmem>>
      %gather3A_1145 = tpu.memref_squeeze %gather3A_1144 : memref<1x128x16xf32, #tpu.memory_space<vmem>> -> memref<128x16xf32, #tpu.memory_space<vmem>>
      %gather3A_1146 = tpu.vector_load_idx %gather3A_1145[%add3A_1136, %get3A_1140] : memref<128x16xf32, #tpu.memory_space<vmem>>[vector<16xi32>, vector<16xi32>], vector<16xf32>,
      %swap3A_1147 = arith.constant 3 : i32
      %swap3A_1148 = arith.index_cast %swap3A_1147 : i32 to index
      %swap3A_1149 = arith.constant 0 : index
      %swap3A_1150 = tpu.vector_load %arg8[%swap3A_1148, %swap3A_1149] {strides = array<i32>} : memref<4x128xf32, #tpu.memory_space<vmem>>, vector<16xf32>,
      tpu.vector_store %arg8[%swap3A_1148, %swap3A_1149], %gather3A_1146 {strides = array<i32>} : memref<4x128xf32, #tpu.memory_space<vmem>>, vector<16xf32>,
      %add3A_1151 = arith.constant 16 : i32
      %add3A_1152 = vector.broadcast %add3A_1151 : i32 to vector<16xi32>
      %add3A_1153 = arith.addi %iota3A, %add3A_1152 : vector<16xi32>
      %get3A_1154 = arith.constant 3 : i32
      %get3A_1155 = arith.index_cast %get3A_1154 : i32 to index
      %get3A_1156 = arith.constant 16 : index
      %get3A_1157 = tpu.vector_load %arg6[%get3A_1155, %get3A_1156] {strides = array<i32>} : memref<4x128xi32, #tpu.memory_space<vmem>>, vector<16xi32>,
      %gather3A_1158 = arith.constant 3 : i32
      %gather3A_1159 = arith.constant 0 : i32
      %gather3A_1160 = arith.constant 0 : i32
      %gather3A_1161 = tpu.memref_slice %arg7[%gather3A_1158, %gather3A_1159, %gather3A_1160] : memref<4x128x16xf32, #tpu.memory_space<vmem>> -> memref<1x128x16xf32, #tpu.memory_space<vmem>>
      %gather3A_1162 = tpu.memref_squeeze %gather3A_1161 : memref<1x128x16xf32, #tpu.memory_space<vmem>> -> memref<128x16xf32, #tpu.memory_space<vmem>>
      %gather3A_1163 = tpu.vector_load_idx %gather3A_1162[%add3A_1153, %get3A_1157] : memref<128x16xf32, #tpu.memory_space<vmem>>[vector<16xi32>, vector<16xi32>], vector<16xf32>,
      %swap3A_1164 = arith.constant 3 : i32
      %swap3A_1165 = arith.index_cast %swap3A_1164 : i32 to index
      %swap3A_1166 = arith.constant 16 : index
      %swap3A_1167 = tpu.vector_load %arg8[%swap3A_1165, %swap3A_1166] {strides = array<i32>} : memref<4x128xf32, #tpu.memory_space<vmem>>, vector<16xf32>,
      tpu.vector_store %arg8[%swap3A_1165, %swap3A_1166], %gather3A_1163 {strides = array<i32>} : memref<4x128xf32, #tpu.memory_space<vmem>>, vector<16xf32>,
      %add3A_1168 = arith.constant 32 : i32
      %add3A_1169 = vector.broadcast %add3A_1168 : i32 to vector<16xi32>
      %add3A_1170 = arith.addi %iota3A, %add3A_1169 : vector<16xi32>
      %get3A_1171 = arith.constant 3 : i32
      %get3A_1172 = arith.index_cast %get3A_1171 : i32 to index
      %get3A_1173 = arith.constant 32 : index
      %get3A_1174 = tpu.vector_load %arg6[%get3A_1172, %get3A_1173] {strides = array<i32>} : memref<4x128xi32, #tpu.memory_space<vmem>>, vector<16xi32>,
      %gather3A_1175 = arith.constant 3 : i32
      %gather3A_1176 = arith.constant 0 : i32
      %gather3A_1177 = arith.constant 0 : i32
      %gather3A_1178 = tpu.memref_slice %arg7[%gather3A_1175, %gather3A_1176, %gather3A_1177] : memref<4x128x16xf32, #tpu.memory_space<vmem>> -> memref<1x128x16xf32, #tpu.memory_space<vmem>>
      %gather3A_1179 = tpu.memref_squeeze %gather3A_1178 : memref<1x128x16xf32, #tpu.memory_space<vmem>> -> memref<128x16xf32, #tpu.memory_space<vmem>>
      %gather3A_1180 = tpu.vector_load_idx %gather3A_1179[%add3A_1170, %get3A_1174] : memref<128x16xf32, #tpu.memory_space<vmem>>[vector<16xi32>, vector<16xi32>], vector<16xf32>,
      %swap3A_1181 = arith.constant 3 : i32
      %swap3A_1182 = arith.index_cast %swap3A_1181 : i32 to index
      %swap3A_1183 = arith.constant 32 : index
      %swap3A_1184 = tpu.vector_load %arg8[%swap3A_1182, %swap3A_1183] {strides = array<i32>} : memref<4x128xf32, #tpu.memory_space<vmem>>, vector<16xf32>,
      tpu.vector_store %arg8[%swap3A_1182, %swap3A_1183], %gather3A_1180 {strides = array<i32>} : memref<4x128xf32, #tpu.memory_space<vmem>>, vector<16xf32>,
      %add3A_1185 = arith.constant 48 : i32
      %add3A_1186 = vector.broadcast %add3A_1185 : i32 to vector<16xi32>
      %add3A_1187 = arith.addi %iota3A, %add3A_1186 : vector<16xi32>
      %get3A_1188 = arith.constant 3 : i32
      %get3A_1189 = arith.index_cast %get3A_1188 : i32 to index
      %get3A_1190 = arith.constant 48 : index
      %get3A_1191 = tpu.vector_load %arg6[%get3A_1189, %get3A_1190] {strides = array<i32>} : memref<4x128xi32, #tpu.memory_space<vmem>>, vector<16xi32>,
      %gather3A_1192 = arith.constant 3 : i32
      %gather3A_1193 = arith.constant 0 : i32
      %gather3A_1194 = arith.constant 0 : i32
      %gather3A_1195 = tpu.memref_slice %arg7[%gather3A_1192, %gather3A_1193, %gather3A_1194] : memref<4x128x16xf32, #tpu.memory_space<vmem>> -> memref<1x128x16xf32, #tpu.memory_space<vmem>>
      %gather3A_1196 = tpu.memref_squeeze %gather3A_1195 : memref<1x128x16xf32, #tpu.memory_space<vmem>> -> memref<128x16xf32, #tpu.memory_space<vmem>>
      %gather3A_1197 = tpu.vector_load_idx %gather3A_1196[%add3A_1187, %get3A_1191] : memref<128x16xf32, #tpu.memory_space<vmem>>[vector<16xi32>, vector<16xi32>], vector<16xf32>,
      %swap3A_1198 = arith.constant 3 : i32
      %swap3A_1199 = arith.index_cast %swap3A_1198 : i32 to index
      %swap3A_1200 = arith.constant 48 : index
      %swap3A_1201 = tpu.vector_load %arg8[%swap3A_1199, %swap3A_1200] {strides = array<i32>} : memref<4x128xf32, #tpu.memory_space<vmem>>, vector<16xf32>,
      tpu.vector_store %arg8[%swap3A_1199, %swap3A_1200], %gather3A_1197 {strides = array<i32>} : memref<4x128xf32, #tpu.memory_space<vmem>>, vector<16xf32>,
      %add3A_1202 = arith.constant 64 : i32
      %add3A_1203 = vector.broadcast %add3A_1202 : i32 to vector<16xi32>
      %add3A_1204 = arith.addi %iota3A, %add3A_1203 : vector<16xi32>
      %get3A_1205 = arith.constant 3 : i32
      %get3A_1206 = arith.index_cast %get3A_1205 : i32 to index
      %get3A_1207 = arith.constant 64 : index
      %get3A_1208 = tpu.vector_load %arg6[%get3A_1206, %get3A_1207] {strides = array<i32>} : memref<4x128xi32, #tpu.memory_space<vmem>>, vector<16xi32>,
      %gather3A_1209 = arith.constant 3 : i32
      %gather3A_1210 = arith.constant 0 : i32
      %gather3A_1211 = arith.constant 0 : i32
      %gather3A_1212 = tpu.memref_slice %arg7[%gather3A_1209, %gather3A_1210, %gather3A_1211] : memref<4x128x16xf32, #tpu.memory_space<vmem>> -> memref<1x128x16xf32, #tpu.memory_space<vmem>>
      %gather3A_1213 = tpu.memref_squeeze %gather3A_1212 : memref<1x128x16xf32, #tpu.memory_space<vmem>> -> memref<128x16xf32, #tpu.memory_space<vmem>>
      %gather3A_1214 = tpu.vector_load_idx %gather3A_1213[%add3A_1204, %get3A_1208] : memref<128x16xf32, #tpu.memory_space<vmem>>[vector<16xi32>, vector<16xi32>], vector<16xf32>,
      %swap3A_1215 = arith.constant 3 : i32
      %swap3A_1216 = arith.index_cast %swap3A_1215 : i32 to index
      %swap3A_1217 = arith.constant 64 : index
      %swap3A_1218 = tpu.vector_load %arg8[%swap3A_1216, %swap3A_1217] {strides = array<i32>} : memref<4x128xf32, #tpu.memory_space<vmem>>, vector<16xf32>,
      tpu.vector_store %arg8[%swap3A_1216, %swap3A_1217], %gather3A_1214 {strides = array<i32>} : memref<4x128xf32, #tpu.memory_space<vmem>>, vector<16xf32>,
      %add3A_1219 = arith.constant 80 : i32
      %add3A_1220 = vector.broadcast %add3A_1219 : i32 to vector<16xi32>
      %add3A_1221 = arith.addi %iota3A, %add3A_1220 : vector<16xi32>
      %get3A_1222 = arith.constant 3 : i32
      %get3A_1223 = arith.index_cast %get3A_1222 : i32 to index
      %get3A_1224 = arith.constant 80 : index
      %get3A_1225 = tpu.vector_load %arg6[%get3A_1223, %get3A_1224] {strides = array<i32>} : memref<4x128xi32, #tpu.memory_space<vmem>>, vector<16xi32>,
      %gather3A_1226 = arith.constant 3 : i32
      %gather3A_1227 = arith.constant 0 : i32
      %gather3A_1228 = arith.constant 0 : i32
      %gather3A_1229 = tpu.memref_slice %arg7[%gather3A_1226, %gather3A_1227, %gather3A_1228] : memref<4x128x16xf32, #tpu.memory_space<vmem>> -> memref<1x128x16xf32, #tpu.memory_space<vmem>>
      %gather3A_1230 = tpu.memref_squeeze %gather3A_1229 : memref<1x128x16xf32, #tpu.memory_space<vmem>> -> memref<128x16xf32, #tpu.memory_space<vmem>>
      %gather3A_1231 = tpu.vector_load_idx %gather3A_1230[%add3A_1221, %get3A_1225] : memref<128x16xf32, #tpu.memory_space<vmem>>[vector<16xi32>, vector<16xi32>], vector<16xf32>,
      %swap3A_1232 = arith.constant 3 : i32
      %swap3A_1233 = arith.index_cast %swap3A_1232 : i32 to index
      %swap3A_1234 = arith.constant 80 : index
      %swap3A_1235 = tpu.vector_load %arg8[%swap3A_1233, %swap3A_1234] {strides = array<i32>} : memref<4x128xf32, #tpu.memory_space<vmem>>, vector<16xf32>,
      tpu.vector_store %arg8[%swap3A_1233, %swap3A_1234], %gather3A_1231 {strides = array<i32>} : memref<4x128xf32, #tpu.memory_space<vmem>>, vector<16xf32>,
      %add3A_1236 = arith.constant 96 : i32
      %add3A_1237 = vector.broadcast %add3A_1236 : i32 to vector<16xi32>
      %add3A_1238 = arith.addi %iota3A, %add3A_1237 : vector<16xi32>
      %get3A_1239 = arith.constant 3 : i32
      %get3A_1240 = arith.index_cast %get3A_1239 : i32 to index
      %get3A_1241 = arith.constant 96 : index
      %get3A_1242 = tpu.vector_load %arg6[%get3A_1240, %get3A_1241] {strides = array<i32>} : memref<4x128xi32, #tpu.memory_space<vmem>>, vector<16xi32>,
      %gather3A_1243 = arith.constant 3 : i32
      %gather3A_1244 = arith.constant 0 : i32
      %gather3A_1245 = arith.constant 0 : i32
      %gather3A_1246 = tpu.memref_slice %arg7[%gather3A_1243, %gather3A_1244, %gather3A_1245] : memref<4x128x16xf32, #tpu.memory_space<vmem>> -> memref<1x128x16xf32, #tpu.memory_space<vmem>>
      %gather3A_1247 = tpu.memref_squeeze %gather3A_1246 : memref<1x128x16xf32, #tpu.memory_space<vmem>> -> memref<128x16xf32, #tpu.memory_space<vmem>>
      %gather3A_1248 = tpu.vector_load_idx %gather3A_1247[%add3A_1238, %get3A_1242] : memref<128x16xf32, #tpu.memory_space<vmem>>[vector<16xi32>, vector<16xi32>], vector<16xf32>,
      %swap3A_1249 = arith.constant 3 : i32
      %swap3A_1250 = arith.index_cast %swap3A_1249 : i32 to index
      %swap3A_1251 = arith.constant 96 : index
      %swap3A_1252 = tpu.vector_load %arg8[%swap3A_1250, %swap3A_1251] {strides = array<i32>} : memref<4x128xf32, #tpu.memory_space<vmem>>, vector<16xf32>,
      tpu.vector_store %arg8[%swap3A_1250, %swap3A_1251], %gather3A_1248 {strides = array<i32>} : memref<4x128xf32, #tpu.memory_space<vmem>>, vector<16xf32>,
      %add3A_1253 = arith.constant 112 : i32
      %add3A_1254 = vector.broadcast %add3A_1253 : i32 to vector<16xi32>
      %add3A_1255 = arith.addi %iota3A, %add3A_1254 : vector<16xi32>
      %get3A_1256 = arith.constant 3 : i32
      %get3A_1257 = arith.index_cast %get3A_1256 : i32 to index
      %get3A_1258 = arith.constant 112 : index
      %get3A_1259 = tpu.vector_load %arg6[%get3A_1257, %get3A_1258] {strides = array<i32>} : memref<4x128xi32, #tpu.memory_space<vmem>>, vector<16xi32>,
      %gather3A_1260 = arith.constant 3 : i32
      %gather3A_1261 = arith.constant 0 : i32
      %gather3A_1262 = arith.constant 0 : i32
      %gather3A_1263 = tpu.memref_slice %arg7[%gather3A_1260, %gather3A_1261, %gather3A_1262] : memref<4x128x16xf32, #tpu.memory_space<vmem>> -> memref<1x128x16xf32, #tpu.memory_space<vmem>>
      %gather3A_1264 = tpu.memref_squeeze %gather3A_1263 : memref<1x128x16xf32, #tpu.memory_space<vmem>> -> memref<128x16xf32, #tpu.memory_space<vmem>>
      %gather3A_1265 = tpu.vector_load_idx %gather3A_1264[%add3A_1255, %get3A_1259] : memref<128x16xf32, #tpu.memory_space<vmem>>[vector<16xi32>, vector<16xi32>], vector<16xf32>,
      %swap3A_1266 = arith.constant 3 : i32
      %swap3A_1267 = arith.index_cast %swap3A_1266 : i32 to index
      %swap3A_1268 = arith.constant 112 : index
      %swap3A_1269 = tpu.vector_load %arg8[%swap3A_1267, %swap3A_1268] {strides = array<i32>} : memref<4x128xf32, #tpu.memory_space<vmem>>, vector<16xf32>,
      tpu.vector_store %arg8[%swap3A_1267, %swap3A_1268], %gather3A_1265 {strides = array<i32>} : memref<4x128xf32, #tpu.memory_space<vmem>>, vector<16xf32>,
      %run_scoped3A_1270 = arith.constant 3 : i32
      "tpu.region"() ({
        %run_scoped3A_1271 = tpu.sem_alloc : memref<!tpu.dma_semaphore, #tpu.memory_space<semaphore_mem>>
        %dma_start3A_1272 = arith.constant 0 : i32
        %dma_start3A_1273 = tpu.memref_slice %arg8[%run_scoped3A_1270, %dma_start3A_1272] : memref<4x128xf32, #tpu.memory_space<vmem>> -> memref<1x128xf32, #tpu.memory_space<vmem>>
        %dma_start3A_1274 = tpu.memref_squeeze %dma_start3A_1273 : memref<1x128xf32, #tpu.memory_space<vmem>> -> memref<128xf32, #tpu.memory_space<vmem>>
        %dma_start3A_1275 = tpu.memref_slice %arg4[%add3A_1118] : memref<425984xf32, #tpu.memory_space<hbm>> -> memref<128xf32, #tpu.memory_space<hbm>>
        %dma_start3A_1276 = tpu.memref_slice %arg4[%add3A_1118] : memref<425984xf32, #tpu.memory_space<hbm>> -> memref<128xf32, #tpu.memory_space<hbm>>
        %dma_start3A_1277 = arith.constant 0 : i32
        %dma_start3A_1278 = tpu.memref_slice %arg8[%run_scoped3A_1270, %dma_start3A_1277] : memref<4x128xf32, #tpu.memory_space<vmem>> -> memref<1x128xf32, #tpu.memory_space<vmem>>
        %dma_start3A_1279 = tpu.memref_squeeze %dma_start3A_1278 : memref<1x128xf32, #tpu.memory_space<vmem>> -> memref<128xf32, #tpu.memory_space<vmem>>
        tpu.enqueue_dma source(%dma_start3A_1279 : memref<128xf32, #tpu.memory_space<vmem>>) target(%dma_start3A_1276 : memref<128xf32, #tpu.memory_space<hbm>>) target_semaphore(%run_scoped3A_1271 : memref<!tpu.dma_semaphore, #tpu.memory_space<semaphore_mem>>)
        %dma_wait3A_1280 = arith.constant 0 : i32
        %dma_wait3A_1281 = tpu.memref_slice %arg8[%run_scoped3A_1270, %dma_wait3A_1280] : memref<4x128xf32, #tpu.memory_space<vmem>> -> memref<1x128xf32, #tpu.memory_space<vmem>>
        %dma_wait3A_1282 = tpu.memref_squeeze %dma_wait3A_1281 : memref<1x128xf32, #tpu.memory_space<vmem>> -> memref<128xf32, #tpu.memory_space<vmem>>
        %dma_wait3A_1283 = tpu.memref_slice %arg4[%add3A_1118] : memref<425984xf32, #tpu.memory_space<hbm>> -> memref<128xf32, #tpu.memory_space<hbm>>
        %dma_wait3A_1284 = tpu.memref_slice %arg4[%add3A_1118] : memref<425984xf32, #tpu.memory_space<hbm>> -> memref<128xf32, #tpu.memory_space<hbm>>
        %dma_wait3A_1285 = arith.constant 0 : i32
        %dma_wait3A_1286 = tpu.memref_slice %arg8[%run_scoped3A_1270, %dma_wait3A_1285] : memref<4x128xf32, #tpu.memory_space<vmem>> -> memref<1x128xf32, #tpu.memory_space<vmem>>
        %dma_wait3A_1287 = tpu.memref_squeeze %dma_wait3A_1286 : memref<1x128xf32, #tpu.memory_space<vmem>> -> memref<128xf32, #tpu.memory_space<vmem>>
        tpu.wait_dma2 semaphore(%run_scoped3A_1271 : memref<!tpu.dma_semaphore, #tpu.memory_space<semaphore_mem>>) src(%dma_wait3A_1287 : memref<128xf32, #tpu.memory_space<vmem>>) dst(%dma_wait3A_1284 : memref<128xf32, #tpu.memory_space<hbm>>)
        tpu.yield
      }) : () -> ()
    }
    %scan3A_6 = arith.constant 26 : i32
    return
  }
}

module attributes {stable_mosaic.version = 14 : i64} {
  func.func @_mlp_body(%arg0: i32, %arg1: memref<2048x832xf32, #tpu.memory_space<vmem>>, %arg2: memref<2048x26xf32, #tpu.memory_space<vmem>>, %arg3: memref<832x400xf32, #tpu.memory_space<vmem>>, %arg4: memref<1x400xf32, #tpu.memory_space<vmem>>, %arg5: memref<400x400xf32, #tpu.memory_space<vmem>>, %arg6: memref<1x400xf32, #tpu.memory_space<vmem>>, %arg7: memref<400x400xf32, #tpu.memory_space<vmem>>, %arg8: memref<1x400xf32, #tpu.memory_space<vmem>>, %arg9: memref<400x1xf32, #tpu.memory_space<vmem>>, %arg10: memref<1x1xf32, #tpu.memory_space<vmem>>, %arg11: memref<2048x1xf32, #tpu.memory_space<vmem>>) attributes {dimension_semantics = [#tpu.dimension_semantics<arbitrary>], iteration_bounds = array<i64: 8>, scalar_prefetch = 0 : i64, scratch_operands = 0 : i64, tpu.core_type = #tpu.core_type<tc>, window_params = [{transform_indices = @transform_0, window_bounds = array<i64: 2048, 832>}, {transform_indices = @transform_1, window_bounds = array<i64: 2048, 26>}, {pipeline_mode = #tpu.pipeline_mode<synchronous>, transform_indices = @transform_2, window_bounds = array<i64: 832, 400>}, {pipeline_mode = #tpu.pipeline_mode<synchronous>, transform_indices = @transform_3, window_bounds = array<i64: 1, 400>}, {pipeline_mode = #tpu.pipeline_mode<synchronous>, transform_indices = @transform_4, window_bounds = array<i64: 400, 400>}, {pipeline_mode = #tpu.pipeline_mode<synchronous>, transform_indices = @transform_5, window_bounds = array<i64: 1, 400>}, {pipeline_mode = #tpu.pipeline_mode<synchronous>, transform_indices = @transform_6, window_bounds = array<i64: 400, 400>}, {pipeline_mode = #tpu.pipeline_mode<synchronous>, transform_indices = @transform_7, window_bounds = array<i64: 1, 400>}, {pipeline_mode = #tpu.pipeline_mode<synchronous>, transform_indices = @transform_8, window_bounds = array<i64: 400, 1>}, {pipeline_mode = #tpu.pipeline_mode<synchronous>, transform_indices = @transform_9, window_bounds = array<i64: 1, 1>}, {transform_indices = @transform_10, window_bounds = array<i64: 2048, 1>}]} {
    %get3A = arith.constant 0 : index
    %get3A_0 = arith.constant 0 : index
    %get3A_1 = vector.load %arg1[%get3A, %get3A_0] : memref<2048x832xf32, #tpu.memory_space<vmem>>, vector<2048x832xf32>
    %get3A_2 = arith.constant 0 : index
    %get3A_3 = arith.constant 0 : index
    %get3A_4 = vector.load %arg3[%get3A_2, %get3A_3] : memref<832x400xf32, #tpu.memory_space<vmem>>, vector<832x400xf32>
    %dot_general3A = arith.constant dense<0.000000e+00> : vector<2048x400xf32>
    %dot_general3A_5 = tpu.matmul %get3A_1, %get3A_4, %dot_general3A {dimension_numbers = #tpu.dot_dimension_numbers<[1], [0], [0], [1], [0, 0, 1, 1], [], []>, transpose_lhs_hint = false} : vector<2048x832xf32>, vector<832x400xf32>, vector<2048x400xf32> -> vector<2048x400xf32>
    %get3A_6 = arith.constant 0 : index
    %get3A_7 = arith.constant 0 : index
    %get3A_8 = vector.load %arg4[%get3A_6, %get3A_7] : memref<1x400xf32, #tpu.memory_space<vmem>>, vector<1x400xf32>
    %add3A = vector.broadcast %get3A_8 : vector<1x400xf32> to vector<2048x400xf32>
    %add3A_9 = arith.addf %dot_general3A_5, %add3A : vector<2048x400xf32>
    %max3A = arith.constant 0.000000e+00 : f32
    %max3A_10 = vector.broadcast %max3A : f32 to vector<2048x400xf32>
    %max3A_11 = arith.maximumf %add3A_9, %max3A_10 : vector<2048x400xf32>
    %get3A_12 = arith.constant 0 : index
    %get3A_13 = arith.constant 0 : index
    %get3A_14 = vector.load %arg5[%get3A_12, %get3A_13] : memref<400x400xf32, #tpu.memory_space<vmem>>, vector<400x400xf32>
    %dot_general3A_15 = arith.constant dense<0.000000e+00> : vector<2048x400xf32>
    %dot_general3A_16 = tpu.matmul %max3A_11, %get3A_14, %dot_general3A_15 {dimension_numbers = #tpu.dot_dimension_numbers<[1], [0], [0], [1], [0, 0, 1, 1], [], []>, transpose_lhs_hint = false} : vector<2048x400xf32>, vector<400x400xf32>, vector<2048x400xf32> -> vector<2048x400xf32>
    %get3A_17 = arith.constant 0 : index
    %get3A_18 = arith.constant 0 : index
    %get3A_19 = vector.load %arg6[%get3A_17, %get3A_18] : memref<1x400xf32, #tpu.memory_space<vmem>>, vector<1x400xf32>
    %add3A_20 = vector.broadcast %get3A_19 : vector<1x400xf32> to vector<2048x400xf32>
    %add3A_21 = arith.addf %dot_general3A_16, %add3A_20 : vector<2048x400xf32>
    %max3A_22 = arith.constant 0.000000e+00 : f32
    %max3A_23 = vector.broadcast %max3A_22 : f32 to vector<2048x400xf32>
    %max3A_24 = arith.maximumf %add3A_21, %max3A_23 : vector<2048x400xf32>
    %get3A_25 = arith.constant 0 : index
    %get3A_26 = arith.constant 0 : index
    %get3A_27 = vector.load %arg7[%get3A_25, %get3A_26] : memref<400x400xf32, #tpu.memory_space<vmem>>, vector<400x400xf32>
    %dot_general3A_28 = arith.constant dense<0.000000e+00> : vector<2048x400xf32>
    %dot_general3A_29 = tpu.matmul %max3A_24, %get3A_27, %dot_general3A_28 {dimension_numbers = #tpu.dot_dimension_numbers<[1], [0], [0], [1], [0, 0, 1, 1], [], []>, transpose_lhs_hint = false} : vector<2048x400xf32>, vector<400x400xf32>, vector<2048x400xf32> -> vector<2048x400xf32>
    %get3A_30 = arith.constant 0 : index
    %get3A_31 = arith.constant 0 : index
    %get3A_32 = vector.load %arg8[%get3A_30, %get3A_31] : memref<1x400xf32, #tpu.memory_space<vmem>>, vector<1x400xf32>
    %add3A_33 = vector.broadcast %get3A_32 : vector<1x400xf32> to vector<2048x400xf32>
    %add3A_34 = arith.addf %dot_general3A_29, %add3A_33 : vector<2048x400xf32>
    %max3A_35 = arith.constant 0.000000e+00 : f32
    %max3A_36 = vector.broadcast %max3A_35 : f32 to vector<2048x400xf32>
    %max3A_37 = arith.maximumf %add3A_34, %max3A_36 : vector<2048x400xf32>
    %get3A_38 = arith.constant 0 : index
    %get3A_39 = arith.constant 0 : index
    %get3A_40 = vector.load %arg9[%get3A_38, %get3A_39] : memref<400x1xf32, #tpu.memory_space<vmem>>, vector<400x1xf32>
    %dot_general3A_41 = arith.constant dense<0.000000e+00> : vector<2048x1xf32>
    %dot_general3A_42 = tpu.matmul %max3A_37, %get3A_40, %dot_general3A_41 {dimension_numbers = #tpu.dot_dimension_numbers<[1], [0], [0], [1], [0, 0, 1, 1], [], []>, transpose_lhs_hint = false} : vector<2048x400xf32>, vector<400x1xf32>, vector<2048x1xf32> -> vector<2048x1xf32>
    %get3A_43 = arith.constant 0 : index
    %get3A_44 = arith.constant 0 : index
    %get3A_45 = vector.load %arg10[%get3A_43, %get3A_44] : memref<1x1xf32, #tpu.memory_space<vmem>>, vector<1x1xf32>
    %add3A_46 = vector.broadcast %get3A_45 : vector<1x1xf32> to vector<2048x1xf32>
    %add3A_47 = arith.addf %dot_general3A_42, %add3A_46 : vector<2048x1xf32>
    %max3A_48 = arith.constant 0.000000e+00 : f32
    %max3A_49 = vector.broadcast %max3A_48 : f32 to vector<2048x1xf32>
    %max3A_50 = arith.maximumf %add3A_47, %max3A_49 : vector<2048x1xf32>
    %get3A_51 = arith.constant 0 : index
    %get3A_52 = arith.constant 0 : index
    %get3A_53 = vector.load %arg2[%get3A_51, %get3A_52] : memref<2048x26xf32, #tpu.memory_space<vmem>>, vector<2048x26xf32>
    %reduce_sum3A = arith.constant dense<0.000000e+00> : vector<2048xf32>
    %reduce_sum3A_54 = vector.multi_reduction <add>, %get3A_53, %reduce_sum3A [1] : vector<2048x26xf32> to vector<2048xf32>
    %broadcast_in_dim3A = vector.shape_cast %reduce_sum3A_54 : vector<2048xf32> to vector<2048x1xf32>
    %add3A_55 = arith.addf %max3A_50, %broadcast_in_dim3A : vector<2048x1xf32>
    %swap3A = arith.constant 0 : index
    %swap3A_56 = arith.constant 0 : index
    %swap3A_57 = vector.load %arg11[%swap3A, %swap3A_56] : memref<2048x1xf32, #tpu.memory_space<vmem>>, vector<2048x1xf32>
    tpu.vector_store %arg11[%swap3A, %swap3A_56], %add3A_55 {strides = array<i32>} : memref<2048x1xf32, #tpu.memory_space<vmem>>, vector<2048x1xf32>,
    return
  }
  func.func @transform_0(%arg0: i32) -> (i32, i32) {
    %c0_i32 = arith.constant 0 : i32
    %c0_i32_0 = arith.constant 0 : i32
    return %arg0, %c0_i32 : i32, i32
  }
  func.func @transform_1(%arg0: i32) -> (i32, i32) {
    %c0_i32 = arith.constant 0 : i32
    %c0_i32_0 = arith.constant 0 : i32
    return %arg0, %c0_i32 : i32, i32
  }
  func.func @transform_2(%arg0: i32) -> (i32, i32) {
    %c0_i32 = arith.constant 0 : i32
    %c0_i32_0 = arith.constant 0 : i32
    %c0_i32_1 = arith.constant 0 : i32
    return %c0_i32, %c0_i32_0 : i32, i32
  }
  func.func @transform_3(%arg0: i32) -> (i32, i32) {
    %c0_i32 = arith.constant 0 : i32
    %c0_i32_0 = arith.constant 0 : i32
    %c0_i32_1 = arith.constant 0 : i32
    return %c0_i32, %c0_i32_0 : i32, i32
  }
  func.func @transform_4(%arg0: i32) -> (i32, i32) {
    %c0_i32 = arith.constant 0 : i32
    %c0_i32_0 = arith.constant 0 : i32
    %c0_i32_1 = arith.constant 0 : i32
    return %c0_i32, %c0_i32_0 : i32, i32
  }
  func.func @transform_5(%arg0: i32) -> (i32, i32) {
    %c0_i32 = arith.constant 0 : i32
    %c0_i32_0 = arith.constant 0 : i32
    %c0_i32_1 = arith.constant 0 : i32
    return %c0_i32, %c0_i32_0 : i32, i32
  }
  func.func @transform_6(%arg0: i32) -> (i32, i32) {
    %c0_i32 = arith.constant 0 : i32
    %c0_i32_0 = arith.constant 0 : i32
    %c0_i32_1 = arith.constant 0 : i32
    return %c0_i32, %c0_i32_0 : i32, i32
  }
  func.func @transform_7(%arg0: i32) -> (i32, i32) {
    %c0_i32 = arith.constant 0 : i32
    %c0_i32_0 = arith.constant 0 : i32
    %c0_i32_1 = arith.constant 0 : i32
    return %c0_i32, %c0_i32_0 : i32, i32
  }
  func.func @transform_8(%arg0: i32) -> (i32, i32) {
    %c0_i32 = arith.constant 0 : i32
    %c0_i32_0 = arith.constant 0 : i32
    %c0_i32_1 = arith.constant 0 : i32
    return %c0_i32, %c0_i32_0 : i32, i32
  }
  func.func @transform_9(%arg0: i32) -> (i32, i32) {
    %c0_i32 = arith.constant 0 : i32
    %c0_i32_0 = arith.constant 0 : i32
    %c0_i32_1 = arith.constant 0 : i32
    return %c0_i32, %c0_i32_0 : i32, i32
  }
  func.func @transform_10(%arg0: i32) -> (i32, i32) {
    %c0_i32 = arith.constant 0 : i32
    %c0_i32_0 = arith.constant 0 : i32
    return %arg0, %c0_i32 : i32, i32
  }
}

</mosaic_0001>

<sc_bundles>
// kernel: kernel.5.cloned.1.call-start
scs
__scs_entry_jumppad:
0x0: {  	(pc) =	sbr.rel $0x88, $3  }
0x1: {  	(tag) =	ssettag $0x0;
	lr =	simm.s32 $0x1  }
0x2: {  	[smem:$0x3F8F] =	sst lr;
	_ =	strace $0xD0000000  }
0x3: {  	_ = 	snop  }
0x4: {  	_ = 	snop  }
0x5: {  	_ = 	snop  }
0x6: {  	_ = 	snop  }
0x7: {  	_ = 	snop  }
__scs_overlays_trampoline_lowered:
0x8: {  	[smem:$0x3F9E] =	sst s0  }
0x9: {  	[smem:$0x3F9F] =	sst s1  }
0xa: {  	[smem:$0x3FA0] =	sst s2  }
0xb: {  	[smem:$0x3FA1] =	sst s3  }
0xc: {  	[smem:$0x3FA2] =	sst s4  }
0xd: {  	[smem:$0x3FA3] =	sst s5  }
0xe: {  	[smem:$0x3FA4] =	sst s6  }
0xf: {  	[smem:$0x3FA5] =	sst s7  }
0x10: {  	[smem:$0x3FA6] =	sst s8  }
0x11: {  	[smem:$0x3FA7] =	sst s9;
	s0 =	simm.s32 @!p0 $0x0  }
0x12: {  	s1 =	sld [smem:$0x3F8D];
	s0 =	simm.s32 @p0 $0x1  }
0x13: {  	[smem:$0x3FA8] =	sst s0;
	s0 =	simm.s32 @!p1 $0x0  }
0x14: {  	s2 =	sld [smem:$0x3F8C];
	s0 =	simm.s32 @p1 $0x1  }
0x15: {  	[smem:$0x3FA9] =	sst s0;
	s0 =	simm.s32 @!p2 $0x0  }
0x16: {  	s3 =	sld [smem:$0x3FDB];
	s0 =	simm.s32 @p2 $0x1  }
0x17: {  	s4 =	simm.s32 $0x1BF5;
	[smem:$0x3FAB] =	sst s0  }
0x18: {  	s0 =	sld [smem:$0x3F8E];
	_ =	swait.ge [sflag:s4], $0x0  }
0x19: {  	s7 =	sld [smem:$0x3F8F]  }
0x1a: {  	s8 =	sadd.s32 $0xFFFFE003, lr  }
0x1b: {  	s9 =	sadd.s32 $0xFFFFFEF7, lr;
	s5 =	simm.s32 $0xFFFFFFFF;
	p2 =	slt.u32 s8, $0xFFFFF086  }
0x1c: {  	p1 =	slt.u32 s9, $0xF7A;
	s5 =	simm.s32 @!p2 $0x0  }
0x1d: {  	s5 =	simm.s32 @p1 $0x1;
	p0 =	seq.s32 s7, s2  }
0x1e: {  	s7 =	smul.u32 @!p0 $0xF7A, s2;
	p2 =	seq.s32 @!p0 s5, $0x0  }
0x1f: {  	s9 =	smul.u32 $0xF7A, s1;
	s8 =	simm.s32 @!p0 $0x1BF5;
	p2 =	por !p2, p0  }
0x20: {  	[sflag:s8] =	ssyncset.s32 @!p0 $0xFFFFF086;
	s6 =	sadd.s32 @!p0 s3, s7;
	s7 =	simm.s32 @!p0 $0x108  }
0x21: {  	s3 =	sadd.s32 s3, s9;
	s6 =	sadd.s32 @!p0 $0x88, s6;
	s7 =	simm.s32 @p2 $0x1082  }
0x22: {  	[simem:s7], [sflag:s8] =	dma.local @!p0 [hbm:s6], $0xF7A  }
0x23: {  	s9 =	sor.u32 $0xD0000000, s2;
	s6 =	simm.s32 $0x108;
	_ =	swait.ge @!p0 [sflag:s8], $0x0  }
0x24: {  	s3 =	sadd.s32 $0x88, s3;
	s6 =	simm.s32 @!p1 $0x1082;
	[sflag:s4] =	ssyncset.s32 $0xFFFFF086  }
0x25: {  	[simem:s6], [sflag:s4] =	dma.local [hbm:s3], $0xF7A  }
0x26: {  	[smem:$0x3F8F] =	sst s1;
	(tag) =	ssettag s2;
	_ =	strace s9  }
0x27: {  	s1 =	sld [smem:$0x3F9F]  }
0x28: {  	s2 =	sld [smem:$0x3FA0]  }
0x29: {  	s4 =	sld [smem:$0x3FA2]  }
0x2a: {  	p0 =	seq.s32 s5, $0x0;
	s5 =	sld [smem:$0x3FA3]  }
0x2b: {  	s6 =	sld [smem:$0x3FA4]  }
0x2c: {  	s7 =	sld [smem:$0x3FA5]  }
0x2d: {  	s3 =	simm.s32 $0x108;
	s8 =	sld [smem:$0x3FA6]  }
0x2e: {  	s3 =	simm.s32 @!p0 $0x1082;
	s9 =	sld [smem:$0x3FA7]  }
0x2f: {  	lr =	sadd.s32 s0, s3;
	s0 =	sld [smem:$0x3F9E]  }
0x30: {  	s3 =	sld [smem:$0x3FA1]  }
0x31: {  	[smem:$0x3FAA] =	sst s10  }
0x32: {  	s10 =	sld [smem:$0x3FA8];
	_ =	sdelay $0x3  }
0x33: {  	p0 =	seq.s32 s10, $0x1;
	s10 =	sld [smem:$0x3FAA];
	_ =	sdelay $0x3  }
0x34: {  	[smem:$0x3FAA] =	sst s10  }
0x35: {  	s10 =	sld [smem:$0x3FA9];
	_ =	sdelay $0x3  }
0x36: {  	p1 =	seq.s32 s10, $0x1;
	s10 =	sld [smem:$0x3FAA];
	_ =	sdelay $0x3  }
0x37: {  	[smem:$0x3FAA] =	sst s10  }
0x38: {  	s10 =	sld [smem:$0x3FAB]  }
0x39: {  	_ = 	snop;
	(pc) =	sbr.ind lr, $3  }
0x3a: {  	_ = 	snop  }
0x3b: {  	_ = 	snop  }
0x3c: {  	p2 =	seq.s32 s10, $0x1;
	s10 =	sld [smem:$0x3FAA]  }
0x3d: {  	_ =	shalt  }
0x3e: {  	_ =	shalt  }
0x3f: {  	_ =	shalt  }
0x40: {  	_ =	shalt  }
0x41: {  	_ =	shalt  }
0x42: {  	_ =	shalt  }
0x43: {  	_ =	shalt  }
0x44: {  	_ =	shalt  }
0x45: {  	_ =	shalt  }
0x46: {  	_ =	shalt  }
0x47: {  	_ =	shalt  }
0x48: {  	_ =	shalt  }
0x49: {  	_ =	shalt  }
0x4a: {  	_ =	shalt  }
0x4b: {  	_ =	shalt  }
0x4c: {  	_ =	shalt  }
0x4d: {  	_ =	shalt  }
0x4e: {  	_ =	shalt  }
0x4f: {  	_ =	shalt  }
0x50: {  	_ =	shalt  }
0x51: {  	_ =	shalt  }
0x52: {  	_ =	shalt  }
0x53: {  	_ =	shalt  }
0x54: {  	_ =	shalt  }
0x55: {  	_ =	shalt  }
0x56: {  	_ =	shalt  }
0x57: {  	_ =	shalt  }
0x58: {  	_ =	shalt  }
0x59: {  	_ =	shalt  }
0x5a: {  	_ =	shalt  }
0x5b: {  	_ =	shalt  }
0x5c: {  	_ =	shalt  }
0x5d: {  	_ =	shalt  }
0x5e: {  	_ =	shalt  }
0x5f: {  	_ =	shalt  }
0x60: {  	_ =	shalt  }
0x61: {  	_ =	shalt  }
0x62: {  	_ =	shalt  }
0x63: {  	_ =	shalt  }
0x64: {  	_ =	shalt  }
0x65: {  	_ =	shalt  }
0x66: {  	_ =	shalt  }
0x67: {  	_ =	shalt  }
0x68: {  	_ =	shalt  }
0x69: {  	_ =	shalt  }
0x6a: {  	_ =	shalt  }
0x6b: {  	_ =	shalt  }
0x6c: {  	_ =	shalt  }
0x6d: {  	_ =	shalt  }
0x6e: {  	_ =	shalt  }
0x6f: {  	_ =	shalt  }
0x70: {  	_ =	shalt  }
0x71: {  	_ =	shalt  }
0x72: {  	_ =	shalt  }
0x73: {  	_ =	shalt  }
0x74: {  	_ =	shalt  }
0x75: {  	_ =	shalt  }
0x76: {  	_ =	shalt  }
0x77: {  	_ =	shalt  }
0x78: {  	_ =	shalt  }
0x79: {  	_ =	shalt  }
0x7a: {  	_ =	shalt  }
0x7b: {  	_ =	shalt  }
0x7c: {  	_ =	shalt  }
0x7d: {  	_ =	shalt  }
0x7e: {  	_ =	shalt  }
0x7f: {  	_ =	shalt  }
0x80: {  	_ =	shalt  }
0x81: {  	_ =	shalt  }
0x82: {  	_ =	shalt  }
0x83: {  	_ =	shalt  }
0x84: {  	_ =	shalt  }
0x85: {  	_ =	shalt  }
0x86: {  	_ =	shalt  }
0x87: {  	_ =	shalt  }
.Lfunc_end0:
.L_simem_size_0:
called_computation_lowered:
.L_overlay_start_0:
0x88: {  	s2 =	sld [smem:$0x3FD9]  }
0x89: {  	s3 =	sld [smem:$0x3FFE];
	_ =	sdelay $0x1  }
0x8a: {  	s1 =	srdreg.scid  }
0x8b: {  	s0 =	sand.u32 $0x1, s1  }
0x8c: {  	s17 =	sshll.u32 s0, $0xA;
	s2 =	sadd.s32 s3, s2  }
0x8d: {  	s2 =	sadd.s32 s2, s17  }
0x8e: {  	[smem:$0x3FB6] =	sst s2  }
0x8f: {  	_ = 	snop  }
0x90: {  	(tm) =	ssettm $0x1  }
0x91: {  	s18 =	sld [smem:$0x3FFB];
	_ =	sdelay $0x3  }
0x92: {  	_ =	strace s18  }
0x93: {  	s2 =	sld [smem:$0x3FFC];
	_ =	sdelay $0x3  }
0x94: {  	_ =	strace s2  }
0x95: {  	s2 =	sld [smem:$0x3FFD];
	_ =	sdelay $0x3  }
0x96: {  	_ =	strace s2  }
0x97: {  	_ =	strace $0x8FFFFFFF  }
0x98: {  	s19 =	sld [smem:$0x3FDB];
	_ =	sdelay $0x1  }
0x99: {  	s20 =	simm.s32 $_scs_section_size  }
0x9a: {  	s4 =	simm.s32 $_size__tile_overlayer_lowered;
	s5 =	simm.s32 $_tile_overlayer_lowered  }
0x9b: {  	s6 =	simm.s32 $0x1BFF;
	s21 =	sshll.u32 s5, $0x1;
	s3 =	sadd.s32 s20, s19  }
0x9c: {  	s22 =	simm.s32 $0x0;
	s4 =	sshll.u32 s4, $0x1;
	s5 =	sadd.s32 s21, s3  }
0x9d: {  	[timem:s22], [sflag:s6] =	dma.local [hbm:s5], s4  }
0x9e: {  	_ =	swait.ge [sflag:s6], s4  }
0x9f: {  	s4 =	ssub.s32 $0x0, s4;
	[sflag:s6] =	ssyncset.done $0x0  }
0xa0: {  	[sflag:s6] =	ssyncadd.s32 s4;
	_ =	sdelay $0x1  }
0xa1: {  	s23 =	simm.s32 $0x1B8B  }
0xa2: {  	_ =	swait.ge [sflag:s23], $0x1  }
0xa3: {  	[sflag:s23] =	ssyncset.done $0x0  }
0xa4: {  	[sflag:s23] =	ssyncadd.s32 $0xFFFFFFFF  }
0xa5: {  	s4 =	sld [smem:$0x0]  }
0xa6: {  	s5 =	sand.u32 $0xFFFFFFFE, s1  }
0xa7: {  	p0 =	sne.s32 s1, s5  }
0xa8: {  	s5 =	sshll.u32 @p0 s5, $0xE  }
0xa9: {  	s5 =	sadd.s32 @p0 $0x11B8D, s5;
	s6 =	sshll.u32 @p0 s4, $0x11  }
0xaa: {  	s5 =	sor.u32 @p0 s6, s5  }
0xab: {  	[sflag:s5] =	ssyncadd.remote.s32 @p0 $0x1;
	_ =	sdelay $0x1  }
0xac: {  	s5 =	simm.s32 @p0 $0x1B8D  }
0xad: {  	_ =	swait.eq @p0 [sflag:s5], $0x1  }
0xae: {  	[sflag:s5] =	ssyncadd.s32 @p0 $0xFFFFFFFF  }
0xaf: {  	s6 =	sshll.u32 @!p0 s1, $0xE  }
0xb0: {  	s6 =	sor.u32 @!p0 $0x4000, s6;
	s5 =	simm.s32 @!p0 $0x1B8D  }
0xb1: {  	s4 =	sshll.u32 @!p0 s4, $0x11;
	s6 =	sadd.s32 @!p0 $0x11B8D, s6;
	_ =	swait.eq @!p0 [sflag:s5], $0x1  }
0xb2: {  	s4 =	sor.u32 @!p0 s4, s6;
	[sflag:s5] =	ssyncadd.s32 @!p0 $0xFFFFFFFF  }
0xb3: {  	s25 =	simm.s32 $0x1B8E;
	s24 =	sld [smem:$0x3FFE];
	[sflag:s4] =	ssyncadd.remote.s32 @!p0 $0x1  }
0xb4: {  	s26 =	simm.s32 $execute0_lowered;
	[smem:$0x3FD2] =	sst s25  }
0xb5: {  	s5 =	sshll.u32 s26, $0x1;
	_ =	strace $0x80000049;
	[dreg:$0x1] =	wrdreg $0xFFFFFFFF  }
0xb6: {  	s28 =	simm.s32 $_size_execute0_lowered;
	s3 =	sadd.s32 s3, s5;
	[dreg:$0x0] =	wrdreg $0x0  }
0xb7: {  	s5 =	sshll.u32 s28, $0x1;
	[dreg:$0x2] =	wrdreg s3  }
0xb8: {  	[dreg:$0x3] =	wrdreg s5  }
0xb9: {  	[dreg:$0x4] =	wrdreg $0xC0  }
0xba: {  	_ =	task [dreg:s22], $0x5FFFF  }
0xbb: {  	[dreg:$0x1] =	wrdreg $0xFFFFFFFF  }
0xbc: {  	[dreg:$0x0] =	wrdreg $0x60  }
0xbd: {  	[dreg:$0x2] =	wrdreg s24  }
0xbe: {  	[dreg:$0x3] =	wrdreg $0x9  }
0xbf: {  	_ =	task.clear_ibuf [dreg:s22], $0x4FFFF;
	_ =	strace $0x90000049  }
0xc0: {  	s29 =	simm.s32 $0x9;
	_ =	strace $0x8000004B  }
0xc1: {  	_ =	swait.ge [sflag:s29], $0x1  }
0xc2: {  	[sflag:s29] =	ssyncadd.s32 $0xFFFFFFFF  }
0xc3: {  	_ =	strace $0x9000004B  }
0xc4: {  	_ =	sfence  }
0xc5: {  	s30 =	sld [smem:$0x0];
	_ =	sdelay $0x2  }
0xc6: {  	s31 =	sshll.u32 s1, $0xD;
	s1 =	sshrl.u32 s1, $0x2  }
0xc7: {  	s4 =	sand.u32 $0x4000, s31;
	s1 =	sadd.s32 s1, s30  }
0xc8: {  	s0 =	sor.u32 s4, s0;
	s1 =	sshll.u32 s1, $0x11  }
0xc9: {  	s0 =	sor.u32 s1, s0  }
0xca: {  	s0 =	sadd.s32 $0x8F2B, s0  }
0xcb: {  	[sflag:s0] =	ssyncadd.remote.s32 $0x1  }
0xcc: {  	_ =	sfence.sel $0xFFFF  }
0xcd: {  	[dreg:$0x0] =	wrdreg $0xFFFFFFFF;
	(pc) =	sbr.abs _section_cstart, $3  }
0xce: {  	[dreg:$0x1] =	wrdreg $0xFFFFFFFF  }
0xcf: {  	_ =	task.clear_ibuf [dreg:s22], $0x2FFFF;
	_ =	strace $0x9FFFFFFF  }
0xd0: {  	(tm) =	ssettm $0x7FFFFFFF  }
0xd1: {  	_ =	shalt  }
tec
execute0_lowered:
.L_overlay_start_1:
0x0: {  	(tag) =	ssettag $0x1  }
0x1: {  	s1 =	srdreg.scid  }
0x2: {  	s0 =	stileid.u32;
	s5 =	rddreg [dreg:$0x0];
	s2 =	simm.s32 $0x0  }
0x3: {  	s8 =	simm.s32 $0x80;
	s9 =	simm.s32 $0x400;
	s10 =	simm.s32 $0xC00  }
0x4: {  	s11 =	simm.s32 $0x100;
	s12 =	simm.s32 $0x1400;
	s13 =	simm.s32 $0x180  }
0x5: {  	s14 =	simm.s32 $0x1C00;
	s15 =	simm.s32 $0x1;
	s16 =	simm.s32 $0x2400  }
0x6: {  	s17 =	simm.s32 $0x2;
	s18 =	simm.s32 $0x2480;
	s19 =	simm.s32 $0x3  }
0x7: {  	s20 =	simm.s32 $0x2500;
	s3 =	sand.u32 $0x1, s1;
	s4 =	smul.u32 $0x6800, s0  }
0x8: {  	v0 =	vlaneseq.u32;
	s21 =	simm.s32 $0x4;
	s22 =	simm.s32 $0x2580;
	s6 =	smul.u32 $0x3400, s3  }
0x9: {  	s23 =	simm.s32 $0x0;
	s1 =	rddreg [dreg:$0x1];
	v0 =	vmul.u32 $0x10, v0;
	s3 =	ssub.s32 $0x2, s3  }
0xa: {  	[smem:$0x7FF] =	sst s2;
	s30 =	sshrl.u32 s3, $0x1;
	s4 =	sadd.s32 s6, s4  }
0xb: {  	_ =	strace $0x8000004A;
	v1 =	vor.u32 $0x100, v0;
	s31 =	ssub.s32 s3, s30;
	s4 =	sshrl.u32 s4, $0x3  }
0xc: {  	v2 =	vor.u32 $0x200, v0;
	v3 =	vor.u32 $0x300, v0;
	v4 =	vor.u32 $0x400, v0;
	s3 =	sadd.s32 $0x1AF600, s5;
	s7 =	sadd.s32 s4, s5;
	s4 =	smax.u32 s31, $0x1  }
0xd: {  	v5 =	vor.u32 $0x500, v0;
	v6 =	vor.u32 $0x600, v0;
	v7 =	vor.u32 $0x700, v0;
	s5 =	sadd.s32 $0x2600, s7;
	s6 =	sadd.s32 $0x1FEC00, s7;
	s7 =	simm.s32 $0x5  }
.LBB2_1:
0xe: {  	s24 =	simm.s32 $0x0  }
.LBB2_2:
0xf: {  	s25 =	sadd.s32 s24, s5  }
0x10: {  	[tilespmem:s2], [sflag:$0x5] =	stream.linear.gather [hbm4b:s25+s2], $0x80, $0x38;
	[tilespmem:$0x2600] =	vst v63  }
0x11: {  	_ =	swait.ge [sflag:s7], $0x80  }
0x12: {  	[sflag:s7] =	ssyncset.done $0x0  }
0x13: {  	[sflag:s7] =	ssyncadd.s32 $0xFFFFFF80  }
0x14: {  	v8 =	vld [tilespmem:$0x0];
	_ =	sdelay $0x1  }
0x15: {  	v9 =	vld [tilespmem:$0x10];
	_ =	sdelay $0x1  }
0x16: {  	v10 =	vld [tilespmem:$0x20]  }
0x17: {  	v11 =	vand.u32 $0xF, v8  }
0x18: {  	v35 =	vld [tilespmem:$0x30];
	v8 =	vshrl.u32 v8, $0x4;
	[tilespmem:$0x200] =	vst v11  }
0x19: {  	[tilespmem:$0x0] =	vst v8;
	v8 =	vand.u32 $0xF, v9  }
0x1a: {  	v36 =	vld [tilespmem:$0x40];
	[tilespmem:$0x210] =	vst v8;
	v8 =	vshrl.u32 v9, $0x4  }
0x1b: {  	[tilespmem:$0x10] =	vst v8;
	v8 =	vand.u32 $0xF, v10  }
0x1c: {  	v37 =	vld [tilespmem:$0x50];
	[tilespmem:$0x220] =	vst v8;
	v8 =	vshrl.u32 v10, $0x4  }
0x1d: {  	[tilespmem:$0x20] =	vst v8;
	v8 =	vand.u32 $0xF, v35  }
0x1e: {  	v38 =	vld [tilespmem:$0x60];
	[tilespmem:$0x230] =	vst v8;
	v8 =	vshrl.u32 v35, $0x4  }
0x1f: {  	[tilespmem:$0x30] =	vst v8;
	v8 =	vand.u32 $0xF, v36  }
0x20: {  	v39 =	vld [tilespmem:$0x70];
	[tilespmem:$0x240] =	vst v8;
	v8 =	vshrl.u32 v36, $0x4  }
0x21: {  	[tilespmem:$0x40] =	vst v8;
	v8 =	vand.u32 $0xF, v37  }
0x22: {  	[tilespmem:$0x250] =	vst v8;
	v8 =	vshrl.u32 v37, $0x4  }
0x23: {  	[tilespmem:$0x50] =	vst v8;
	v8 =	vand.u32 $0xF, v38  }
0x24: {  	[tilespmem:$0x260] =	vst v8;
	v8 =	vshrl.u32 v38, $0x4  }
0x25: {  	[tilespmem:$0x60] =	vst v8;
	v8 =	vand.u32 $0xF, v39  }
0x26: {  	[tilespmem:$0x270] =	vst v8;
	v8 =	vshrl.u32 v39, $0x4  }
0x27: {  	[tilespmem:$0x70] =	vst v8  }
0x28: {  	[tilespmem:s9], [sflag:$0x1] =	stream.indirect.gather [hbm4b:s3+s8], $0x10, s2, s8, $0xb8;
	[tilespmem:$0x2600] =	vst v63  }
0x29: {  	s26 =	sadd.s32 $0x10, s25  }
0x2a: {  	[tilespmem:s8], [sflag:$0x5] =	stream.linear.gather [hbm4b:s26+s2], $0x80, $0x38;
	[tilespmem:$0x2600] =	vst v63  }
0x2b: {  	_ =	swait.ge [sflag:s7], $0x80  }
0x2c: {  	[sflag:s7] =	ssyncset.done $0x0  }
0x2d: {  	[sflag:s7] =	ssyncadd.s32 $0xFFFFFF80  }
0x2e: {  	v8 =	vld [tilespmem:$0x80];
	_ =	sdelay $0x1  }
0x2f: {  	v40 =	vld [tilespmem:$0x90];
	_ =	sdelay $0x1  }
0x30: {  	v41 =	vld [tilespmem:$0xA0]  }
0x31: {  	v42 =	vand.u32 $0xF, v8  }
0x32: {  	v43 =	vld [tilespmem:$0xB0];
	v8 =	vshrl.u32 v8, $0x4;
	[tilespmem:$0x280] =	vst v42  }
0x33: {  	[tilespmem:$0x80] =	vst v8;
	v8 =	vand.u32 $0xF, v40  }
0x34: {  	v44 =	vld [tilespmem:$0xC0];
	[tilespmem:$0x290] =	vst v8;
	v8 =	vshrl.u32 v40, $0x4  }
0x35: {  	[tilespmem:$0x90] =	vst v8;
	v8 =	vand.u32 $0xF, v41  }
0x36: {  	v45 =	vld [tilespmem:$0xD0];
	[tilespmem:$0x2A0] =	vst v8;
	v8 =	vshrl.u32 v41, $0x4  }
0x37: {  	[tilespmem:$0xA0] =	vst v8;
	v8 =	vand.u32 $0xF, v43  }
0x38: {  	v46 =	vld [tilespmem:$0xE0];
	[tilespmem:$0x2B0] =	vst v8;
	v8 =	vshrl.u32 v43, $0x4  }
0x39: {  	[tilespmem:$0xB0] =	vst v8;
	v8 =	vand.u32 $0xF, v44  }
0x3a: {  	v47 =	vld [tilespmem:$0xF0];
	[tilespmem:$0x2C0] =	vst v8;
	v8 =	vshrl.u32 v44, $0x4  }
0x3b: {  	[tilespmem:$0xC0] =	vst v8;
	v8 =	vand.u32 $0xF, v45  }
0x3c: {  	[tilespmem:$0x2D0] =	vst v8;
	v8 =	vshrl.u32 v45, $0x4  }
0x3d: {  	[tilespmem:$0xD0] =	vst v8;
	v8 =	vand.u32 $0xF, v46  }
0x3e: {  	[tilespmem:$0x2E0] =	vst v8;
	v8 =	vshrl.u32 v46, $0x4  }
0x3f: {  	[tilespmem:$0xE0] =	vst v8;
	v8 =	vand.u32 $0xF, v47  }
0x40: {  	[tilespmem:$0x2F0] =	vst v8;
	v8 =	vshrl.u32 v47, $0x4  }
0x41: {  	[tilespmem:$0xF0] =	vst v8  }
0x42: {  	[tilespmem:s10], [sflag:$0x2] =	stream.indirect.gather [hbm4b:s3+s8], $0x10, s8, s8, $0xb8;
	[tilespmem:$0x2600] =	vst v63  }
0x43: {  	s28 =	sadd.s32 $0x20, s25  }
0x44: {  	[tilespmem:s11], [sflag:$0x5] =	stream.linear.gather [hbm4b:s28+s2], $0x80, $0x38;
	[tilespmem:$0x2600] =	vst v63  }
0x45: {  	_ =	swait.ge [sflag:s7], $0x80  }
0x46: {  	[sflag:s7] =	ssyncset.done $0x0  }
0x47: {  	[sflag:s7] =	ssyncadd.s32 $0xFFFFFF80  }
0x48: {  	v8 =	vld [tilespmem:$0x100];
	_ =	sdelay $0x1  }
0x49: {  	v48 =	vld [tilespmem:$0x110];
	_ =	sdelay $0x1  }
0x4a: {  	v49 =	vld [tilespmem:$0x120]  }
0x4b: {  	v50 =	vand.u32 $0xF, v8  }
0x4c: {  	v51 =	vld [tilespmem:$0x130];
	v8 =	vshrl.u32 v8, $0x4;
	[tilespmem:$0x300] =	vst v50  }
0x4d: {  	[tilespmem:$0x100] =	vst v8;
	v8 =	vand.u32 $0xF, v48  }
0x4e: {  	v52 =	vld [tilespmem:$0x140];
	[tilespmem:$0x310] =	vst v8;
	v8 =	vshrl.u32 v48, $0x4  }
0x4f: {  	[tilespmem:$0x110] =	vst v8;
	v8 =	vand.u32 $0xF, v49  }
0x50: {  	v53 =	vld [tilespmem:$0x150];
	[tilespmem:$0x320] =	vst v8;
	v8 =	vshrl.u32 v49, $0x4  }
0x51: {  	[tilespmem:$0x120] =	vst v8;
	v8 =	vand.u32 $0xF, v51  }
0x52: {  	v54 =	vld [tilespmem:$0x160];
	[tilespmem:$0x330] =	vst v8;
	v8 =	vshrl.u32 v51, $0x4  }
0x53: {  	[tilespmem:$0x130] =	vst v8;
	v8 =	vand.u32 $0xF, v52  }
0x54: {  	v55 =	vld [tilespmem:$0x170];
	[tilespmem:$0x340] =	vst v8;
	v8 =	vshrl.u32 v52, $0x4  }
0x55: {  	[tilespmem:$0x140] =	vst v8;
	v8 =	vand.u32 $0xF, v53  }
0x56: {  	[tilespmem:$0x350] =	vst v8;
	v8 =	vshrl.u32 v53, $0x4  }
0x57: {  	[tilespmem:$0x150] =	vst v8;
	v8 =	vand.u32 $0xF, v54  }
0x58: {  	[tilespmem:$0x360] =	vst v8;
	v8 =	vshrl.u32 v54, $0x4  }
0x59: {  	[tilespmem:$0x160] =	vst v8;
	v8 =	vand.u32 $0xF, v55  }
0x5a: {  	[tilespmem:$0x370] =	vst v8;
	v8 =	vshrl.u32 v55, $0x4  }
0x5b: {  	[tilespmem:$0x170] =	vst v8  }
0x5c: {  	[tilespmem:s12], [sflag:$0x3] =	stream.indirect.gather [hbm4b:s3+s8], $0x10, s11, s8, $0xb8;
	[tilespmem:$0x2600] =	vst v63  }
0x5d: {  	s25 =	sadd.s32 $0x30, s25  }
0x5e: {  	[tilespmem:s13], [sflag:$0x5] =	stream.linear.gather [hbm4b:s25+s2], $0x80, $0x38;
	[tilespmem:$0x2600] =	vst v63  }
0x5f: {  	_ =	swait.ge [sflag:s7], $0x80  }
0x60: {  	[sflag:s7] =	ssyncset.done $0x0  }
0x61: {  	[sflag:s7] =	ssyncadd.s32 $0xFFFFFF80  }
0x62: {  	v8 =	vld [tilespmem:$0x180];
	_ =	sdelay $0x1  }
0x63: {  	v56 =	vld [tilespmem:$0x190];
	_ =	sdelay $0x1  }
0x64: {  	v57 =	vld [tilespmem:$0x1A0]  }
0x65: {  	v58 =	vand.u32 $0xF, v8  }
0x66: {  	v59 =	vld [tilespmem:$0x1B0];
	v8 =	vshrl.u32 v8, $0x4;
	[tilespmem:$0x380] =	vst v58  }
0x67: {  	[tilespmem:$0x180] =	vst v8;
	v8 =	vand.u32 $0xF, v56  }
0x68: {  	v60 =	vld [tilespmem:$0x1C0];
	[tilespmem:$0x390] =	vst v8;
	v8 =	vshrl.u32 v56, $0x4  }
0x69: {  	[tilespmem:$0x190] =	vst v8;
	v8 =	vand.u32 $0xF, v57  }
0x6a: {  	v61 =	vld [tilespmem:$0x1D0];
	[tilespmem:$0x3A0] =	vst v8;
	v8 =	vshrl.u32 v57, $0x4  }
0x6b: {  	[tilespmem:$0x1A0] =	vst v8;
	v8 =	vand.u32 $0xF, v59  }
0x6c: {  	v62 =	vld [tilespmem:$0x1E0];
	[tilespmem:$0x3B0] =	vst v8;
	v8 =	vshrl.u32 v59, $0x4  }
0x6d: {  	[tilespmem:$0x1B0] =	vst v8;
	v8 =	vand.u32 $0xF, v60  }
0x6e: {  	v63 =	vld [tilespmem:$0x1F0];
	[tilespmem:$0x3C0] =	vst v8;
	v8 =	vshrl.u32 v60, $0x4  }
0x6f: {  	[tilespmem:$0x1C0] =	vst v8;
	v8 =	vand.u32 $0xF, v61  }
0x70: {  	[tilespmem:$0x3D0] =	vst v8;
	v8 =	vshrl.u32 v61, $0x4  }
0x71: {  	[tilespmem:$0x1D0] =	vst v8;
	v8 =	vand.u32 $0xF, v62  }
0x72: {  	[tilespmem:$0x3E0] =	vst v8;
	v8 =	vshrl.u32 v62, $0x4  }
0x73: {  	[tilespmem:$0x1E0] =	vst v8;
	v8 =	vand.u32 $0xF, v63  }
0x74: {  	[tilespmem:$0x3F0] =	vst v8;
	v8 =	vshrl.u32 v63, $0x4  }
0x75: {  	[tilespmem:$0x1F0] =	vst v8  }
0x76: {  	[tilespmem:s14], [sflag:$0x4] =	stream.indirect.gather [hbm4b:s3+s8], $0x10, s13, s8, $0xb8;
	[tilespmem:$0x2600] =	vst v63  }
0x77: {  	_ =	swait.ge [sflag:s15], $0x800  }
0x78: {  	[sflag:s15] =	ssyncset.done $0x0  }
0x79: {  	[sflag:s15] =	ssyncadd.s32 $0xFFFFF800  }
0x7a: {  	v8 =	vld [tilespmem:$0x200];
	_ =	sdelay $0x4  }
0x7b: {  	v8 =	vadd.s32 v0, v8  }
0x7c: {  	v12 =	vld [tilespmem:$0x210];
	_ =	sdelay $0x3  }
0x7d: {  	v8 =	vld.idx.msk [tilespmem:v8+s9+$0x0], $0xffff  }
0x7e: {  	v9 =	vadd.s32 v1, v12  }
0x7f: {  	v13 =	vld [tilespmem:$0x220];
	_ =	sdelay $0x2  }
0x80: {  	[tilespmem:$0x2400] =	vst v8  }
0x81: {  	v8 =	vld.idx.msk [tilespmem:v9+s9+$0x0], $0xffff  }
0x82: {  	v14 =	vadd.s32 v2, v13  }
0x83: {  	v15 =	vld [tilespmem:$0x230];
	_ =	sdelay $0x2  }
0x84: {  	[tilespmem:$0x2410] =	vst v8  }
0x85: {  	v8 =	vld.idx.msk [tilespmem:v14+s9+$0x0], $0xffff  }
0x86: {  	v16 =	vadd.s32 v3, v15  }
0x87: {  	v17 =	vld [tilespmem:$0x240];
	_ =	sdelay $0x2  }
0x88: {  	[tilespmem:$0x2420] =	vst v8  }
0x89: {  	v8 =	vld.idx.msk [tilespmem:v16+s9+$0x0], $0xffff  }
0x8a: {  	v18 =	vadd.s32 v4, v17  }
0x8b: {  	v19 =	vld [tilespmem:$0x250];
	_ =	sdelay $0x2  }
0x8c: {  	[tilespmem:$0x2430] =	vst v8  }
0x8d: {  	v8 =	vld.idx.msk [tilespmem:v18+s9+$0x0], $0xffff  }
0x8e: {  	v20 =	vadd.s32 v5, v19  }
0x8f: {  	v21 =	vld [tilespmem:$0x260];
	_ =	sdelay $0x2  }
0x90: {  	[tilespmem:$0x2440] =	vst v8  }
0x91: {  	v8 =	vld.idx.msk [tilespmem:v20+s9+$0x0], $0xffff  }
0x92: {  	v22 =	vadd.s32 v6, v21  }
0x93: {  	v23 =	vld [tilespmem:$0x270];
	_ =	sdelay $0x2  }
0x94: {  	[tilespmem:$0x2450] =	vst v8  }
0x95: {  	v8 =	vld.idx.msk [tilespmem:v22+s9+$0x0], $0xffff  }
0x96: {  	v24 =	vadd.s32 v7, v23;
	_ =	sdelay $0x3  }
0x97: {  	[tilespmem:$0x2460] =	vst v8  }
0x98: {  	v8 =	vld.idx.msk [tilespmem:v24+s9+$0x0], $0xffff;
	_ =	sdelay $0x4  }
0x99: {  	s29 =	sadd.s32 s24, s6;
	[tilespmem:$0x2470] =	vst v8  }
0x9a: {  	[hbm4b:s29+s2] =	stream.linear.scatter [tilespmem:s16], [sflag:$0x5], $0x80, $0x38;
	[tilespmem:$0x2600] =	vst v63  }
0x9b: {  	_ =	swait.ge [sflag:s7], $0x80  }
0x9c: {  	[sflag:s7] =	ssyncset.done $0x0  }
0x9d: {  	[sflag:s7] =	ssyncadd.s32 $0xFFFFFF80  }
0x9e: {  	_ =	swait.ge [sflag:s17], $0x800  }
0x9f: {  	[sflag:s17] =	ssyncset.done $0x0  }
0xa0: {  	[sflag:s17] =	ssyncadd.s32 $0xFFFFF800  }
0xa1: {  	v8 =	vld [tilespmem:$0x280];
	_ =	sdelay $0x4  }
0xa2: {  	v8 =	vadd.s32 v0, v8  }
0xa3: {  	v25 =	vld [tilespmem:$0x290];
	_ =	sdelay $0x3  }
0xa4: {  	v8 =	vld.idx.msk [tilespmem:v8+s10+$0x0], $0xffff  }
0xa5: {  	v9 =	vadd.s32 v1, v25  }
0xa6: {  	v26 =	vld [tilespmem:$0x2A0];
	_ =	sdelay $0x2  }
0xa7: {  	[tilespmem:$0x2480] =	vst v8  }
0xa8: {  	v8 =	vld.idx.msk [tilespmem:v9+s10+$0x0], $0xffff  }
0xa9: {  	v27 =	vadd.s32 v2, v26  }
0xaa: {  	v28 =	vld [tilespmem:$0x2B0];
	_ =	sdelay $0x2  }
0xab: {  	[tilespmem:$0x2490] =	vst v8  }
0xac: {  	v8 =	vld.idx.msk [tilespmem:v27+s10+$0x0], $0xffff  }
0xad: {  	v29 =	vadd.s32 v3, v28  }
0xae: {  	v30 =	vld [tilespmem:$0x2C0];
	_ =	sdelay $0x2  }
0xaf: {  	[tilespmem:$0x24A0] =	vst v8  }
0xb0: {  	v8 =	vld.idx.msk [tilespmem:v29+s10+$0x0], $0xffff  }
0xb1: {  	v31 =	vadd.s32 v4, v30  }
0xb2: {  	v32 =	vld [tilespmem:$0x2D0];
	_ =	sdelay $0x2  }
0xb3: {  	[tilespmem:$0x24B0] =	vst v8  }
0xb4: {  	v8 =	vld.idx.msk [tilespmem:v31+s10+$0x0], $0xffff  }
0xb5: {  	v33 =	vadd.s32 v5, v32  }
0xb6: {  	v34 =	vld [tilespmem:$0x2E0];
	_ =	sdelay $0x2  }
0xb7: {  	[tilespmem:$0x24C0] =	vst v8  }
0xb8: {  	v8 =	vld.idx.msk [tilespmem:v33+s10+$0x0], $0xffff  }
0xb9: {  	v35 =	vadd.s32 v6, v34  }
0xba: {  	v36 =	vld [tilespmem:$0x2F0];
	_ =	sdelay $0x2  }
0xbb: {  	[tilespmem:$0x24D0] =	vst v8  }
0xbc: {  	v8 =	vld.idx.msk [tilespmem:v35+s10+$0x0], $0xffff  }
0xbd: {  	v37 =	vadd.s32 v7, v36;
	_ =	sdelay $0x3  }
0xbe: {  	[tilespmem:$0x24E0] =	vst v8  }
0xbf: {  	v8 =	vld.idx.msk [tilespmem:v37+s10+$0x0], $0xffff;
	_ =	sdelay $0x4  }
0xc0: {  	s30 =	sadd.s32 $0x10, s29;
	[tilespmem:$0x24F0] =	vst v8  }
0xc1: {  	[hbm4b:s30+s2] =	stream.linear.scatter [tilespmem:s18], [sflag:$0x5], $0x80, $0x38;
	[tilespmem:$0x2600] =	vst v63  }
0xc2: {  	_ =	swait.ge [sflag:s7], $0x80  }
0xc3: {  	[sflag:s7] =	ssyncset.done $0x0  }
0xc4: {  	[sflag:s7] =	ssyncadd.s32 $0xFFFFFF80  }
0xc5: {  	_ =	swait.ge [sflag:s19], $0x800  }
0xc6: {  	[sflag:s19] =	ssyncset.done $0x0  }
0xc7: {  	[sflag:s19] =	ssyncadd.s32 $0xFFFFF800  }
0xc8: {  	v8 =	vld [tilespmem:$0x300];
	_ =	sdelay $0x4  }
0xc9: {  	v8 =	vadd.s32 v0, v8  }
0xca: {  	v38 =	vld [tilespmem:$0x310];
	_ =	sdelay $0x3  }
0xcb: {  	v8 =	vld.idx.msk [tilespmem:v8+s12+$0x0], $0xffff  }
0xcc: {  	v9 =	vadd.s32 v1, v38  }
0xcd: {  	v39 =	vld [tilespmem:$0x320];
	_ =	sdelay $0x2  }
0xce: {  	[tilespmem:$0x2500] =	vst v8  }
0xcf: {  	v8 =	vld.idx.msk [tilespmem:v9+s12+$0x0], $0xffff  }
0xd0: {  	v40 =	vadd.s32 v2, v39  }
0xd1: {  	v41 =	vld [tilespmem:$0x330];
	_ =	sdelay $0x2  }
0xd2: {  	[tilespmem:$0x2510] =	vst v8  }
0xd3: {  	v8 =	vld.idx.msk [tilespmem:v40+s12+$0x0], $0xffff  }
0xd4: {  	v42 =	vadd.s32 v3, v41  }
0xd5: {  	v43 =	vld [tilespmem:$0x340];
	_ =	sdelay $0x2  }
0xd6: {  	[tilespmem:$0x2520] =	vst v8  }
0xd7: {  	v8 =	vld.idx.msk [tilespmem:v42+s12+$0x0], $0xffff  }
0xd8: {  	v44 =	vadd.s32 v4, v43  }
0xd9: {  	v45 =	vld [tilespmem:$0x350];
	_ =	sdelay $0x2  }
0xda: {  	[tilespmem:$0x2530] =	vst v8  }
0xdb: {  	v8 =	vld.idx.msk [tilespmem:v44+s12+$0x0], $0xffff  }
0xdc: {  	v46 =	vadd.s32 v5, v45  }
0xdd: {  	v47 =	vld [tilespmem:$0x360];
	_ =	sdelay $0x2  }
0xde: {  	[tilespmem:$0x2540] =	vst v8  }
0xdf: {  	v8 =	vld.idx.msk [tilespmem:v46+s12+$0x0], $0xffff  }
0xe0: {  	v48 =	vadd.s32 v6, v47  }
0xe1: {  	v49 =	vld [tilespmem:$0x370];
	_ =	sdelay $0x2  }
0xe2: {  	[tilespmem:$0x2550] =	vst v8  }
0xe3: {  	v8 =	vld.idx.msk [tilespmem:v48+s12+$0x0], $0xffff  }
0xe4: {  	v50 =	vadd.s32 v7, v49;
	_ =	sdelay $0x3  }
0xe5: {  	[tilespmem:$0x2560] =	vst v8  }
0xe6: {  	v8 =	vld.idx.msk [tilespmem:v50+s12+$0x0], $0xffff;
	_ =	sdelay $0x4  }
0xe7: {  	s31 =	sadd.s32 $0x20, s29;
	[tilespmem:$0x2570] =	vst v8  }
0xe8: {  	[hbm4b:s31+s2] =	stream.linear.scatter [tilespmem:s20], [sflag:$0x5], $0x80, $0x38;
	[tilespmem:$0x2600] =	vst v63  }
0xe9: {  	_ =	swait.ge [sflag:s7], $0x80  }
0xea: {  	[sflag:s7] =	ssyncset.done $0x0  }
0xeb: {  	[sflag:s7] =	ssyncadd.s32 $0xFFFFFF80  }
0xec: {  	_ =	swait.ge [sflag:s21], $0x800  }
0xed: {  	[sflag:s21] =	ssyncset.done $0x0  }
0xee: {  	[sflag:s21] =	ssyncadd.s32 $0xFFFFF800  }
0xef: {  	v8 =	vld [tilespmem:$0x380];
	_ =	sdelay $0x4  }
0xf0: {  	v8 =	vadd.s32 v0, v8  }
0xf1: {  	v51 =	vld [tilespmem:$0x390];
	_ =	sdelay $0x3  }
0xf2: {  	v8 =	vld.idx.msk [tilespmem:v8+s14+$0x0], $0xffff  }
0xf3: {  	v9 =	vadd.s32 v1, v51  }
0xf4: {  	v52 =	vld [tilespmem:$0x3A0];
	_ =	sdelay $0x2  }
0xf5: {  	[tilespmem:$0x2580] =	vst v8  }
0xf6: {  	v8 =	vld.idx.msk [tilespmem:v9+s14+$0x0], $0xffff  }
0xf7: {  	v53 =	vadd.s32 v2, v52  }
0xf8: {  	v54 =	vld [tilespmem:$0x3B0];
	_ =	sdelay $0x2  }
0xf9: {  	[tilespmem:$0x2590] =	vst v8  }
0xfa: {  	v8 =	vld.idx.msk [tilespmem:v53+s14+$0x0], $0xffff  }
0xfb: {  	v55 =	vadd.s32 v3, v54  }
0xfc: {  	v56 =	vld [tilespmem:$0x3C0];
	_ =	sdelay $0x2  }
0xfd: {  	[tilespmem:$0x25A0] =	vst v8  }
0xfe: {  	v8 =	vld.idx.msk [tilespmem:v55+s14+$0x0], $0xffff  }
0xff: {  	v57 =	vadd.s32 v4, v56  }
0x100: {  	v58 =	vld [tilespmem:$0x3D0];
	_ =	sdelay $0x2  }
0x101: {  	[tilespmem:$0x25B0] =	vst v8  }
0x102: {  	v8 =	vld.idx.msk [tilespmem:v57+s14+$0x0], $0xffff  }
0x103: {  	v59 =	vadd.s32 v5, v58  }
0x104: {  	v60 =	vld [tilespmem:$0x3E0];
	_ =	sdelay $0x2  }
0x105: {  	[tilespmem:$0x25C0] =	vst v8  }
0x106: {  	v8 =	vld.idx.msk [tilespmem:v59+s14+$0x0], $0xffff  }
0x107: {  	v61 =	vadd.s32 v6, v60  }
0x108: {  	v62 =	vld [tilespmem:$0x3F0];
	_ =	sdelay $0x2  }
0x109: {  	[tilespmem:$0x25D0] =	vst v8  }
0x10a: {  	v8 =	vld.idx.msk [tilespmem:v61+s14+$0x0], $0xffff  }
0x10b: {  	v63 =	vadd.s32 v7, v62;
	_ =	sdelay $0x3  }
0x10c: {  	[tilespmem:$0x25E0] =	vst v8  }
0x10d: {  	v8 =	vld.idx.msk [tilespmem:v63+s14+$0x0], $0xffff;
	_ =	sdelay $0x3  }
0x10e: {  	p0 =	sne.s32 s24, $0x640  }
.Ltmp0:
0x10f: {  	s25 =	sadd.s32 $0x30, s29;
	[tilespmem:$0x25F0] =	vst v8;
	(pc) =	sbr.rel @p0 .LBB2_2-.Ltmp0, $4  }
0x110: {  	[hbm4b:s25+s2] =	stream.linear.scatter [tilespmem:s22], [sflag:$0x5], $0x80, $0x38;
	[tilespmem:$0x2600] =	vst v63  }
0x111: {  	_ =	swait.ge [sflag:s7], $0x80  }
0x112: {  	[sflag:s7] =	ssyncset.done $0x0  }
0x113: {  	s24 =	sadd.s32 $0x40, s24;
	[sflag:s7] =	ssyncadd.s32 $0xFFFFFF80  }
0x114: {  	s23 =	sadd.s32 $0x1, s23  }
0x115: {  	p0 =	sne.s32 s23, s4  }
.Ltmp1:
0x116: {  	_ = 	snop;
	(pc) =	sbr.rel @p0 .LBB2_1-.Ltmp1, $1  }
0x117: {  	_ =	sdelay $0x3  }
0x118: {  	_ =	sfence.sel $0x180000  }
0x119: {  	[bflag:$0x0] =	sbarrier.arrive $0xFFFF  }
0x11a: {  	p0 =	sne.s32 s0, $0x0;
	_ =	strace $0x9000004A  }
0x11b: {  	s0 =	sadd.s32 @!p0 $0x100000, s1;
	[bflag:$0x2] =	sbarrier.arrive $0xFFFF  }
0x11c: {  	[sflag:s0] =	ssyncadd.tile.s32 @!p0 $0x1;
	_ =	shalt  }
.Lfunc_end2:
_tile_overlayer_lowered:
.L_overlay_start_2:
0x11d: {  	(tag) =	ssettag $0x2  }
0x11e: {  	s0 =	rddreg [dreg:$0x0];
	s2 =	stileid.u32  }
0x11f: {  	s1 =	rddreg [dreg:$0x1];
	p0 =	sne.s32 s2, $0x0  }
0x120: {  	s3 =	rddreg [dreg:$0x2];
	[bflag:$0x3] =	sbarrier.arrive $0xFFFF;
	s2 =	simm.s32 @!p0 $0x1C05  }
0x121: {  	[timem:s3], [sflag:s2] =	dma.local @!p0 [hbm:s0], s1  }
0x122: {  	s0 =	simm.s32 @!p0 $0x5  }
0x123: {  	_ =	swait.ge @!p0 [sflag:s0], s1  }
0x124: {  	s1 =	ssub.s32 @!p0 $0x0, s1;
	[sflag:s0] =	ssyncset.done @!p0 $0x0  }
0x125: {  	[sflag:s0] =	ssyncadd.s32 @!p0 s1  }
0x126: {  	[bflag:$0x3] =	sbarrier.arrive $0xFFFF  }
0x127: {  	_ =	shalt  }

// kernel: kernel.8.cloned.1.call-start
scs
__scs_entry_jumppad:
0x0: {  	(pc) =	sbr.rel $0x88, $3  }
0x1: {  	(tag) =	ssettag $0x0;
	lr =	simm.s32 $0x1  }
0x2: {  	[smem:$0x3F8F] =	sst lr;
	_ =	strace $0xD0000000  }
0x3: {  	_ = 	snop  }
0x4: {  	_ = 	snop  }
0x5: {  	_ = 	snop  }
0x6: {  	_ = 	snop  }
0x7: {  	_ = 	snop  }
__scs_overlays_trampoline_lowered:
0x8: {  	[smem:$0x3F9E] =	sst s0  }
0x9: {  	[smem:$0x3F9F] =	sst s1  }
0xa: {  	[smem:$0x3FA0] =	sst s2  }
0xb: {  	[smem:$0x3FA1] =	sst s3  }
0xc: {  	[smem:$0x3FA2] =	sst s4  }
0xd: {  	[smem:$0x3FA3] =	sst s5  }
0xe: {  	[smem:$0x3FA4] =	sst s6  }
0xf: {  	[smem:$0x3FA5] =	sst s7  }
0x10: {  	[smem:$0x3FA6] =	sst s8  }
0x11: {  	[smem:$0x3FA7] =	sst s9;
	s0 =	simm.s32 @!p0 $0x0  }
0x12: {  	s1 =	sld [smem:$0x3F8D];
	s0 =	simm.s32 @p0 $0x1  }
0x13: {  	[smem:$0x3FA8] =	sst s0;
	s0 =	simm.s32 @!p1 $0x0  }
0x14: {  	s2 =	sld [smem:$0x3F8C];
	s0 =	simm.s32 @p1 $0x1  }
0x15: {  	[smem:$0x3FA9] =	sst s0;
	s0 =	simm.s32 @!p2 $0x0  }
0x16: {  	s3 =	sld [smem:$0x3FDB];
	s0 =	simm.s32 @p2 $0x1  }
0x17: {  	s4 =	simm.s32 $0x1BF5;
	[smem:$0x3FAB] =	sst s0  }
0x18: {  	s0 =	sld [smem:$0x3F8E];
	_ =	swait.ge [sflag:s4], $0x0  }
0x19: {  	s7 =	sld [smem:$0x3F8F]  }
0x1a: {  	s8 =	sadd.s32 $0xFFFFE003, lr  }
0x1b: {  	s9 =	sadd.s32 $0xFFFFFEF7, lr;
	s5 =	simm.s32 $0xFFFFFFFF;
	p2 =	slt.u32 s8, $0xFFFFF086  }
0x1c: {  	p1 =	slt.u32 s9, $0xF7A;
	s5 =	simm.s32 @!p2 $0x0  }
0x1d: {  	s5 =	simm.s32 @p1 $0x1;
	p0 =	seq.s32 s7, s2  }
0x1e: {  	s7 =	smul.u32 @!p0 $0xF7A, s2;
	p2 =	seq.s32 @!p0 s5, $0x0  }
0x1f: {  	s9 =	smul.u32 $0xF7A, s1;
	s8 =	simm.s32 @!p0 $0x1BF5;
	p2 =	por !p2, p0  }
0x20: {  	[sflag:s8] =	ssyncset.s32 @!p0 $0xFFFFF086;
	s6 =	sadd.s32 @!p0 s3, s7;
	s7 =	simm.s32 @!p0 $0x108  }
0x21: {  	s3 =	sadd.s32 s3, s9;
	s6 =	sadd.s32 @!p0 $0x88, s6;
	s7 =	simm.s32 @p2 $0x1082  }
0x22: {  	[simem:s7], [sflag:s8] =	dma.local @!p0 [hbm:s6], $0xF7A  }
0x23: {  	s9 =	sor.u32 $0xD0000000, s2;
	s6 =	simm.s32 $0x108;
	_ =	swait.ge @!p0 [sflag:s8], $0x0  }
0x24: {  	s3 =	sadd.s32 $0x88, s3;
	s6 =	simm.s32 @!p1 $0x1082;
	[sflag:s4] =	ssyncset.s32 $0xFFFFF086  }
0x25: {  	[simem:s6], [sflag:s4] =	dma.local [hbm:s3], $0xF7A  }
0x26: {  	[smem:$0x3F8F] =	sst s1;
	(tag) =	ssettag s2;
	_ =	strace s9  }
0x27: {  	s1 =	sld [smem:$0x3F9F]  }
0x28: {  	s2 =	sld [smem:$0x3FA0]  }
0x29: {  	s4 =	sld [smem:$0x3FA2]  }
0x2a: {  	p0 =	seq.s32 s5, $0x0;
	s5 =	sld [smem:$0x3FA3]  }
0x2b: {  	s6 =	sld [smem:$0x3FA4]  }
0x2c: {  	s7 =	sld [smem:$0x3FA5]  }
0x2d: {  	s3 =	simm.s32 $0x108;
	s8 =	sld [smem:$0x3FA6]  }
0x2e: {  	s3 =	simm.s32 @!p0 $0x1082;
	s9 =	sld [smem:$0x3FA7]  }
0x2f: {  	lr =	sadd.s32 s0, s3;
	s0 =	sld [smem:$0x3F9E]  }
0x30: {  	s3 =	sld [smem:$0x3FA1]  }
0x31: {  	[smem:$0x3FAA] =	sst s10  }
0x32: {  	s10 =	sld [smem:$0x3FA8];
	_ =	sdelay $0x3  }
0x33: {  	p0 =	seq.s32 s10, $0x1;
	s10 =	sld [smem:$0x3FAA];
	_ =	sdelay $0x3  }
0x34: {  	[smem:$0x3FAA] =	sst s10  }
0x35: {  	s10 =	sld [smem:$0x3FA9];
	_ =	sdelay $0x3  }
0x36: {  	p1 =	seq.s32 s10, $0x1;
	s10 =	sld [smem:$0x3FAA];
	_ =	sdelay $0x3  }
0x37: {  	[smem:$0x3FAA] =	sst s10  }
0x38: {  	s10 =	sld [smem:$0x3FAB]  }
0x39: {  	_ = 	snop;
	(pc) =	sbr.ind lr, $3  }
0x3a: {  	_ = 	snop  }
0x3b: {  	_ = 	snop  }
0x3c: {  	p2 =	seq.s32 s10, $0x1;
	s10 =	sld [smem:$0x3FAA]  }
0x3d: {  	_ =	shalt  }
0x3e: {  	_ =	shalt  }
0x3f: {  	_ =	shalt  }
0x40: {  	_ =	shalt  }
0x41: {  	_ =	shalt  }
0x42: {  	_ =	shalt  }
0x43: {  	_ =	shalt  }
0x44: {  	_ =	shalt  }
0x45: {  	_ =	shalt  }
0x46: {  	_ =	shalt  }
0x47: {  	_ =	shalt  }
0x48: {  	_ =	shalt  }
0x49: {  	_ =	shalt  }
0x4a: {  	_ =	shalt  }
0x4b: {  	_ =	shalt  }
0x4c: {  	_ =	shalt  }
0x4d: {  	_ =	shalt  }
0x4e: {  	_ =	shalt  }
0x4f: {  	_ =	shalt  }
0x50: {  	_ =	shalt  }
0x51: {  	_ =	shalt  }
0x52: {  	_ =	shalt  }
0x53: {  	_ =	shalt  }
0x54: {  	_ =	shalt  }
0x55: {  	_ =	shalt  }
0x56: {  	_ =	shalt  }
0x57: {  	_ =	shalt  }
0x58: {  	_ =	shalt  }
0x59: {  	_ =	shalt  }
0x5a: {  	_ =	shalt  }
0x5b: {  	_ =	shalt  }
0x5c: {  	_ =	shalt  }
0x5d: {  	_ =	shalt  }
0x5e: {  	_ =	shalt  }
0x5f: {  	_ =	shalt  }
0x60: {  	_ =	shalt  }
0x61: {  	_ =	shalt  }
0x62: {  	_ =	shalt  }
0x63: {  	_ =	shalt  }
0x64: {  	_ =	shalt  }
0x65: {  	_ =	shalt  }
0x66: {  	_ =	shalt  }
0x67: {  	_ =	shalt  }
0x68: {  	_ =	shalt  }
0x69: {  	_ =	shalt  }
0x6a: {  	_ =	shalt  }
0x6b: {  	_ =	shalt  }
0x6c: {  	_ =	shalt  }
0x6d: {  	_ =	shalt  }
0x6e: {  	_ =	shalt  }
0x6f: {  	_ =	shalt  }
0x70: {  	_ =	shalt  }
0x71: {  	_ =	shalt  }
0x72: {  	_ =	shalt  }
0x73: {  	_ =	shalt  }
0x74: {  	_ =	shalt  }
0x75: {  	_ =	shalt  }
0x76: {  	_ =	shalt  }
0x77: {  	_ =	shalt  }
0x78: {  	_ =	shalt  }
0x79: {  	_ =	shalt  }
0x7a: {  	_ =	shalt  }
0x7b: {  	_ =	shalt  }
0x7c: {  	_ =	shalt  }
0x7d: {  	_ =	shalt  }
0x7e: {  	_ =	shalt  }
0x7f: {  	_ =	shalt  }
0x80: {  	_ =	shalt  }
0x81: {  	_ =	shalt  }
0x82: {  	_ =	shalt  }
0x83: {  	_ =	shalt  }
0x84: {  	_ =	shalt  }
0x85: {  	_ =	shalt  }
0x86: {  	_ =	shalt  }
0x87: {  	_ =	shalt  }
.Lfunc_end0:
.L_simem_size_0:
called_computation.1_lowered:
.L_overlay_start_0:
0x88: {  	s2 =	sld [smem:$0x3FD9]  }
0x89: {  	s3 =	sld [smem:$0x3FFE];
	_ =	sdelay $0x1  }
0x8a: {  	s1 =	srdreg.scid  }
0x8b: {  	s0 =	sand.u32 $0x1, s1  }
0x8c: {  	s16 =	sshll.u32 s0, $0xA;
	s2 =	sadd.s32 s3, s2  }
0x8d: {  	s2 =	sadd.s32 s2, s16  }
0x8e: {  	[smem:$0x3FB6] =	sst s2  }
0x8f: {  	_ = 	snop  }
0x90: {  	(tm) =	ssettm $0x1  }
0x91: {  	s17 =	sld [smem:$0x3FFB];
	_ =	sdelay $0x3  }
0x92: {  	_ =	strace s17  }
0x93: {  	s2 =	sld [smem:$0x3FFC];
	_ =	sdelay $0x3  }
0x94: {  	_ =	strace s2  }
0x95: {  	s2 =	sld [smem:$0x3FFD];
	_ =	sdelay $0x3  }
0x96: {  	_ =	strace s2  }
0x97: {  	_ =	strace $0x8FFFFFFF  }
0x98: {  	s18 =	sld [smem:$0x3FDB];
	_ =	sdelay $0x1  }
0x99: {  	s19 =	simm.s32 $_scs_section_size  }
0x9a: {  	s4 =	simm.s32 $_size__tile_overlayer_lowered;
	s5 =	simm.s32 $_tile_overlayer_lowered  }
0x9b: {  	s22 =	simm.s32 $0x1BFF;
	s21 =	sshll.u32 s5, $0x1;
	s2 =	sadd.s32 s19, s18  }
0x9c: {  	s6 =	simm.s32 $0x0;
	s20 =	sshll.u32 s4, $0x1;
	s4 =	sadd.s32 s21, s2  }
0x9d: {  	[timem:s6], [sflag:s22] =	dma.local [hbm:s4], s20  }
0x9e: {  	_ =	swait.ge [sflag:s22], s20  }
0x9f: {  	s3 =	ssub.s32 $0x0, s20;
	[sflag:s22] =	ssyncset.done $0x0  }
0xa0: {  	[sflag:s22] =	ssyncadd.s32 s3;
	_ =	sdelay $0x1  }
0xa1: {  	s23 =	simm.s32 $0x1B8B  }
0xa2: {  	_ =	swait.ge [sflag:s23], $0x1  }
0xa3: {  	[sflag:s23] =	ssyncset.done $0x0  }
0xa4: {  	s25 =	simm.s32 $0x1B8E;
	s24 =	sld [smem:$0x3FFE];
	[sflag:s23] =	ssyncadd.s32 $0xFFFFFFFF  }
0xa5: {  	s26 =	simm.s32 $execute0_lowered;
	[smem:$0x3FD2] =	sst s25  }
0xa6: {  	s4 =	sshll.u32 s26, $0x1;
	_ =	strace $0x80000046;
	[dreg:$0x1] =	wrdreg $0xFFFFFFFF  }
0xa7: {  	s28 =	simm.s32 $_size_execute0_lowered;
	s2 =	sadd.s32 s2, s4;
	[dreg:$0x0] =	wrdreg $0x0  }
0xa8: {  	s4 =	sshll.u32 s28, $0x1;
	[dreg:$0x2] =	wrdreg s2  }
0xa9: {  	[dreg:$0x3] =	wrdreg s4  }
0xaa: {  	[dreg:$0x4] =	wrdreg $0xC0  }
0xab: {  	_ =	task [dreg:s6], $0x5FFFF  }
0xac: {  	[dreg:$0x1] =	wrdreg $0xFFFFFFFF  }
0xad: {  	[dreg:$0x0] =	wrdreg $0x60  }
0xae: {  	[dreg:$0x2] =	wrdreg s24  }
0xaf: {  	[dreg:$0x3] =	wrdreg $0xA  }
0xb0: {  	_ =	task.clear_ibuf [dreg:s6], $0x4FFFF;
	_ =	strace $0x90000046  }
0xb1: {  	s29 =	simm.s32 $0xA;
	_ =	strace $0x80000048  }
0xb2: {  	_ =	swait.ge [sflag:s29], $0x1  }
0xb3: {  	[sflag:s29] =	ssyncadd.s32 $0xFFFFFFFF  }
0xb4: {  	_ =	strace $0x90000048  }
0xb5: {  	_ =	sfence  }
0xb6: {  	s30 =	sld [smem:$0x0];
	_ =	sdelay $0x2  }
0xb7: {  	s31 =	sshll.u32 s1, $0xD;
	s1 =	sshrl.u32 s1, $0x2  }
0xb8: {  	s3 =	sand.u32 $0x4000, s31;
	s1 =	sadd.s32 s1, s30  }
0xb9: {  	s0 =	sor.u32 s3, s0;
	s1 =	sshll.u32 s1, $0x11  }
0xba: {  	s0 =	sor.u32 s1, s0  }
0xbb: {  	s0 =	sadd.s32 $0x8F2B, s0  }
0xbc: {  	[sflag:s0] =	ssyncadd.remote.s32 $0x1  }
0xbd: {  	_ =	sfence.sel $0xFFFF  }
0xbe: {  	[dreg:$0x0] =	wrdreg $0xFFFFFFFF;
	(pc) =	sbr.abs _section_cstart, $3  }
0xbf: {  	[dreg:$0x1] =	wrdreg $0xFFFFFFFF  }
0xc0: {  	_ =	task.clear_ibuf [dreg:s6], $0x2FFFF;
	_ =	strace $0x9FFFFFFF  }
0xc1: {  	(tm) =	ssettm $0x7FFFFFFF  }
tec
execute0_lowered:
.L_overlay_start_1:
0x0: {  	(tag) =	ssettag $0x1  }
0x1: {  	s4 =	rddreg [dreg:$0x0]  }
0x2: {  	s2 =	simm.s32 $0x0;
	s1 =	stileid.u32;
	s3 =	srdreg.scid  }
0x3: {  	s14 =	simm.s32 $0x200;
	s15 =	simm.s32 $0x1200;
	s16 =	simm.s32 $0x100  }
0x4: {  	s17 =	simm.s32 $0x2200;
	s18 =	simm.s32 $0x180;
	s19 =	simm.s32 $0x3200  }
0x5: {  	s20 =	simm.s32 $0x1;
	s21 =	simm.s32 $0x2;
	s22 =	simm.s32 $0x3  }
0x6: {  	s23 =	simm.s32 $0x4;
	[smem:$0x7FF] =	sst s2;
	s5 =	smul.u32 $0x1A000, s1  }
0x7: {  	s11 =	sadd.s32 $0x2600, s4;
	s6 =	sand.u32 $0x1, s3;
	s7 =	smul.u32 $0x6800, s1  }
0x8: {  	s3 =	sadd.s32 $0x27BBA00, s4;
	s8 =	ssub.s32 $0x2, s6;
	s9 =	smul.u32 $0x3400, s6  }
0x9: {  	s10 =	sadd.s32 $0xF600, s4;
	s6 =	smul.u32 $0xD000, s6;
	s24 =	sshrl.u32 s8, $0x1  }
0xa: {  	_ =	strace $0x80000047;
	s5 =	sadd.s32 s5, s10;
	s4 =	ssub.s32 s8, s24  }
0xb: {  	s12 =	sadd.s32 s9, s7;
	s5 =	sadd.s32 s6, s5;
	s24 =	simm.s32 $0x0  }
0xc: {  	s4 =	smax.u32 s4, $0x1;
	s25 =	sor.u32 $0x180, s12;
	[dreg:$0x2] =	wrdreg s5  }
0xd: {  	s7 =	sor.u32 $0x100, s12;
	s13 =	sor.u32 $0x80, s12;
	s12 =	sshrl.u32 s12, $0x3  }
0xe: {  	s26 =	sshll.u32 s25, $0x2;
	s6 =	sshrl.u32 s25, $0x3;
	s28 =	sshll.u32 s7, $0x2  }
0xf: {  	s29 =	sshrl.u32 s7, $0x3;
	s30 =	sshll.u32 s13, $0x2;
	s31 =	sshrl.u32 s13, $0x3  }
0x10: {  	s13 =	simm.s32 $0x80;
	s5 =	sadd.s32 s26, s10;
	s6 =	sadd.s32 s6, s11  }
0x11: {  	s7 =	sadd.s32 s28, s10;
	s8 =	sadd.s32 s29, s11;
	s9 =	sadd.s32 s30, s10  }
0x12: {  	s10 =	sadd.s32 s31, s11;
	s11 =	sadd.s32 s12, s11;
	s12 =	simm.s32 $0x5  }
.LBB2_1:
0x13: {  	[tilespmem:s2], [sflag:$0x5] =	stream.linear.gather [hbm4b:s11+s2], $0x80, $0x38;
	[tilespmem:$0x4200] =	vst v63  }
0x14: {  	_ =	swait.ge [sflag:s12], $0x80  }
0x15: {  	[sflag:s12] =	ssyncset.done $0x0  }
0x16: {  	[sflag:s12] =	ssyncadd.s32 $0xFFFFFF80  }
0x17: {  	[tilespmem:s14], [sflag:$0x1] =	stream.indirect.gather [hbm4b:s3+s13], $0x20, s2, s13, $0xb8;
	[tilespmem:$0x4200] =	vst v63  }
0x18: {  	_ = 	snop  }
0x19: {  	[tilespmem:s13], [sflag:$0x5] =	stream.linear.gather [hbm4b:s10+s2], $0x80, $0x38;
	[tilespmem:$0x4200] =	vst v63  }
0x1a: {  	_ =	swait.ge [sflag:s12], $0x80  }
0x1b: {  	[sflag:s12] =	ssyncset.done $0x0  }
0x1c: {  	[sflag:s12] =	ssyncadd.s32 $0xFFFFFF80  }
0x1d: {  	[tilespmem:s15], [sflag:$0x2] =	stream.indirect.gather [hbm4b:s3+s13], $0x20, s13, s13, $0xb8;
	[tilespmem:$0x4200] =	vst v63  }
0x1e: {  	_ = 	snop  }
0x1f: {  	[tilespmem:s16], [sflag:$0x5] =	stream.linear.gather [hbm4b:s8+s2], $0x80, $0x38;
	[tilespmem:$0x4200] =	vst v63  }
0x20: {  	_ =	swait.ge [sflag:s12], $0x80  }
0x21: {  	[sflag:s12] =	ssyncset.done $0x0  }
0x22: {  	[sflag:s12] =	ssyncadd.s32 $0xFFFFFF80  }
0x23: {  	[tilespmem:s17], [sflag:$0x3] =	stream.indirect.gather [hbm4b:s3+s13], $0x20, s16, s13, $0xb8;
	[tilespmem:$0x4200] =	vst v63  }
0x24: {  	_ = 	snop  }
0x25: {  	[tilespmem:s18], [sflag:$0x5] =	stream.linear.gather [hbm4b:s6+s2], $0x80, $0x38;
	[tilespmem:$0x4200] =	vst v63  }
0x26: {  	_ =	swait.ge [sflag:s12], $0x80  }
0x27: {  	[sflag:s12] =	ssyncset.done $0x0  }
0x28: {  	[sflag:s12] =	ssyncadd.s32 $0xFFFFFF80  }
0x29: {  	[tilespmem:s19], [sflag:$0x4] =	stream.indirect.gather [hbm4b:s3+s13], $0x20, s18, s13, $0xb8;
	[tilespmem:$0x4200] =	vst v63  }
0x2a: {  	_ =	swait.ge [sflag:s20], $0x1000  }
0x2b: {  	s25 =	rddreg [dreg:$0x2];
	[sflag:s20] =	ssyncset.done $0x0  }
0x2c: {  	[sflag:s20] =	ssyncadd.s32 $0xFFFFF000;
	s25 =	sadd.s32 $0x0, s25  }
0x2d: {  	[hbm4b:s25+s2] =	stream.linear.scatter [tilespmem:s14], [sflag:$0x5], $0x1000, $0x38;
	[tilespmem:$0x4200] =	vst v63  }
0x2e: {  	_ =	swait.ge [sflag:s12], $0x1000  }
0x2f: {  	[sflag:s12] =	ssyncset.done $0x0  }
0x30: {  	[sflag:s12] =	ssyncadd.s32 $0xFFFFF000  }
0x31: {  	_ =	swait.ge [sflag:s21], $0x1000  }
0x32: {  	[sflag:s21] =	ssyncset.done $0x0  }
0x33: {  	s0 =	sadd.s32 $0x0, s9;
	[sflag:s21] =	ssyncadd.s32 $0xFFFFF000  }
0x34: {  	[hbm4b:s0+s2] =	stream.linear.scatter [tilespmem:s15], [sflag:$0x5], $0x1000, $0x38;
	[tilespmem:$0x4200] =	vst v63  }
0x35: {  	_ =	swait.ge [sflag:s12], $0x1000  }
0x36: {  	[sflag:s12] =	ssyncset.done $0x0  }
0x37: {  	[sflag:s12] =	ssyncadd.s32 $0xFFFFF000  }
0x38: {  	_ =	swait.ge [sflag:s22], $0x1000  }
0x39: {  	[sflag:s22] =	ssyncset.done $0x0  }
0x3a: {  	s26 =	sadd.s32 $0x0, s7;
	[sflag:s22] =	ssyncadd.s32 $0xFFFFF000  }
0x3b: {  	[hbm4b:s26+s2] =	stream.linear.scatter [tilespmem:s17], [sflag:$0x5], $0x1000, $0x38;
	[tilespmem:$0x4200] =	vst v63  }
0x3c: {  	_ =	swait.ge [sflag:s12], $0x1000  }
0x3d: {  	[sflag:s12] =	ssyncset.done $0x0  }
0x3e: {  	[sflag:s12] =	ssyncadd.s32 $0xFFFFF000  }
0x3f: {  	_ =	swait.ge [sflag:s23], $0x1000  }
0x40: {  	[sflag:s23] =	ssyncset.done $0x0  }
0x41: {  	s31 =	sadd.s32 $0x0, s5;
	s28 =	sadd.s32 $0x40, s11;
	[sflag:s23] =	ssyncadd.s32 $0xFFFFF000  }
0x42: {  	[hbm4b:s31+s2] =	stream.linear.scatter [tilespmem:s19], [sflag:$0x5], $0x1000, $0x38;
	[tilespmem:$0x4200] =	vst v63  }
0x43: {  	s29 =	smov.u32 s6;
	s30 =	smov.u32 s8;
	_ =	swait.ge [sflag:s12], $0x1000  }
0x44: {  	s25 =	simm.s32 $0x800;
	s26 =	sadd.s32 $0x40, s10;
	[sflag:s12] =	ssyncset.done $0x0  }
.LBB2_2:
0x45: {  	[sflag:s12] =	ssyncadd.s32 $0xFFFFF000  }
0x46: {  	[tilespmem:s2], [sflag:$0x5] =	stream.linear.gather [hbm4b:s28+s2], $0x80, $0x38;
	[tilespmem:$0x4200] =	vst v63  }
0x47: {  	_ =	swait.ge [sflag:s12], $0x80  }
0x48: {  	[sflag:s12] =	ssyncset.done $0x0  }
0x49: {  	[sflag:s12] =	ssyncadd.s32 $0xFFFFFF80  }
0x4a: {  	[tilespmem:s14], [sflag:$0x1] =	stream.indirect.gather [hbm4b:s3+s13], $0x20, s2, s13, $0xb8;
	[tilespmem:$0x4200] =	vst v63  }
0x4b: {  	_ = 	snop  }
0x4c: {  	[tilespmem:s13], [sflag:$0x5] =	stream.linear.gather [hbm4b:s26+s2], $0x80, $0x38;
	[tilespmem:$0x4200] =	vst v63  }
0x4d: {  	_ =	swait.ge [sflag:s12], $0x80  }
0x4e: {  	[sflag:s12] =	ssyncset.done $0x0  }
0x4f: {  	[sflag:s12] =	ssyncadd.s32 $0xFFFFFF80  }
0x50: {  	[tilespmem:s15], [sflag:$0x2] =	stream.indirect.gather [hbm4b:s3+s13], $0x20, s13, s13, $0xb8;
	[tilespmem:$0x4200] =	vst v63  }
0x51: {  	s30 =	sadd.s32 $0x40, s30  }
0x52: {  	[tilespmem:s16], [sflag:$0x5] =	stream.linear.gather [hbm4b:s30+s2], $0x80, $0x38;
	[tilespmem:$0x4200] =	vst v63  }
0x53: {  	_ =	swait.ge [sflag:s12], $0x80  }
0x54: {  	[sflag:s12] =	ssyncset.done $0x0  }
0x55: {  	[sflag:s12] =	ssyncadd.s32 $0xFFFFFF80  }
0x56: {  	[tilespmem:s17], [sflag:$0x3] =	stream.indirect.gather [hbm4b:s3+s13], $0x20, s16, s13, $0xb8;
	[tilespmem:$0x4200] =	vst v63  }
0x57: {  	s29 =	sadd.s32 $0x40, s29  }
0x58: {  	[tilespmem:s18], [sflag:$0x5] =	stream.linear.gather [hbm4b:s29+s2], $0x80, $0x38;
	[tilespmem:$0x4200] =	vst v63  }
0x59: {  	_ =	swait.ge [sflag:s12], $0x80  }
0x5a: {  	[sflag:s12] =	ssyncset.done $0x0  }
0x5b: {  	[sflag:s12] =	ssyncadd.s32 $0xFFFFFF80  }
0x5c: {  	[tilespmem:s19], [sflag:$0x4] =	stream.indirect.gather [hbm4b:s3+s13], $0x20, s18, s13, $0xb8;
	[tilespmem:$0x4200] =	vst v63  }
0x5d: {  	_ =	swait.ge [sflag:s20], $0x1000  }
0x5e: {  	s31 =	smov.u32 s25;
	s0 =	rddreg [dreg:$0x2];
	[sflag:s20] =	ssyncset.done $0x0  }
0x5f: {  	[sflag:s20] =	ssyncadd.s32 $0xFFFFF000;
	s0 =	sadd.s32 s31, s0  }
0x60: {  	[hbm4b:s0+s2] =	stream.linear.scatter [tilespmem:s14], [sflag:$0x5], $0x1000, $0x38;
	[tilespmem:$0x4200] =	vst v63  }
0x61: {  	_ =	swait.ge [sflag:s12], $0x1000  }
0x62: {  	[sflag:s12] =	ssyncset.done $0x0  }
0x63: {  	[sflag:s12] =	ssyncadd.s32 $0xFFFFF000  }
0x64: {  	_ =	swait.ge [sflag:s21], $0x1000  }
0x65: {  	[sflag:s21] =	ssyncset.done $0x0  }
0x66: {  	s0 =	sadd.s32 s31, s9;
	[sflag:s21] =	ssyncadd.s32 $0xFFFFF000  }
0x67: {  	[hbm4b:s0+s2] =	stream.linear.scatter [tilespmem:s15], [sflag:$0x5], $0x1000, $0x38;
	[tilespmem:$0x4200] =	vst v63  }
0x68: {  	_ =	swait.ge [sflag:s12], $0x1000  }
0x69: {  	[sflag:s12] =	ssyncset.done $0x0  }
0x6a: {  	[sflag:s12] =	ssyncadd.s32 $0xFFFFF000  }
0x6b: {  	_ =	swait.ge [sflag:s22], $0x1000  }
0x6c: {  	[sflag:s22] =	ssyncset.done $0x0  }
0x6d: {  	s0 =	sadd.s32 s31, s7;
	[sflag:s22] =	ssyncadd.s32 $0xFFFFF000  }
0x6e: {  	[hbm4b:s0+s2] =	stream.linear.scatter [tilespmem:s17], [sflag:$0x5], $0x1000, $0x38;
	[tilespmem:$0x4200] =	vst v63  }
0x6f: {  	_ =	swait.ge [sflag:s12], $0x1000  }
0x70: {  	[sflag:s12] =	ssyncset.done $0x0  }
0x71: {  	[sflag:s12] =	ssyncadd.s32 $0xFFFFF000  }
0x72: {  	p0 =	sne.s32 s25, $0xC800;
	_ =	swait.ge [sflag:s23], $0x1000  }
.Ltmp0:
0x73: {  	[sflag:s23] =	ssyncset.done $0x0;
	(pc) =	sbr.rel @p0 .LBB2_2-.Ltmp0, $4  }
0x74: {  	s31 =	sadd.s32 s31, s5;
	[sflag:s23] =	ssyncadd.s32 $0xFFFFF000  }
0x75: {  	[hbm4b:s31+s2] =	stream.linear.scatter [tilespmem:s19], [sflag:$0x5], $0x1000, $0x38;
	[tilespmem:$0x4200] =	vst v63  }
0x76: {  	s25 =	sadd.s32 $0x800, s25;
	_ =	swait.ge [sflag:s12], $0x1000  }
0x77: {  	s28 =	sadd.s32 $0x40, s28;
	s26 =	sadd.s32 $0x40, s26;
	[sflag:s12] =	ssyncset.done $0x0  }
0x78: {  	s24 =	sadd.s32 $0x1, s24  }
0x79: {  	p0 =	sne.s32 s24, s4  }
.Ltmp1:
0x7a: {  	_ = 	snop;
	(pc) =	sbr.rel @p0 .LBB2_1-.Ltmp1, $2  }
0x7b: {  	_ =	sdelay $0x2  }
0x7c: {  	[sflag:s12] =	ssyncadd.s32 $0xFFFFF000  }
0x7d: {  	_ =	sfence.sel $0x180000  }
0x7e: {  	[bflag:$0x0] =	sbarrier.arrive $0xFFFF  }
0x7f: {  	_ =	strace $0x90000047  }
0x80: {  	[bflag:$0x2] =	sbarrier.arrive $0xFFFF  }
0x81: {  	p0 =	sne.s32 s1, $0x0;
	s0 =	rddreg [dreg:$0x1]  }
0x82: {  	s0 =	sadd.s32 @!p0 $0x100000, s0  }
0x83: {  	[sflag:s0] =	ssyncadd.tile.s32 @!p0 $0x1;
	_ =	shalt  }
.Lfunc_end2:
_tile_overlayer_lowered:
.L_overlay_start_2:
0x84: {  	(tag) =	ssettag $0x2  }
0x85: {  	s0 =	rddreg [dreg:$0x0];
	s2 =	stileid.u32  }
0x86: {  	s1 =	rddreg [dreg:$0x1];
	p0 =	sne.s32 s2, $0x0  }
0x87: {  	s3 =	rddreg [dreg:$0x2];
	[bflag:$0x3] =	sbarrier.arrive $0xFFFF;
	s2 =	simm.s32 @!p0 $0x1C05  }
0x88: {  	[timem:s3], [sflag:s2] =	dma.local @!p0 [hbm:s0], s1  }
0x89: {  	s0 =	simm.s32 @!p0 $0x5  }
0x8a: {  	_ =	swait.ge @!p0 [sflag:s0], s1  }
0x8b: {  	s1 =	ssub.s32 @!p0 $0x0, s1;
	[sflag:s0] =	ssyncset.done @!p0 $0x0  }
0x8c: {  	[sflag:s0] =	ssyncadd.s32 @!p0 s1  }
0x8d: {  	[bflag:$0x3] =	sbarrier.arrive $0xFFFF  }
0x8e: {  	_ =	shalt  }

</sc_bundles>
